<compile_context>
chip_gen: v7x
topology: tpu7x:2x2x1
jax: 0.10.2.dev20260603
libtpu: 0.0.44.dev20260713+nightly
codegen_flags: <defaults>
</compile_context>

<pallas_src>
import functools
import jax
import jax.numpy as jnp
from jax import lax
from jax.experimental import pallas as pl
from jax.experimental.pallas import tpu as pltpu
from jax.experimental.pallas import tpu_sc as plsc

NC = 2
NS = 16
LANES = 16

EPW = 128


def _sc_aggregate(E_pad, N, DH, TPT, NROWS_SP, with_counts):
    NWIN = TPT // EPW
    ZROWS = NROWS_SP // NS
    WOUT = 640
    LAST = N - (NS - 1) * WOUT

    mesh = plsc.VectorSubcoreMesh(core_axis_name="c", subcore_axis_name="s")

    out_type = [
        jax.ShapeDtypeStruct((N, DH), jnp.float32),
        jax.ShapeDtypeStruct((N, DH), jnp.float32),
    ]
    if with_counts:
        out_type += [
            jax.ShapeDtypeStruct((NROWS_SP,), jnp.float32),
            jax.ShapeDtypeStruct((NROWS_SP,), jnp.float32),
        ]

    @functools.partial(
        pl.kernel,
        out_type=out_type,
        mesh=mesh,
        scratch_types=[
            pltpu.VMEM((3, 2, EPW), jnp.int32),
            pltpu.VMEM((3, EPW, DH), jnp.float32),
            pltpu.VMEM((EPW,), jnp.float32),
            pltpu.MemorySpace.VMEM_SHARED((NROWS_SP, DH), jnp.float32),
            pltpu.MemorySpace.VMEM_SHARED((NROWS_SP,), jnp.float32),
            pltpu.SemaphoreType.DMA((3,)),
            pltpu.SemaphoreType.DMA((3,)),
            pltpu.SemaphoreType.DMA((3,)),
            pltpu.SemaphoreType.DMA((3,)),
        ],
    )
    def agg(i_hbm, xh_hbm, z2d_hbm, z1d_hbm, *out_and_scratch):
        if with_counts:
            (sin_h, sout_h, cin, cout,
             ibuf, rows, ones, acc_sp, cnt_sp, si, sg, ss, sc) = out_and_scratch
        else:
            (sin_h, sout_h,
             ibuf, rows, ones, acc_sp, cnt_sp, si, sg, ss, sc) = out_and_scratch
        c = lax.axis_index("c")
        s = lax.axis_index("s")

        if with_counts:
            def fill_ones(i, _):
                ones[pl.ds(i * LANES, LANES)] = jnp.ones((LANES,), jnp.float32)
                return 0
            lax.fori_loop(0, EPW // LANES, fill_ones, 0)

        wbase = (c * NS + s) * NWIN

        pltpu.make_async_copy(i_hbm.at[wbase], ibuf.at[0], si.at[0]).start()

        pltpu.sync_copy(z2d_hbm, acc_sp.at[pl.ds(s * ZROWS, ZROWS), :])
        if with_counts:
            @pl.when(s == 0)
            def _():
                pltpu.sync_copy(z1d_hbm, cnt_sp)
        plsc.subcore_barrier()

        def g_start(slot):
            for h in range(2):
                pltpu.async_copy(
                    xh_hbm.at[ibuf.at[slot, 0, pl.ds(h * 64, 64)]],
                    rows.at[slot, pl.ds(h * 64, 64), :], sg.at[slot])

        def g_wait(slot):
            for h in range(2):
                pltpu.make_async_copy(
                    xh_hbm.at[ibuf.at[slot, 0, pl.ds(h * 64, 64)]],
                    rows.at[slot, pl.ds(h * 64, 64), :], sg.at[slot]).wait()

        pltpu.make_async_copy(i_hbm.at[wbase + 1], ibuf.at[1],
                              si.at[1]).start()
        pltpu.make_async_copy(i_hbm.at[wbase], ibuf.at[0],
                              si.at[0]).wait()
        g_start(0)

        def step(w, _):
            s0 = lax.rem(w, 3)
            s1 = lax.rem(w + 1, 3)
            s2 = lax.rem(w + 2, 3)

            @pl.when(w + 1 < NWIN)
            def _():
                pltpu.make_async_copy(i_hbm.at[wbase + w + 1], ibuf.at[s1],
                                      si.at[s1]).wait()
                g_start(s1)

            g_wait(s0)
            pltpu.async_copy(rows.at[s0], acc_sp.at[ibuf.at[s0, 1]],
                             ss.at[s0], add=True)
            if with_counts:
                pltpu.async_copy(ones, cnt_sp.at[ibuf.at[s0, 1]],
                                 sc.at[s0], add=True)

            @pl.when(w + 2 < NWIN)
            def _():
                @pl.when(w >= 1)
                def _():
                    pltpu.make_async_copy(rows.at[s2],
                                          acc_sp.at[ibuf.at[s2, 1]],
                                          ss.at[s2]).wait()
                    if with_counts:
                        pltpu.make_async_copy(ones,
                                              cnt_sp.at[ibuf.at[s2, 1]],
                                              sc.at[s2]).wait()
                pltpu.make_async_copy(i_hbm.at[wbase + w + 2], ibuf.at[s2],
                                      si.at[s2]).start()
            return 0
        lax.fori_loop(0, NWIN, step, 0, unroll=2)

        for wl in range(NWIN - 3, NWIN):
            pq = wl % 3
            pltpu.make_async_copy(rows.at[pq], acc_sp.at[ibuf.at[pq, 1]],
                                  ss.at[pq]).wait()
            if with_counts:
                pltpu.make_async_copy(ones, cnt_sp.at[ibuf.at[pq, 1]],
                                      sc.at[pq]).wait()
        plsc.subcore_barrier()

        for ci_, dst in ((0, sin_h), (1, sout_h)):
            @pl.when((c == ci_) & (s < NS - 1))
            def _(dst=dst):
                pltpu.sync_copy(acc_sp.at[pl.ds(s * WOUT, WOUT), :],
                                dst.at[pl.ds(s * WOUT, WOUT), :])

            @pl.when((c == ci_) & (s == NS - 1))
            def _(dst=dst):
                pltpu.sync_copy(acc_sp.at[pl.ds((NS - 1) * WOUT, LAST), :],
                                dst.at[pl.ds((NS - 1) * WOUT, LAST), :])

        if with_counts:
            @pl.when((c == 0) & (s == 0))
            def _():
                pltpu.sync_copy(cnt_sp, cin)

            @pl.when((c == 1) & (s == 0))
            def _():
                pltpu.sync_copy(cnt_sp, cout)

    return agg


def _merge_body(ws_ref, wi_ref, wo_ref, wc_ref, bs_ref, bi_ref, bo_ref, bc_ref,
                w1_ref, w2_ref, w3_ref, bb_ref, bbi_ref, bbo_ref):
    D = ws_ref.shape[0]
    wc1 = wc_ref[0:D, :]
    wc2 = wc_ref[D:2 * D, :]
    wc3 = wc_ref[2 * D:3 * D, :]
    w1_ref[...] = jnp.dot(ws_ref[...], wc1, preferred_element_type=jnp.float32)
    w2_ref[...] = jnp.dot(wi_ref[...], wc2, preferred_element_type=jnp.float32)
    w3_ref[...] = jnp.dot(wo_ref[...], wc3, preferred_element_type=jnp.float32)
    bb_ref[...] = jnp.dot(bs_ref[...], wc1, preferred_element_type=jnp.float32) + bc_ref[...]
    bbi_ref[...] = jnp.dot(bi_ref[...], wc2, preferred_element_type=jnp.float32)
    bbo_ref[...] = jnp.dot(bo_ref[...], wc3, preferred_element_type=jnp.float32)


def _ep1_body(x_ref, sin_ref, sout_ref, cin_ref, cout_ref,
              w1_ref, w2_ref, w3_ref, bb_ref, bbi_ref, bbo_ref, out_ref):
    DH = sin_ref.shape[-1]
    ci = cin_ref[...]
    co = cout_ref[...]
    inv_i = 1.0 / jnp.maximum(ci, 1.0)
    inv_o = 1.0 / jnp.maximum(co, 1.0)
    acc = jnp.dot(x_ref[...], w1_ref[...], preferred_element_type=jnp.float32)
    acc += jnp.dot(sin_ref[...] * inv_i, w2_ref[0:DH, :],
                   preferred_element_type=jnp.float32)
    acc += jnp.dot(sout_ref[...] * inv_o, w3_ref[0:DH, :],
                   preferred_element_type=jnp.float32)
    acc += bb_ref[...]
    acc += jnp.where(ci > 0.0, 1.0, 0.0) * bbi_ref[...]
    acc += jnp.where(co > 0.0, 1.0, 0.0) * bbo_ref[...]
    out_ref[...] = acc


def _ep2_body(acc_ref, sin_ref, sout_ref, cin_ref, cout_ref,
              w2_ref, w3_ref, out_ref):
    DH = sin_ref.shape[-1]
    inv_i = 1.0 / jnp.maximum(cin_ref[...], 1.0)
    inv_o = 1.0 / jnp.maximum(cout_ref[...], 1.0)
    acc = acc_ref[...]
    acc += jnp.dot(sin_ref[...] * inv_i, w2_ref[DH:2 * DH, :],
                   preferred_element_type=jnp.float32)
    acc += jnp.dot(sout_ref[...] * inv_o, w3_ref[DH:2 * DH, :],
                   preferred_element_type=jnp.float32)
    out_ref[...] = jnp.maximum(acc, 0.0)


def kernel(x, senders, receivers, W_self, b_self, W_in, b_in, W_out, b_out,
           W_comb, b_comb):
    N, D = x.shape
    E = senders.shape[0]
    DH = D // 2

    TPT = -(-E // NS // EPW) * EPW
    E_pad = NS * TPT
    PAD = E_pad - E
    NROWS_SP = -(-(N + 1) // NS) * NS

    g_pad = jnp.arange(PAD, dtype=jnp.int32) % N
    s_pad = jnp.full((PAD,), N, dtype=jnp.int32)
    g_flat = jnp.concatenate([senders, g_pad, receivers, g_pad])
    s_flat = jnp.concatenate([receivers, s_pad, senders, s_pad])
    i_all = jnp.stack([g_flat.reshape(-1, EPW), s_flat.reshape(-1, EPW)],
                      axis=1)
    x0 = x[:, :DH]
    x1 = x[:, DH:]
    z2d = jnp.zeros((NROWS_SP // NS, DH), jnp.float32)
    z1d = jnp.zeros((NROWS_SP,), jnp.float32)

    agg0 = _sc_aggregate(E_pad, N, DH, TPT, NROWS_SP, True)
    agg1 = _sc_aggregate(E_pad, N, DH, TPT, NROWS_SP, False)
    sin0, sout0, cin_pad, cout_pad = agg0(i_all, x0, z2d, z1d)
    sin1, sout1 = agg1(i_all, x1, z2d, z1d)
    cin = cin_pad[:N].reshape(N, 1)
    cout = cout_pad[:N].reshape(N, 1)

    w1, w2, w3, bb, bbi, bbo = pl.pallas_call(
        _merge_body,
        out_shape=[
            jax.ShapeDtypeStruct((D, D), jnp.float32),
            jax.ShapeDtypeStruct((D, D), jnp.float32),
            jax.ShapeDtypeStruct((D, D), jnp.float32),
            jax.ShapeDtypeStruct((1, D), jnp.float32),
            jax.ShapeDtypeStruct((1, D), jnp.float32),
            jax.ShapeDtypeStruct((1, D), jnp.float32),
        ],
    )(W_self, W_in, W_out, W_comb,
      b_self.reshape(1, D), b_in.reshape(1, D), b_out.reshape(1, D),
      b_comb.reshape(1, D))

    BM = 2000
    grid = N // BM
    full = lambda i: (0, 0)
    row = lambda i: (i, 0)
    acc = pl.pallas_call(
        _ep1_body,
        grid=(grid,),
        in_specs=[
            pl.BlockSpec((BM, D), row),
            pl.BlockSpec((BM, DH), row),
            pl.BlockSpec((BM, DH), row),
            pl.BlockSpec((BM, 1), row),
            pl.BlockSpec((BM, 1), row),
            pl.BlockSpec((D, D), full),
            pl.BlockSpec((D, D), full),
            pl.BlockSpec((D, D), full),
            pl.BlockSpec((1, D), full),
            pl.BlockSpec((1, D), full),
            pl.BlockSpec((1, D), full),
        ],
        out_specs=pl.BlockSpec((BM, D), row),
        out_shape=jax.ShapeDtypeStruct((N, D), jnp.float32),
    )(x, sin0, sout0, cin, cout, w1, w2, w3, bb, bbi, bbo)

    out = pl.pallas_call(
        _ep2_body,
        grid=(grid,),
        in_specs=[
            pl.BlockSpec((BM, D), row),
            pl.BlockSpec((BM, DH), row),
            pl.BlockSpec((BM, DH), row),
            pl.BlockSpec((BM, 1), row),
            pl.BlockSpec((BM, 1), row),
            pl.BlockSpec((D, D), full),
            pl.BlockSpec((D, D), full),
        ],
        out_specs=pl.BlockSpec((BM, D), row),
        out_shape=jax.ShapeDtypeStruct((N, D), jnp.float32),
    )(acc, sin1, sout1, cin, cout, w2, w3)
    return out

# --- scband reference (transcript-rebuilt; emitter-appended) ---
"""Pipeline reference for scband-gnnlayer-33423435497965 (READ-ONLY COPY).

The authoritative reference and input builder live on the scoring server;
editing this copy changes nothing except your own understanding.
"""

import jax, jax.numpy as jnp
import numpy as np

N = 10000
E = 160000
D = 256


def setup_inputs(seed: int = 0) -> dict:
    key = jax.random.key(seed)
    ks = jax.random.split(key, 8)
    x = jax.random.normal(ks[0], (N, D), dtype=jnp.float32)
    senders = jax.random.randint(ks[1], (E,), 0, N, dtype=jnp.int32)
    receivers = jax.random.randint(ks[2], (E,), 0, N, dtype=jnp.int32)
    s = 1.0 / np.sqrt(D)
    sc = 1.0 / np.sqrt(3 * D)
    W_self = jax.random.normal(ks[3], (D, D), dtype=jnp.float32) * s
    W_in = jax.random.normal(ks[4], (D, D), dtype=jnp.float32) * s
    W_out = jax.random.normal(ks[5], (D, D), dtype=jnp.float32) * s
    W_comb = jax.random.normal(ks[6], (3 * D, D), dtype=jnp.float32) * sc
    b_self = jnp.zeros((D,), dtype=jnp.float32)
    b_in = jnp.zeros((D,), dtype=jnp.float32)
    b_out = jnp.zeros((D,), dtype=jnp.float32)
    b_comb = jnp.zeros((D,), dtype=jnp.float32)
    return {"x": x, "senders": senders, "receivers": receivers,
            "W_self": W_self, "b_self": b_self,
            "W_in": W_in, "b_in": b_in,
            "W_out": W_out, "b_out": b_out,
            "W_comb": W_comb, "b_comb": b_comb}


def _mean_aggregate(messages, targets, n_nodes):
    counts = jnp.zeros((n_nodes,), dtype=messages.dtype).at[targets].add(1.0)
    agg = jnp.zeros((n_nodes, messages.shape[-1]), dtype=messages.dtype).at[targets].add(messages)
    safe = jnp.where(counts > 0, counts, 1.0)
    return agg / safe[:, None]


def reference(x, senders, receivers, W_self, b_self, W_in, b_in, W_out, b_out, W_comb, b_comb):
    n_nodes = x.shape[0]
    self_out = x @ W_self + b_self
    in_msgs = x[senders] @ W_in + b_in
    in_agg = _mean_aggregate(in_msgs, receivers, n_nodes)
    out_msgs = x[receivers] @ W_out + b_out
    out_agg = _mean_aggregate(out_msgs, senders, n_nodes)
    combined = jnp.concatenate([self_out, in_agg, out_agg], axis=-1)
    return jax.nn.relu(combined @ W_comb + b_comb)

if __name__ == "__main__":
    import jax
    _d = setup_inputs()
    print(jax.jit(kernel)(*tuple(_d.values())))

</pallas_src>

<mosaic_0001>
#map = affine_map<(d0, d1) -> (0, 0, 0)>
#map1 = affine_map<(d0, d1) -> (0, 0)>
#map2 = affine_map<(d0, d1) -> (0)>
module attributes {stable_mosaic.version = 14 : i64} {
  func.func @agg(%arg0: i32, %arg1: i32, %arg2: memref<2528x2x128xi32, #tpu.memory_space<hbm>>, %arg3: memref<10000x128xf32, #tpu.memory_space<hbm>>, %arg4: memref<626x128xf32, #tpu.memory_space<hbm>>, %arg5: memref<10016xf32, #tpu.memory_space<hbm>>, %arg6: memref<10000x128xf32, #tpu.memory_space<hbm>>, %arg7: memref<10000x128xf32, #tpu.memory_space<hbm>>, %arg8: memref<3x2x128xi32, #tpu.memory_space<vmem>>, %arg9: memref<3x128x128xf32, #tpu.memory_space<vmem>>, %arg10: memref<128xf32, #tpu.memory_space<vmem>>, %arg11: memref<10016x128xf32, #tpu.memory_space<vmem_shared>>, %arg12: memref<10016xf32, #tpu.memory_space<vmem_shared>>, %arg13: memref<3x!tpu.dma_semaphore, #tpu.memory_space<semaphore_mem>>, %arg14: memref<3x!tpu.dma_semaphore, #tpu.memory_space<semaphore_mem>>, %arg15: memref<3x!tpu.dma_semaphore, #tpu.memory_space<semaphore_mem>>, %arg16: memref<3x!tpu.dma_semaphore, #tpu.memory_space<semaphore_mem>>) attributes {dimension_semantics = [#tpu.dimension_semantics<core_parallel>, #tpu.dimension_semantics<subcore_parallel>], iteration_bounds = array<i64: 2, 16>, scalar_prefetch = 0 : i64, scratch_operands = 9 : i64, tpu.core_type = #tpu.core_type<sc_vector_subcore>, window_params = [{transform_indices = #map}, {transform_indices = #map1}, {transform_indices = #map1}, {transform_indices = #map2}, {transform_indices = #map1}, {transform_indices = #map1}]} {
    %mul3A = arith.constant 16 : i32
    %mul3A_0 = arith.muli %arg0, %mul3A : i32
    %add3A = arith.addi %mul3A_0, %arg1 : i32
    %mul3A_1 = arith.constant 79 : i32
    %mul3A_2 = arith.muli %add3A, %mul3A_1 : i32
    %dma_start3A = arith.constant 0 : i32
    %dma_start3A_3 = arith.constant 0 : i32
    %dma_start3A_4 = arith.constant 0 : i32
    %dma_start3A_5 = arith.constant 0 : i32
    %dma_start3A_6 = tpu.memref_slice %arg8[%dma_start3A, %dma_start3A_4, %dma_start3A_5] : memref<3x2x128xi32, #tpu.memory_space<vmem>> -> memref<1x2x128xi32, #tpu.memory_space<vmem>>
    %dma_start3A_7 = tpu.memref_squeeze %dma_start3A_6 : memref<1x2x128xi32, #tpu.memory_space<vmem>> -> memref<2x128xi32, #tpu.memory_space<vmem>>
    %dma_start3A_8 = arith.constant 0 : i32
    %dma_start3A_9 = arith.constant 0 : i32
    %dma_start3A_10 = tpu.memref_slice %arg2[%mul3A_2, %dma_start3A_8, %dma_start3A_9] : memref<2528x2x128xi32, #tpu.memory_space<hbm>> -> memref<1x2x128xi32, #tpu.memory_space<hbm>>
    %dma_start3A_11 = tpu.memref_squeeze %dma_start3A_10 : memref<1x2x128xi32, #tpu.memory_space<hbm>> -> memref<2x128xi32, #tpu.memory_space<hbm>>
    %dma_start3A_12 = tpu.memref_slice %arg13[%dma_start3A_3] : memref<3x!tpu.dma_semaphore, #tpu.memory_space<semaphore_mem>> -> memref<1x!tpu.dma_semaphore, #tpu.memory_space<semaphore_mem>>
    %dma_start3A_13 = tpu.memref_squeeze %dma_start3A_12 : memref<1x!tpu.dma_semaphore, #tpu.memory_space<semaphore_mem>> -> memref<!tpu.dma_semaphore, #tpu.memory_space<semaphore_mem>>
    %dma_start3A_14 = arith.constant 0 : i32
    %dma_start3A_15 = arith.constant 0 : i32
    %dma_start3A_16 = tpu.memref_slice %arg8[%dma_start3A, %dma_start3A_14, %dma_start3A_15] : memref<3x2x128xi32, #tpu.memory_space<vmem>> -> memref<1x2x128xi32, #tpu.memory_space<vmem>>
    %dma_start3A_17 = tpu.memref_squeeze %dma_start3A_16 : memref<1x2x128xi32, #tpu.memory_space<vmem>> -> memref<2x128xi32, #tpu.memory_space<vmem>>
    %dma_start3A_18 = arith.constant 0 : i32
    %dma_start3A_19 = arith.constant 0 : i32
    %dma_start3A_20 = tpu.memref_slice %arg2[%mul3A_2, %dma_start3A_18, %dma_start3A_19] : memref<2528x2x128xi32, #tpu.memory_space<hbm>> -> memref<1x2x128xi32, #tpu.memory_space<hbm>>
    %dma_start3A_21 = tpu.memref_squeeze %dma_start3A_20 : memref<1x2x128xi32, #tpu.memory_space<hbm>> -> memref<2x128xi32, #tpu.memory_space<hbm>>
    tpu.enqueue_dma source(%dma_start3A_21 : memref<2x128xi32, #tpu.memory_space<hbm>>) target(%dma_start3A_17 : memref<2x128xi32, #tpu.memory_space<vmem>>) target_semaphore(%dma_start3A_13 : memref<!tpu.dma_semaphore, #tpu.memory_space<semaphore_mem>>)
    %mul3A_22 = arith.constant 626 : i32
    %mul3A_23 = arith.muli %arg1, %mul3A_22 : i32
    "tpu.region"() ({
      %run_scoped3A = tpu.sem_alloc : memref<!tpu.dma_semaphore, #tpu.memory_space<semaphore_mem>>
      %dma_start3A_244 = arith.constant 0 : i32
      %dma_start3A_245 = tpu.memref_slice %arg11[%mul3A_23, %dma_start3A_244] : memref<10016x128xf32, #tpu.memory_space<vmem_shared>> -> memref<626x128xf32, #tpu.memory_space<vmem_shared>>
      tpu.enqueue_dma source(%arg4 : memref<626x128xf32, #tpu.memory_space<hbm>>) target(%dma_start3A_245 : memref<626x128xf32, #tpu.memory_space<vmem_shared>>) target_semaphore(%run_scoped3A : memref<!tpu.dma_semaphore, #tpu.memory_space<semaphore_mem>>)
      %dma_wait3A_246 = arith.constant 0 : i32
      %dma_wait3A_247 = tpu.memref_slice %arg11[%mul3A_23, %dma_wait3A_246] : memref<10016x128xf32, #tpu.memory_space<vmem_shared>> -> memref<626x128xf32, #tpu.memory_space<vmem_shared>>
      tpu.wait_dma2 semaphore(%run_scoped3A : memref<!tpu.dma_semaphore, #tpu.memory_space<semaphore_mem>>) src(%arg4 : memref<626x128xf32, #tpu.memory_space<hbm>>) dst(%dma_wait3A_247 : memref<626x128xf32, #tpu.memory_space<vmem_shared>>)
      tpu.yield
    }) : () -> ()
    %barrier3A = arith.constant 0 : index
    tpu.barrier barrier_id(%barrier3A)
    %add3A_24 = arith.constant 1 : i32
    %add3A_25 = arith.addi %mul3A_2, %add3A_24 : i32
    %dma_start3A_26 = arith.constant 1 : i32
    %dma_start3A_27 = arith.constant 1 : i32
    %dma_start3A_28 = arith.constant 0 : i32
    %dma_start3A_29 = arith.constant 0 : i32
    %dma_start3A_30 = tpu.memref_slice %arg8[%dma_start3A_26, %dma_start3A_28, %dma_start3A_29] : memref<3x2x128xi32, #tpu.memory_space<vmem>> -> memref<1x2x128xi32, #tpu.memory_space<vmem>>
    %dma_start3A_31 = tpu.memref_squeeze %dma_start3A_30 : memref<1x2x128xi32, #tpu.memory_space<vmem>> -> memref<2x128xi32, #tpu.memory_space<vmem>>
    %dma_start3A_32 = arith.constant 0 : i32
    %dma_start3A_33 = arith.constant 0 : i32
    %dma_start3A_34 = tpu.memref_slice %arg2[%add3A_25, %dma_start3A_32, %dma_start3A_33] : memref<2528x2x128xi32, #tpu.memory_space<hbm>> -> memref<1x2x128xi32, #tpu.memory_space<hbm>>
    %dma_start3A_35 = tpu.memref_squeeze %dma_start3A_34 : memref<1x2x128xi32, #tpu.memory_space<hbm>> -> memref<2x128xi32, #tpu.memory_space<hbm>>
    %dma_start3A_36 = tpu.memref_slice %arg13[%dma_start3A_27] : memref<3x!tpu.dma_semaphore, #tpu.memory_space<semaphore_mem>> -> memref<1x!tpu.dma_semaphore, #tpu.memory_space<semaphore_mem>>
    %dma_start3A_37 = tpu.memref_squeeze %dma_start3A_36 : memref<1x!tpu.dma_semaphore, #tpu.memory_space<semaphore_mem>> -> memref<!tpu.dma_semaphore, #tpu.memory_space<semaphore_mem>>
    %dma_start3A_38 = arith.constant 0 : i32
    %dma_start3A_39 = arith.constant 0 : i32
    %dma_start3A_40 = tpu.memref_slice %arg8[%dma_start3A_26, %dma_start3A_38, %dma_start3A_39] : memref<3x2x128xi32, #tpu.memory_space<vmem>> -> memref<1x2x128xi32, #tpu.memory_space<vmem>>
    %dma_start3A_41 = tpu.memref_squeeze %dma_start3A_40 : memref<1x2x128xi32, #tpu.memory_space<vmem>> -> memref<2x128xi32, #tpu.memory_space<vmem>>
    %dma_start3A_42 = arith.constant 0 : i32
    %dma_start3A_43 = arith.constant 0 : i32
    %dma_start3A_44 = tpu.memref_slice %arg2[%add3A_25, %dma_start3A_42, %dma_start3A_43] : memref<2528x2x128xi32, #tpu.memory_space<hbm>> -> memref<1x2x128xi32, #tpu.memory_space<hbm>>
    %dma_start3A_45 = tpu.memref_squeeze %dma_start3A_44 : memref<1x2x128xi32, #tpu.memory_space<hbm>> -> memref<2x128xi32, #tpu.memory_space<hbm>>
    tpu.enqueue_dma source(%dma_start3A_45 : memref<2x128xi32, #tpu.memory_space<hbm>>) target(%dma_start3A_41 : memref<2x128xi32, #tpu.memory_space<vmem>>) target_semaphore(%dma_start3A_37 : memref<!tpu.dma_semaphore, #tpu.memory_space<semaphore_mem>>)
    %dma_wait3A = arith.constant 0 : i32
    %dma_wait3A_46 = arith.constant 0 : i32
    %dma_wait3A_47 = arith.constant 0 : i32
    %dma_wait3A_48 = arith.constant 0 : i32
    %dma_wait3A_49 = tpu.memref_slice %arg8[%dma_wait3A, %dma_wait3A_47, %dma_wait3A_48] : memref<3x2x128xi32, #tpu.memory_space<vmem>> -> memref<1x2x128xi32, #tpu.memory_space<vmem>>
    %dma_wait3A_50 = tpu.memref_squeeze %dma_wait3A_49 : memref<1x2x128xi32, #tpu.memory_space<vmem>> -> memref<2x128xi32, #tpu.memory_space<vmem>>
    %dma_wait3A_51 = arith.constant 0 : i32
    %dma_wait3A_52 = arith.constant 0 : i32
    %dma_wait3A_53 = tpu.memref_slice %arg2[%mul3A_2, %dma_wait3A_51, %dma_wait3A_52] : memref<2528x2x128xi32, #tpu.memory_space<hbm>> -> memref<1x2x128xi32, #tpu.memory_space<hbm>>
    %dma_wait3A_54 = tpu.memref_squeeze %dma_wait3A_53 : memref<1x2x128xi32, #tpu.memory_space<hbm>> -> memref<2x128xi32, #tpu.memory_space<hbm>>
    %dma_wait3A_55 = tpu.memref_slice %arg13[%dma_wait3A_46] : memref<3x!tpu.dma_semaphore, #tpu.memory_space<semaphore_mem>> -> memref<1x!tpu.dma_semaphore, #tpu.memory_space<semaphore_mem>>
    %dma_wait3A_56 = tpu.memref_squeeze %dma_wait3A_55 : memref<1x!tpu.dma_semaphore, #tpu.memory_space<semaphore_mem>> -> memref<!tpu.dma_semaphore, #tpu.memory_space<semaphore_mem>>
    %dma_wait3A_57 = arith.constant 0 : i32
    %dma_wait3A_58 = arith.constant 0 : i32
    %dma_wait3A_59 = tpu.memref_slice %arg8[%dma_wait3A, %dma_wait3A_57, %dma_wait3A_58] : memref<3x2x128xi32, #tpu.memory_space<vmem>> -> memref<1x2x128xi32, #tpu.memory_space<vmem>>
    %dma_wait3A_60 = tpu.memref_squeeze %dma_wait3A_59 : memref<1x2x128xi32, #tpu.memory_space<vmem>> -> memref<2x128xi32, #tpu.memory_space<vmem>>
    %dma_wait3A_61 = arith.constant 0 : i32
    %dma_wait3A_62 = arith.constant 0 : i32
    %dma_wait3A_63 = tpu.memref_slice %arg2[%mul3A_2, %dma_wait3A_61, %dma_wait3A_62] : memref<2528x2x128xi32, #tpu.memory_space<hbm>> -> memref<1x2x128xi32, #tpu.memory_space<hbm>>
    %dma_wait3A_64 = tpu.memref_squeeze %dma_wait3A_63 : memref<1x2x128xi32, #tpu.memory_space<hbm>> -> memref<2x128xi32, #tpu.memory_space<hbm>>
    tpu.wait_dma2 semaphore(%dma_wait3A_56 : memref<!tpu.dma_semaphore, #tpu.memory_space<semaphore_mem>>) src(%dma_wait3A_64 : memref<2x128xi32, #tpu.memory_space<hbm>>) dst(%dma_wait3A_60 : memref<2x128xi32, #tpu.memory_space<vmem>>)
    %dma_start3A_65 = arith.constant 0 : i32
    %dma_start3A_66 = arith.constant 0 : i32
    %dma_start3A_67 = arith.constant 0 : i32
    %dma_start3A_68 = arith.constant 0 : i32
    %dma_start3A_69 = arith.constant 0 : i32
    %dma_start3A_70 = arith.constant 0 : i32
    %dma_start3A_71 = tpu.memref_slice %arg9[%dma_start3A_67, %dma_start3A_69, %dma_start3A_70] : memref<3x128x128xf32, #tpu.memory_space<vmem>> -> memref<1x64x128xf32, #tpu.memory_space<vmem>>
    %dma_start3A_72 = tpu.memref_squeeze %dma_start3A_71 : memref<1x64x128xf32, #tpu.memory_space<vmem>> -> memref<64x128xf32, #tpu.memory_space<vmem>>
    %dma_start3A_73 = arith.constant 0 : i32
    %dma_start3A_74 = tpu.memref_slice %arg8[%dma_start3A_65, %dma_start3A_66, %dma_start3A_73] : memref<3x2x128xi32, #tpu.memory_space<vmem>> -> memref<1x1x64xi32, #tpu.memory_space<vmem>>
    %dma_start3A_75 = tpu.memref_squeeze %dma_start3A_74 : memref<1x1x64xi32, #tpu.memory_space<vmem>> -> memref<64xi32, #tpu.memory_space<vmem>>
    %dma_start3A_76 = arith.constant 0 : i32
    %dma_start3A_77 = arith.constant 0 : i32
    %dma_start3A_78 = tpu.memref_slice %arg3[%dma_start3A_76, %dma_start3A_77] : memref<10000x128xf32, #tpu.memory_space<hbm>> -> memref<10000x128xf32, #tpu.memory_space<hbm>>
    %dma_start3A_79 = tpu.memref_slice %arg14[%dma_start3A_68] : memref<3x!tpu.dma_semaphore, #tpu.memory_space<semaphore_mem>> -> memref<1x!tpu.dma_semaphore, #tpu.memory_space<semaphore_mem>>
    %dma_start3A_80 = tpu.memref_squeeze %dma_start3A_79 : memref<1x!tpu.dma_semaphore, #tpu.memory_space<semaphore_mem>> -> memref<!tpu.dma_semaphore, #tpu.memory_space<semaphore_mem>>
    tpu.enqueue_indirect_dma source(%dma_start3A_78 : memref<10000x128xf32, #tpu.memory_space<hbm>>) target(%dma_start3A_72 : memref<64x128xf32, #tpu.memory_space<vmem>>) offsets(%dma_start3A_75 : memref<64xi32, #tpu.memory_space<vmem>>) semaphore(%dma_start3A_80 : memref<!tpu.dma_semaphore, #tpu.memory_space<semaphore_mem>>)
    %dma_start3A_81 = arith.constant 0 : i32
    %dma_start3A_82 = arith.constant 0 : i32
    %dma_start3A_83 = arith.constant 0 : i32
    %dma_start3A_84 = arith.constant 0 : i32
    %dma_start3A_85 = arith.constant 64 : i32
    %dma_start3A_86 = arith.constant 0 : i32
    %dma_start3A_87 = tpu.memref_slice %arg9[%dma_start3A_83, %dma_start3A_85, %dma_start3A_86] : memref<3x128x128xf32, #tpu.memory_space<vmem>> -> memref<1x64x128xf32, #tpu.memory_space<vmem>>
    %dma_start3A_88 = tpu.memref_squeeze %dma_start3A_87 : memref<1x64x128xf32, #tpu.memory_space<vmem>> -> memref<64x128xf32, #tpu.memory_space<vmem>>
    %dma_start3A_89 = arith.constant 64 : i32
    %dma_start3A_90 = tpu.memref_slice %arg8[%dma_start3A_81, %dma_start3A_82, %dma_start3A_89] : memref<3x2x128xi32, #tpu.memory_space<vmem>> -> memref<1x1x64xi32, #tpu.memory_space<vmem>>
    %dma_start3A_91 = tpu.memref_squeeze %dma_start3A_90 : memref<1x1x64xi32, #tpu.memory_space<vmem>> -> memref<64xi32, #tpu.memory_space<vmem>>
    %dma_start3A_92 = arith.constant 0 : i32
    %dma_start3A_93 = arith.constant 0 : i32
    %dma_start3A_94 = tpu.memref_slice %arg3[%dma_start3A_92, %dma_start3A_93] : memref<10000x128xf32, #tpu.memory_space<hbm>> -> memref<10000x128xf32, #tpu.memory_space<hbm>>
    %dma_start3A_95 = tpu.memref_slice %arg14[%dma_start3A_84] : memref<3x!tpu.dma_semaphore, #tpu.memory_space<semaphore_mem>> -> memref<1x!tpu.dma_semaphore, #tpu.memory_space<semaphore_mem>>
    %dma_start3A_96 = tpu.memref_squeeze %dma_start3A_95 : memref<1x!tpu.dma_semaphore, #tpu.memory_space<semaphore_mem>> -> memref<!tpu.dma_semaphore, #tpu.memory_space<semaphore_mem>>
    tpu.enqueue_indirect_dma source(%dma_start3A_94 : memref<10000x128xf32, #tpu.memory_space<hbm>>) target(%dma_start3A_88 : memref<64x128xf32, #tpu.memory_space<vmem>>) offsets(%dma_start3A_91 : memref<64xi32, #tpu.memory_space<vmem>>) semaphore(%dma_start3A_96 : memref<!tpu.dma_semaphore, #tpu.memory_space<semaphore_mem>>)
    %scan3A = arith.constant 0 : i32
    %scan3A_97 = arith.constant 0 : i32
    %scan3A_98 = arith.constant 78 : i32
    %scan3A_99 = arith.addi %scan3A_97, %scan3A_98 : i32
    %scan3A_100 = arith.constant 2 : i32
    %scan3A_101 = scf.for %scan3A_244 = %scan3A_97 to %scan3A_99 step %scan3A_100 iter_args(%scan3A_245 = %scan3A) -> (i32)  : i32 {
      %rem3A_246 = arith.constant 3 : i32
      %rem3A_247 = arith.remsi %scan3A_244, %rem3A_246 : i32
      %add3A_248 = arith.constant 1 : i32
      %add3A_249 = arith.addi %scan3A_244, %add3A_248 : i32
      %rem3A_250 = arith.constant 3 : i32
      %rem3A_251 = arith.remsi %add3A_249, %rem3A_250 : i32
      %add3A_252 = arith.constant 2 : i32
      %add3A_253 = arith.addi %scan3A_244, %add3A_252 : i32
      %rem3A_254 = arith.constant 3 : i32
      %rem3A_255 = arith.remsi %add3A_253, %rem3A_254 : i32
      %add3A_256 = arith.constant 1 : i32
      %add3A_257 = arith.addi %scan3A_244, %add3A_256 : i32
      %lt3A_258 = arith.constant 79 : i32
      %lt3A_259 = arith.cmpi slt, %add3A_257, %lt3A_258 : i32
      %convert_element_type3A_260 = arith.extui %lt3A_259 : i1 to i32
      %cond3A_261 = arith.constant 0 : i32
      %cond3A_262 = arith.cmpi ne, %convert_element_type3A_260, %cond3A_261 : i32
      scf.if %cond3A_262 {
        %add3A_376 = arith.addi %mul3A_2, %scan3A_244 : i32
        %add3A_377 = arith.constant 1 : i32
        %add3A_378 = arith.addi %add3A_376, %add3A_377 : i32
        %dma_wait3A_379 = arith.constant 0 : i32
        %dma_wait3A_380 = arith.constant 0 : i32
        %dma_wait3A_381 = tpu.memref_slice %arg8[%rem3A_251, %dma_wait3A_379, %dma_wait3A_380] : memref<3x2x128xi32, #tpu.memory_space<vmem>> -> memref<1x2x128xi32, #tpu.memory_space<vmem>>
        %dma_wait3A_382 = tpu.memref_squeeze %dma_wait3A_381 : memref<1x2x128xi32, #tpu.memory_space<vmem>> -> memref<2x128xi32, #tpu.memory_space<vmem>>
        %dma_wait3A_383 = arith.constant 0 : i32
        %dma_wait3A_384 = arith.constant 0 : i32
        %dma_wait3A_385 = tpu.memref_slice %arg2[%add3A_378, %dma_wait3A_383, %dma_wait3A_384] : memref<2528x2x128xi32, #tpu.memory_space<hbm>> -> memref<1x2x128xi32, #tpu.memory_space<hbm>>
        %dma_wait3A_386 = tpu.memref_squeeze %dma_wait3A_385 : memref<1x2x128xi32, #tpu.memory_space<hbm>> -> memref<2x128xi32, #tpu.memory_space<hbm>>
        %dma_wait3A_387 = tpu.memref_slice %arg13[%rem3A_251] : memref<3x!tpu.dma_semaphore, #tpu.memory_space<semaphore_mem>> -> memref<1x!tpu.dma_semaphore, #tpu.memory_space<semaphore_mem>>
        %dma_wait3A_388 = tpu.memref_squeeze %dma_wait3A_387 : memref<1x!tpu.dma_semaphore, #tpu.memory_space<semaphore_mem>> -> memref<!tpu.dma_semaphore, #tpu.memory_space<semaphore_mem>>
        %dma_wait3A_389 = arith.constant 0 : i32
        %dma_wait3A_390 = arith.constant 0 : i32
        %dma_wait3A_391 = tpu.memref_slice %arg8[%rem3A_251, %dma_wait3A_389, %dma_wait3A_390] : memref<3x2x128xi32, #tpu.memory_space<vmem>> -> memref<1x2x128xi32, #tpu.memory_space<vmem>>
        %dma_wait3A_392 = tpu.memref_squeeze %dma_wait3A_391 : memref<1x2x128xi32, #tpu.memory_space<vmem>> -> memref<2x128xi32, #tpu.memory_space<vmem>>
        %dma_wait3A_393 = arith.constant 0 : i32
        %dma_wait3A_394 = arith.constant 0 : i32
        %dma_wait3A_395 = tpu.memref_slice %arg2[%add3A_378, %dma_wait3A_393, %dma_wait3A_394] : memref<2528x2x128xi32, #tpu.memory_space<hbm>> -> memref<1x2x128xi32, #tpu.memory_space<hbm>>
        %dma_wait3A_396 = tpu.memref_squeeze %dma_wait3A_395 : memref<1x2x128xi32, #tpu.memory_space<hbm>> -> memref<2x128xi32, #tpu.memory_space<hbm>>
        tpu.wait_dma2 semaphore(%dma_wait3A_388 : memref<!tpu.dma_semaphore, #tpu.memory_space<semaphore_mem>>) src(%dma_wait3A_396 : memref<2x128xi32, #tpu.memory_space<hbm>>) dst(%dma_wait3A_392 : memref<2x128xi32, #tpu.memory_space<vmem>>)
        %dma_start3A_397 = arith.constant 0 : i32
        %dma_start3A_398 = arith.constant 0 : i32
        %dma_start3A_399 = arith.constant 0 : i32
        %dma_start3A_400 = tpu.memref_slice %arg9[%rem3A_251, %dma_start3A_398, %dma_start3A_399] : memref<3x128x128xf32, #tpu.memory_space<vmem>> -> memref<1x64x128xf32, #tpu.memory_space<vmem>>
        %dma_start3A_401 = tpu.memref_squeeze %dma_start3A_400 : memref<1x64x128xf32, #tpu.memory_space<vmem>> -> memref<64x128xf32, #tpu.memory_space<vmem>>
        %dma_start3A_402 = arith.constant 0 : i32
        %dma_start3A_403 = tpu.memref_slice %arg8[%rem3A_251, %dma_start3A_397, %dma_start3A_402] : memref<3x2x128xi32, #tpu.memory_space<vmem>> -> memref<1x1x64xi32, #tpu.memory_space<vmem>>
        %dma_start3A_404 = tpu.memref_squeeze %dma_start3A_403 : memref<1x1x64xi32, #tpu.memory_space<vmem>> -> memref<64xi32, #tpu.memory_space<vmem>>
        %dma_start3A_405 = arith.constant 0 : i32
        %dma_start3A_406 = arith.constant 0 : i32
        %dma_start3A_407 = tpu.memref_slice %arg3[%dma_start3A_405, %dma_start3A_406] : memref<10000x128xf32, #tpu.memory_space<hbm>> -> memref<10000x128xf32, #tpu.memory_space<hbm>>
        %dma_start3A_408 = tpu.memref_slice %arg14[%rem3A_251] : memref<3x!tpu.dma_semaphore, #tpu.memory_space<semaphore_mem>> -> memref<1x!tpu.dma_semaphore, #tpu.memory_space<semaphore_mem>>
        %dma_start3A_409 = tpu.memref_squeeze %dma_start3A_408 : memref<1x!tpu.dma_semaphore, #tpu.memory_space<semaphore_mem>> -> memref<!tpu.dma_semaphore, #tpu.memory_space<semaphore_mem>>
        tpu.enqueue_indirect_dma source(%dma_start3A_407 : memref<10000x128xf32, #tpu.memory_space<hbm>>) target(%dma_start3A_401 : memref<64x128xf32, #tpu.memory_space<vmem>>) offsets(%dma_start3A_404 : memref<64xi32, #tpu.memory_space<vmem>>) semaphore(%dma_start3A_409 : memref<!tpu.dma_semaphore, #tpu.memory_space<semaphore_mem>>)
        %dma_start3A_410 = arith.constant 0 : i32
        %dma_start3A_411 = arith.constant 64 : i32
        %dma_start3A_412 = arith.constant 0 : i32
        %dma_start3A_413 = tpu.memref_slice %arg9[%rem3A_251, %dma_start3A_411, %dma_start3A_412] : memref<3x128x128xf32, #tpu.memory_space<vmem>> -> memref<1x64x128xf32, #tpu.memory_space<vmem>>
        %dma_start3A_414 = tpu.memref_squeeze %dma_start3A_413 : memref<1x64x128xf32, #tpu.memory_space<vmem>> -> memref<64x128xf32, #tpu.memory_space<vmem>>
        %dma_start3A_415 = arith.constant 64 : i32
        %dma_start3A_416 = tpu.memref_slice %arg8[%rem3A_251, %dma_start3A_410, %dma_start3A_415] : memref<3x2x128xi32, #tpu.memory_space<vmem>> -> memref<1x1x64xi32, #tpu.memory_space<vmem>>
        %dma_start3A_417 = tpu.memref_squeeze %dma_start3A_416 : memref<1x1x64xi32, #tpu.memory_space<vmem>> -> memref<64xi32, #tpu.memory_space<vmem>>
        %dma_start3A_418 = arith.constant 0 : i32
        %dma_start3A_419 = arith.constant 0 : i32
        %dma_start3A_420 = tpu.memref_slice %arg3[%dma_start3A_418, %dma_start3A_419] : memref<10000x128xf32, #tpu.memory_space<hbm>> -> memref<10000x128xf32, #tpu.memory_space<hbm>>
        %dma_start3A_421 = tpu.memref_slice %arg14[%rem3A_251] : memref<3x!tpu.dma_semaphore, #tpu.memory_space<semaphore_mem>> -> memref<1x!tpu.dma_semaphore, #tpu.memory_space<semaphore_mem>>
        %dma_start3A_422 = tpu.memref_squeeze %dma_start3A_421 : memref<1x!tpu.dma_semaphore, #tpu.memory_space<semaphore_mem>> -> memref<!tpu.dma_semaphore, #tpu.memory_space<semaphore_mem>>
        tpu.enqueue_indirect_dma source(%dma_start3A_420 : memref<10000x128xf32, #tpu.memory_space<hbm>>) target(%dma_start3A_414 : memref<64x128xf32, #tpu.memory_space<vmem>>) offsets(%dma_start3A_417 : memref<64xi32, #tpu.memory_space<vmem>>) semaphore(%dma_start3A_422 : memref<!tpu.dma_semaphore, #tpu.memory_space<semaphore_mem>>)
      } else {
      }
      %dma_wait3A_263 = arith.constant 0 : i32
      %dma_wait3A_264 = arith.constant 0 : i32
      %dma_wait3A_265 = arith.constant 0 : i32
      %dma_wait3A_266 = tpu.memref_slice %arg9[%rem3A_247, %dma_wait3A_264, %dma_wait3A_265] : memref<3x128x128xf32, #tpu.memory_space<vmem>> -> memref<1x64x128xf32, #tpu.memory_space<vmem>>
      %dma_wait3A_267 = tpu.memref_squeeze %dma_wait3A_266 : memref<1x64x128xf32, #tpu.memory_space<vmem>> -> memref<64x128xf32, #tpu.memory_space<vmem>>
      %dma_wait3A_268 = arith.constant 0 : i32
      %dma_wait3A_269 = tpu.memref_slice %arg8[%rem3A_247, %dma_wait3A_263, %dma_wait3A_268] : memref<3x2x128xi32, #tpu.memory_space<vmem>> -> memref<1x1x64xi32, #tpu.memory_space<vmem>>
      %dma_wait3A_270 = tpu.memref_squeeze %dma_wait3A_269 : memref<1x1x64xi32, #tpu.memory_space<vmem>> -> memref<64xi32, #tpu.memory_space<vmem>>
      %dma_wait3A_271 = arith.constant 0 : i32
      %dma_wait3A_272 = arith.constant 0 : i32
      %dma_wait3A_273 = tpu.memref_slice %arg3[%dma_wait3A_271, %dma_wait3A_272] : memref<10000x128xf32, #tpu.memory_space<hbm>> -> memref<10000x128xf32, #tpu.memory_space<hbm>>
      %dma_wait3A_274 = tpu.memref_slice %arg14[%rem3A_247] : memref<3x!tpu.dma_semaphore, #tpu.memory_space<semaphore_mem>> -> memref<1x!tpu.dma_semaphore, #tpu.memory_space<semaphore_mem>>
      %dma_wait3A_275 = tpu.memref_squeeze %dma_wait3A_274 : memref<1x!tpu.dma_semaphore, #tpu.memory_space<semaphore_mem>> -> memref<!tpu.dma_semaphore, #tpu.memory_space<semaphore_mem>>
      tpu.wait_indirect_dma semaphore(%dma_wait3A_275 : memref<!tpu.dma_semaphore, #tpu.memory_space<semaphore_mem>>) src(%dma_wait3A_273 : memref<10000x128xf32, #tpu.memory_space<hbm>>) dst(%dma_wait3A_267 : memref<64x128xf32, #tpu.memory_space<vmem>>)
      %dma_wait3A_276 = arith.constant 0 : i32
      %dma_wait3A_277 = arith.constant 64 : i32
      %dma_wait3A_278 = arith.constant 0 : i32
      %dma_wait3A_279 = tpu.memref_slice %arg9[%rem3A_247, %dma_wait3A_277, %dma_wait3A_278] : memref<3x128x128xf32, #tpu.memory_space<vmem>> -> memref<1x64x128xf32, #tpu.memory_space<vmem>>
      %dma_wait3A_280 = tpu.memref_squeeze %dma_wait3A_279 : memref<1x64x128xf32, #tpu.memory_space<vmem>> -> memref<64x128xf32, #tpu.memory_space<vmem>>
      %dma_wait3A_281 = arith.constant 64 : i32
      %dma_wait3A_282 = tpu.memref_slice %arg8[%rem3A_247, %dma_wait3A_276, %dma_wait3A_281] : memref<3x2x128xi32, #tpu.memory_space<vmem>> -> memref<1x1x64xi32, #tpu.memory_space<vmem>>
      %dma_wait3A_283 = tpu.memref_squeeze %dma_wait3A_282 : memref<1x1x64xi32, #tpu.memory_space<vmem>> -> memref<64xi32, #tpu.memory_space<vmem>>
      %dma_wait3A_284 = arith.constant 0 : i32
      %dma_wait3A_285 = arith.constant 0 : i32
      %dma_wait3A_286 = tpu.memref_slice %arg3[%dma_wait3A_284, %dma_wait3A_285] : memref<10000x128xf32, #tpu.memory_space<hbm>> -> memref<10000x128xf32, #tpu.memory_space<hbm>>
      %dma_wait3A_287 = tpu.memref_slice %arg14[%rem3A_247] : memref<3x!tpu.dma_semaphore, #tpu.memory_space<semaphore_mem>> -> memref<1x!tpu.dma_semaphore, #tpu.memory_space<semaphore_mem>>
      %dma_wait3A_288 = tpu.memref_squeeze %dma_wait3A_287 : memref<1x!tpu.dma_semaphore, #tpu.memory_space<semaphore_mem>> -> memref<!tpu.dma_semaphore, #tpu.memory_space<semaphore_mem>>
      tpu.wait_indirect_dma semaphore(%dma_wait3A_288 : memref<!tpu.dma_semaphore, #tpu.memory_space<semaphore_mem>>) src(%dma_wait3A_286 : memref<10000x128xf32, #tpu.memory_space<hbm>>) dst(%dma_wait3A_280 : memref<64x128xf32, #tpu.memory_space<vmem>>)
      %dma_start3A_289 = arith.constant 1 : i32
      %dma_start3A_290 = arith.constant 0 : i32
      %dma_start3A_291 = arith.constant 0 : i32
      %dma_start3A_292 = tpu.memref_slice %arg9[%rem3A_247, %dma_start3A_290, %dma_start3A_291] : memref<3x128x128xf32, #tpu.memory_space<vmem>> -> memref<1x128x128xf32, #tpu.memory_space<vmem>>
      %dma_start3A_293 = tpu.memref_squeeze %dma_start3A_292 : memref<1x128x128xf32, #tpu.memory_space<vmem>> -> memref<128x128xf32, #tpu.memory_space<vmem>>
      %dma_start3A_294 = arith.constant 0 : i32
      %dma_start3A_295 = tpu.memref_slice %arg8[%rem3A_247, %dma_start3A_289, %dma_start3A_294] : memref<3x2x128xi32, #tpu.memory_space<vmem>> -> memref<1x1x128xi32, #tpu.memory_space<vmem>>
      %dma_start3A_296 = tpu.memref_squeeze %dma_start3A_295 : memref<1x1x128xi32, #tpu.memory_space<vmem>> -> memref<128xi32, #tpu.memory_space<vmem>>
      %dma_start3A_297 = arith.constant 0 : i32
      %dma_start3A_298 = arith.constant 0 : i32
      %dma_start3A_299 = tpu.memref_slice %arg11[%dma_start3A_297, %dma_start3A_298] : memref<10016x128xf32, #tpu.memory_space<vmem_shared>> -> memref<10016x128xf32, #tpu.memory_space<vmem_shared>>
      %dma_start3A_300 = tpu.memref_slice %arg15[%rem3A_247] : memref<3x!tpu.dma_semaphore, #tpu.memory_space<semaphore_mem>> -> memref<1x!tpu.dma_semaphore, #tpu.memory_space<semaphore_mem>>
      %dma_start3A_301 = tpu.memref_squeeze %dma_start3A_300 : memref<1x!tpu.dma_semaphore, #tpu.memory_space<semaphore_mem>> -> memref<!tpu.dma_semaphore, #tpu.memory_space<semaphore_mem>>
      tpu.enqueue_indirect_dma source(%dma_start3A_293 : memref<128x128xf32, #tpu.memory_space<vmem>>) target(%dma_start3A_299 : memref<10016x128xf32, #tpu.memory_space<vmem_shared>>) offsets(%dma_start3A_296 : memref<128xi32, #tpu.memory_space<vmem>>) semaphore(%dma_start3A_301 : memref<!tpu.dma_semaphore, #tpu.memory_space<semaphore_mem>>) {add = true}
      %add3A_302 = arith.constant 2 : i32
      %add3A_303 = arith.addi %scan3A_244, %add3A_302 : i32
      %lt3A_304 = arith.constant 79 : i32
      %lt3A_305 = arith.cmpi slt, %add3A_303, %lt3A_304 : i32
      %convert_element_type3A_306 = arith.extui %lt3A_305 : i1 to i32
      %cond3A_307 = arith.constant 0 : i32
      %cond3A_308 = arith.cmpi ne, %convert_element_type3A_306, %cond3A_307 : i32
      scf.if %cond3A_308 {
        %ge3A = arith.constant 1 : i32
        %ge3A_376 = arith.cmpi sge, %scan3A_244, %ge3A : i32
        %convert_element_type3A_377 = arith.extui %ge3A_376 : i1 to i32
        %cond3A_378 = arith.constant 0 : i32
        %cond3A_379 = arith.cmpi ne, %convert_element_type3A_377, %cond3A_378 : i32
        scf.if %cond3A_379 {
          %dma_wait3A_401 = arith.constant 1 : i32
          %dma_wait3A_402 = arith.constant 0 : i32
          %dma_wait3A_403 = arith.constant 0 : i32
          %dma_wait3A_404 = tpu.memref_slice %arg9[%rem3A_255, %dma_wait3A_402, %dma_wait3A_403] : memref<3x128x128xf32, #tpu.memory_space<vmem>> -> memref<1x128x128xf32, #tpu.memory_space<vmem>>
          %dma_wait3A_405 = tpu.memref_squeeze %dma_wait3A_404 : memref<1x128x128xf32, #tpu.memory_space<vmem>> -> memref<128x128xf32, #tpu.memory_space<vmem>>
          %dma_wait3A_406 = arith.constant 0 : i32
          %dma_wait3A_407 = tpu.memref_slice %arg8[%rem3A_255, %dma_wait3A_401, %dma_wait3A_406] : memref<3x2x128xi32, #tpu.memory_space<vmem>> -> memref<1x1x128xi32, #tpu.memory_space<vmem>>
          %dma_wait3A_408 = tpu.memref_squeeze %dma_wait3A_407 : memref<1x1x128xi32, #tpu.memory_space<vmem>> -> memref<128xi32, #tpu.memory_space<vmem>>
          %dma_wait3A_409 = arith.constant 0 : i32
          %dma_wait3A_410 = arith.constant 0 : i32
          %dma_wait3A_411 = tpu.memref_slice %arg11[%dma_wait3A_409, %dma_wait3A_410] : memref<10016x128xf32, #tpu.memory_space<vmem_shared>> -> memref<10016x128xf32, #tpu.memory_space<vmem_shared>>
          %dma_wait3A_412 = tpu.memref_slice %arg15[%rem3A_255] : memref<3x!tpu.dma_semaphore, #tpu.memory_space<semaphore_mem>> -> memref<1x!tpu.dma_semaphore, #tpu.memory_space<semaphore_mem>>
          %dma_wait3A_413 = tpu.memref_squeeze %dma_wait3A_412 : memref<1x!tpu.dma_semaphore, #tpu.memory_space<semaphore_mem>> -> memref<!tpu.dma_semaphore, #tpu.memory_space<semaphore_mem>>
          tpu.wait_indirect_dma semaphore(%dma_wait3A_413 : memref<!tpu.dma_semaphore, #tpu.memory_space<semaphore_mem>>) src(%dma_wait3A_405 : memref<128x128xf32, #tpu.memory_space<vmem>>) dst(%dma_wait3A_411 : memref<10016x128xf32, #tpu.memory_space<vmem_shared>>)
        } else {
        }
        %add3A_380 = arith.addi %mul3A_2, %scan3A_244 : i32
        %add3A_381 = arith.constant 2 : i32
        %add3A_382 = arith.addi %add3A_380, %add3A_381 : i32
        %dma_start3A_383 = arith.constant 0 : i32
        %dma_start3A_384 = arith.constant 0 : i32
        %dma_start3A_385 = tpu.memref_slice %arg8[%rem3A_255, %dma_start3A_383, %dma_start3A_384] : memref<3x2x128xi32, #tpu.memory_space<vmem>> -> memref<1x2x128xi32, #tpu.memory_space<vmem>>
        %dma_start3A_386 = tpu.memref_squeeze %dma_start3A_385 : memref<1x2x128xi32, #tpu.memory_space<vmem>> -> memref<2x128xi32, #tpu.memory_space<vmem>>
        %dma_start3A_387 = arith.constant 0 : i32
        %dma_start3A_388 = arith.constant 0 : i32
        %dma_start3A_389 = tpu.memref_slice %arg2[%add3A_382, %dma_start3A_387, %dma_start3A_388] : memref<2528x2x128xi32, #tpu.memory_space<hbm>> -> memref<1x2x128xi32, #tpu.memory_space<hbm>>
        %dma_start3A_390 = tpu.memref_squeeze %dma_start3A_389 : memref<1x2x128xi32, #tpu.memory_space<hbm>> -> memref<2x128xi32, #tpu.memory_space<hbm>>
        %dma_start3A_391 = tpu.memref_slice %arg13[%rem3A_255] : memref<3x!tpu.dma_semaphore, #tpu.memory_space<semaphore_mem>> -> memref<1x!tpu.dma_semaphore, #tpu.memory_space<semaphore_mem>>
        %dma_start3A_392 = tpu.memref_squeeze %dma_start3A_391 : memref<1x!tpu.dma_semaphore, #tpu.memory_space<semaphore_mem>> -> memref<!tpu.dma_semaphore, #tpu.memory_space<semaphore_mem>>
        %dma_start3A_393 = arith.constant 0 : i32
        %dma_start3A_394 = arith.constant 0 : i32
        %dma_start3A_395 = tpu.memref_slice %arg8[%rem3A_255, %dma_start3A_393, %dma_start3A_394] : memref<3x2x128xi32, #tpu.memory_space<vmem>> -> memref<1x2x128xi32, #tpu.memory_space<vmem>>
        %dma_start3A_396 = tpu.memref_squeeze %dma_start3A_395 : memref<1x2x128xi32, #tpu.memory_space<vmem>> -> memref<2x128xi32, #tpu.memory_space<vmem>>
        %dma_start3A_397 = arith.constant 0 : i32
        %dma_start3A_398 = arith.constant 0 : i32
        %dma_start3A_399 = tpu.memref_slice %arg2[%add3A_382, %dma_start3A_397, %dma_start3A_398] : memref<2528x2x128xi32, #tpu.memory_space<hbm>> -> memref<1x2x128xi32, #tpu.memory_space<hbm>>
        %dma_start3A_400 = tpu.memref_squeeze %dma_start3A_399 : memref<1x2x128xi32, #tpu.memory_space<hbm>> -> memref<2x128xi32, #tpu.memory_space<hbm>>
        tpu.enqueue_dma source(%dma_start3A_400 : memref<2x128xi32, #tpu.memory_space<hbm>>) target(%dma_start3A_396 : memref<2x128xi32, #tpu.memory_space<vmem>>) target_semaphore(%dma_start3A_392 : memref<!tpu.dma_semaphore, #tpu.memory_space<semaphore_mem>>)
      } else {
      }
      %scan3A_309 = arith.constant 0 : i32
      %scan3A_310 = arith.constant 1 : i32
      %scan3A_311 = arith.addi %scan3A_244, %scan3A_310 : i32
      %rem3A_312 = arith.constant 3 : i32
      %rem3A_313 = arith.remsi %scan3A_311, %rem3A_312 : i32
      %add3A_314 = arith.constant 1 : i32
      %add3A_315 = arith.addi %scan3A_311, %add3A_314 : i32
      %rem3A_316 = arith.constant 3 : i32
      %rem3A_317 = arith.remsi %add3A_315, %rem3A_316 : i32
      %add3A_318 = arith.constant 2 : i32
      %add3A_319 = arith.addi %scan3A_311, %add3A_318 : i32
      %rem3A_320 = arith.constant 3 : i32
      %rem3A_321 = arith.remsi %add3A_319, %rem3A_320 : i32
      %add3A_322 = arith.constant 1 : i32
      %add3A_323 = arith.addi %scan3A_311, %add3A_322 : i32
      %lt3A_324 = arith.constant 79 : i32
      %lt3A_325 = arith.cmpi slt, %add3A_323, %lt3A_324 : i32
      %convert_element_type3A_326 = arith.extui %lt3A_325 : i1 to i32
      %cond3A_327 = arith.constant 0 : i32
      %cond3A_328 = arith.cmpi ne, %convert_element_type3A_326, %cond3A_327 : i32
      scf.if %cond3A_328 {
        %add3A_376 = arith.addi %mul3A_2, %scan3A_311 : i32
        %add3A_377 = arith.constant 1 : i32
        %add3A_378 = arith.addi %add3A_376, %add3A_377 : i32
        %dma_wait3A_379 = arith.constant 0 : i32
        %dma_wait3A_380 = arith.constant 0 : i32
        %dma_wait3A_381 = tpu.memref_slice %arg8[%rem3A_317, %dma_wait3A_379, %dma_wait3A_380] : memref<3x2x128xi32, #tpu.memory_space<vmem>> -> memref<1x2x128xi32, #tpu.memory_space<vmem>>
        %dma_wait3A_382 = tpu.memref_squeeze %dma_wait3A_381 : memref<1x2x128xi32, #tpu.memory_space<vmem>> -> memref<2x128xi32, #tpu.memory_space<vmem>>
        %dma_wait3A_383 = arith.constant 0 : i32
        %dma_wait3A_384 = arith.constant 0 : i32
        %dma_wait3A_385 = tpu.memref_slice %arg2[%add3A_378, %dma_wait3A_383, %dma_wait3A_384] : memref<2528x2x128xi32, #tpu.memory_space<hbm>> -> memref<1x2x128xi32, #tpu.memory_space<hbm>>
        %dma_wait3A_386 = tpu.memref_squeeze %dma_wait3A_385 : memref<1x2x128xi32, #tpu.memory_space<hbm>> -> memref<2x128xi32, #tpu.memory_space<hbm>>
        %dma_wait3A_387 = tpu.memref_slice %arg13[%rem3A_317] : memref<3x!tpu.dma_semaphore, #tpu.memory_space<semaphore_mem>> -> memref<1x!tpu.dma_semaphore, #tpu.memory_space<semaphore_mem>>
        %dma_wait3A_388 = tpu.memref_squeeze %dma_wait3A_387 : memref<1x!tpu.dma_semaphore, #tpu.memory_space<semaphore_mem>> -> memref<!tpu.dma_semaphore, #tpu.memory_space<semaphore_mem>>
        %dma_wait3A_389 = arith.constant 0 : i32
        %dma_wait3A_390 = arith.constant 0 : i32
        %dma_wait3A_391 = tpu.memref_slice %arg8[%rem3A_317, %dma_wait3A_389, %dma_wait3A_390] : memref<3x2x128xi32, #tpu.memory_space<vmem>> -> memref<1x2x128xi32, #tpu.memory_space<vmem>>
        %dma_wait3A_392 = tpu.memref_squeeze %dma_wait3A_391 : memref<1x2x128xi32, #tpu.memory_space<vmem>> -> memref<2x128xi32, #tpu.memory_space<vmem>>
        %dma_wait3A_393 = arith.constant 0 : i32
        %dma_wait3A_394 = arith.constant 0 : i32
        %dma_wait3A_395 = tpu.memref_slice %arg2[%add3A_378, %dma_wait3A_393, %dma_wait3A_394] : memref<2528x2x128xi32, #tpu.memory_space<hbm>> -> memref<1x2x128xi32, #tpu.memory_space<hbm>>
        %dma_wait3A_396 = tpu.memref_squeeze %dma_wait3A_395 : memref<1x2x128xi32, #tpu.memory_space<hbm>> -> memref<2x128xi32, #tpu.memory_space<hbm>>
        tpu.wait_dma2 semaphore(%dma_wait3A_388 : memref<!tpu.dma_semaphore, #tpu.memory_space<semaphore_mem>>) src(%dma_wait3A_396 : memref<2x128xi32, #tpu.memory_space<hbm>>) dst(%dma_wait3A_392 : memref<2x128xi32, #tpu.memory_space<vmem>>)
        %dma_start3A_397 = arith.constant 0 : i32
        %dma_start3A_398 = arith.constant 0 : i32
        %dma_start3A_399 = arith.constant 0 : i32
        %dma_start3A_400 = tpu.memref_slice %arg9[%rem3A_317, %dma_start3A_398, %dma_start3A_399] : memref<3x128x128xf32, #tpu.memory_space<vmem>> -> memref<1x64x128xf32, #tpu.memory_space<vmem>>
        %dma_start3A_401 = tpu.memref_squeeze %dma_start3A_400 : memref<1x64x128xf32, #tpu.memory_space<vmem>> -> memref<64x128xf32, #tpu.memory_space<vmem>>
        %dma_start3A_402 = arith.constant 0 : i32
        %dma_start3A_403 = tpu.memref_slice %arg8[%rem3A_317, %dma_start3A_397, %dma_start3A_402] : memref<3x2x128xi32, #tpu.memory_space<vmem>> -> memref<1x1x64xi32, #tpu.memory_space<vmem>>
        %dma_start3A_404 = tpu.memref_squeeze %dma_start3A_403 : memref<1x1x64xi32, #tpu.memory_space<vmem>> -> memref<64xi32, #tpu.memory_space<vmem>>
        %dma_start3A_405 = arith.constant 0 : i32
        %dma_start3A_406 = arith.constant 0 : i32
        %dma_start3A_407 = tpu.memref_slice %arg3[%dma_start3A_405, %dma_start3A_406] : memref<10000x128xf32, #tpu.memory_space<hbm>> -> memref<10000x128xf32, #tpu.memory_space<hbm>>
        %dma_start3A_408 = tpu.memref_slice %arg14[%rem3A_317] : memref<3x!tpu.dma_semaphore, #tpu.memory_space<semaphore_mem>> -> memref<1x!tpu.dma_semaphore, #tpu.memory_space<semaphore_mem>>
        %dma_start3A_409 = tpu.memref_squeeze %dma_start3A_408 : memref<1x!tpu.dma_semaphore, #tpu.memory_space<semaphore_mem>> -> memref<!tpu.dma_semaphore, #tpu.memory_space<semaphore_mem>>
        tpu.enqueue_indirect_dma source(%dma_start3A_407 : memref<10000x128xf32, #tpu.memory_space<hbm>>) target(%dma_start3A_401 : memref<64x128xf32, #tpu.memory_space<vmem>>) offsets(%dma_start3A_404 : memref<64xi32, #tpu.memory_space<vmem>>) semaphore(%dma_start3A_409 : memref<!tpu.dma_semaphore, #tpu.memory_space<semaphore_mem>>)
        %dma_start3A_410 = arith.constant 0 : i32
        %dma_start3A_411 = arith.constant 64 : i32
        %dma_start3A_412 = arith.constant 0 : i32
        %dma_start3A_413 = tpu.memref_slice %arg9[%rem3A_317, %dma_start3A_411, %dma_start3A_412] : memref<3x128x128xf32, #tpu.memory_space<vmem>> -> memref<1x64x128xf32, #tpu.memory_space<vmem>>
        %dma_start3A_414 = tpu.memref_squeeze %dma_start3A_413 : memref<1x64x128xf32, #tpu.memory_space<vmem>> -> memref<64x128xf32, #tpu.memory_space<vmem>>
        %dma_start3A_415 = arith.constant 64 : i32
        %dma_start3A_416 = tpu.memref_slice %arg8[%rem3A_317, %dma_start3A_410, %dma_start3A_415] : memref<3x2x128xi32, #tpu.memory_space<vmem>> -> memref<1x1x64xi32, #tpu.memory_space<vmem>>
        %dma_start3A_417 = tpu.memref_squeeze %dma_start3A_416 : memref<1x1x64xi32, #tpu.memory_space<vmem>> -> memref<64xi32, #tpu.memory_space<vmem>>
        %dma_start3A_418 = arith.constant 0 : i32
        %dma_start3A_419 = arith.constant 0 : i32
        %dma_start3A_420 = tpu.memref_slice %arg3[%dma_start3A_418, %dma_start3A_419] : memref<10000x128xf32, #tpu.memory_space<hbm>> -> memref<10000x128xf32, #tpu.memory_space<hbm>>
        %dma_start3A_421 = tpu.memref_slice %arg14[%rem3A_317] : memref<3x!tpu.dma_semaphore, #tpu.memory_space<semaphore_mem>> -> memref<1x!tpu.dma_semaphore, #tpu.memory_space<semaphore_mem>>
        %dma_start3A_422 = tpu.memref_squeeze %dma_start3A_421 : memref<1x!tpu.dma_semaphore, #tpu.memory_space<semaphore_mem>> -> memref<!tpu.dma_semaphore, #tpu.memory_space<semaphore_mem>>
        tpu.enqueue_indirect_dma source(%dma_start3A_420 : memref<10000x128xf32, #tpu.memory_space<hbm>>) target(%dma_start3A_414 : memref<64x128xf32, #tpu.memory_space<vmem>>) offsets(%dma_start3A_417 : memref<64xi32, #tpu.memory_space<vmem>>) semaphore(%dma_start3A_422 : memref<!tpu.dma_semaphore, #tpu.memory_space<semaphore_mem>>)
      } else {
      }
      %dma_wait3A_329 = arith.constant 0 : i32
      %dma_wait3A_330 = arith.constant 0 : i32
      %dma_wait3A_331 = arith.constant 0 : i32
      %dma_wait3A_332 = tpu.memref_slice %arg9[%rem3A_313, %dma_wait3A_330, %dma_wait3A_331] : memref<3x128x128xf32, #tpu.memory_space<vmem>> -> memref<1x64x128xf32, #tpu.memory_space<vmem>>
      %dma_wait3A_333 = tpu.memref_squeeze %dma_wait3A_332 : memref<1x64x128xf32, #tpu.memory_space<vmem>> -> memref<64x128xf32, #tpu.memory_space<vmem>>
      %dma_wait3A_334 = arith.constant 0 : i32
      %dma_wait3A_335 = tpu.memref_slice %arg8[%rem3A_313, %dma_wait3A_329, %dma_wait3A_334] : memref<3x2x128xi32, #tpu.memory_space<vmem>> -> memref<1x1x64xi32, #tpu.memory_space<vmem>>
      %dma_wait3A_336 = tpu.memref_squeeze %dma_wait3A_335 : memref<1x1x64xi32, #tpu.memory_space<vmem>> -> memref<64xi32, #tpu.memory_space<vmem>>
      %dma_wait3A_337 = arith.constant 0 : i32
      %dma_wait3A_338 = arith.constant 0 : i32
      %dma_wait3A_339 = tpu.memref_slice %arg3[%dma_wait3A_337, %dma_wait3A_338] : memref<10000x128xf32, #tpu.memory_space<hbm>> -> memref<10000x128xf32, #tpu.memory_space<hbm>>
      %dma_wait3A_340 = tpu.memref_slice %arg14[%rem3A_313] : memref<3x!tpu.dma_semaphore, #tpu.memory_space<semaphore_mem>> -> memref<1x!tpu.dma_semaphore, #tpu.memory_space<semaphore_mem>>
      %dma_wait3A_341 = tpu.memref_squeeze %dma_wait3A_340 : memref<1x!tpu.dma_semaphore, #tpu.memory_space<semaphore_mem>> -> memref<!tpu.dma_semaphore, #tpu.memory_space<semaphore_mem>>
      tpu.wait_indirect_dma semaphore(%dma_wait3A_341 : memref<!tpu.dma_semaphore, #tpu.memory_space<semaphore_mem>>) src(%dma_wait3A_339 : memref<10000x128xf32, #tpu.memory_space<hbm>>) dst(%dma_wait3A_333 : memref<64x128xf32, #tpu.memory_space<vmem>>)
      %dma_wait3A_342 = arith.constant 0 : i32
      %dma_wait3A_343 = arith.constant 64 : i32
      %dma_wait3A_344 = arith.constant 0 : i32
      %dma_wait3A_345 = tpu.memref_slice %arg9[%rem3A_313, %dma_wait3A_343, %dma_wait3A_344] : memref<3x128x128xf32, #tpu.memory_space<vmem>> -> memref<1x64x128xf32, #tpu.memory_space<vmem>>
      %dma_wait3A_346 = tpu.memref_squeeze %dma_wait3A_345 : memref<1x64x128xf32, #tpu.memory_space<vmem>> -> memref<64x128xf32, #tpu.memory_space<vmem>>
      %dma_wait3A_347 = arith.constant 64 : i32
      %dma_wait3A_348 = tpu.memref_slice %arg8[%rem3A_313, %dma_wait3A_342, %dma_wait3A_347] : memref<3x2x128xi32, #tpu.memory_space<vmem>> -> memref<1x1x64xi32, #tpu.memory_space<vmem>>
      %dma_wait3A_349 = tpu.memref_squeeze %dma_wait3A_348 : memref<1x1x64xi32, #tpu.memory_space<vmem>> -> memref<64xi32, #tpu.memory_space<vmem>>
      %dma_wait3A_350 = arith.constant 0 : i32
      %dma_wait3A_351 = arith.constant 0 : i32
      %dma_wait3A_352 = tpu.memref_slice %arg3[%dma_wait3A_350, %dma_wait3A_351] : memref<10000x128xf32, #tpu.memory_space<hbm>> -> memref<10000x128xf32, #tpu.memory_space<hbm>>
      %dma_wait3A_353 = tpu.memref_slice %arg14[%rem3A_313] : memref<3x!tpu.dma_semaphore, #tpu.memory_space<semaphore_mem>> -> memref<1x!tpu.dma_semaphore, #tpu.memory_space<semaphore_mem>>
      %dma_wait3A_354 = tpu.memref_squeeze %dma_wait3A_353 : memref<1x!tpu.dma_semaphore, #tpu.memory_space<semaphore_mem>> -> memref<!tpu.dma_semaphore, #tpu.memory_space<semaphore_mem>>
      tpu.wait_indirect_dma semaphore(%dma_wait3A_354 : memref<!tpu.dma_semaphore, #tpu.memory_space<semaphore_mem>>) src(%dma_wait3A_352 : memref<10000x128xf32, #tpu.memory_space<hbm>>) dst(%dma_wait3A_346 : memref<64x128xf32, #tpu.memory_space<vmem>>)
      %dma_start3A_355 = arith.constant 1 : i32
      %dma_start3A_356 = arith.constant 0 : i32
      %dma_start3A_357 = arith.constant 0 : i32
      %dma_start3A_358 = tpu.memref_slice %arg9[%rem3A_313, %dma_start3A_356, %dma_start3A_357] : memref<3x128x128xf32, #tpu.memory_space<vmem>> -> memref<1x128x128xf32, #tpu.memory_space<vmem>>
      %dma_start3A_359 = tpu.memref_squeeze %dma_start3A_358 : memref<1x128x128xf32, #tpu.memory_space<vmem>> -> memref<128x128xf32, #tpu.memory_space<vmem>>
      %dma_start3A_360 = arith.constant 0 : i32
      %dma_start3A_361 = tpu.memref_slice %arg8[%rem3A_313, %dma_start3A_355, %dma_start3A_360] : memref<3x2x128xi32, #tpu.memory_space<vmem>> -> memref<1x1x128xi32, #tpu.memory_space<vmem>>
      %dma_start3A_362 = tpu.memref_squeeze %dma_start3A_361 : memref<1x1x128xi32, #tpu.memory_space<vmem>> -> memref<128xi32, #tpu.memory_space<vmem>>
      %dma_start3A_363 = arith.constant 0 : i32
      %dma_start3A_364 = arith.constant 0 : i32
      %dma_start3A_365 = tpu.memref_slice %arg11[%dma_start3A_363, %dma_start3A_364] : memref<10016x128xf32, #tpu.memory_space<vmem_shared>> -> memref<10016x128xf32, #tpu.memory_space<vmem_shared>>
      %dma_start3A_366 = tpu.memref_slice %arg15[%rem3A_313] : memref<3x!tpu.dma_semaphore, #tpu.memory_space<semaphore_mem>> -> memref<1x!tpu.dma_semaphore, #tpu.memory_space<semaphore_mem>>
      %dma_start3A_367 = tpu.memref_squeeze %dma_start3A_366 : memref<1x!tpu.dma_semaphore, #tpu.memory_space<semaphore_mem>> -> memref<!tpu.dma_semaphore, #tpu.memory_space<semaphore_mem>>
      tpu.enqueue_indirect_dma source(%dma_start3A_359 : memref<128x128xf32, #tpu.memory_space<vmem>>) target(%dma_start3A_365 : memref<10016x128xf32, #tpu.memory_space<vmem_shared>>) offsets(%dma_start3A_362 : memref<128xi32, #tpu.memory_space<vmem>>) semaphore(%dma_start3A_367 : memref<!tpu.dma_semaphore, #tpu.memory_space<semaphore_mem>>) {add = true}
      %add3A_368 = arith.constant 2 : i32
      %add3A_369 = arith.addi %scan3A_311, %add3A_368 : i32
      %lt3A_370 = arith.constant 79 : i32
      %lt3A_371 = arith.cmpi slt, %add3A_369, %lt3A_370 : i32
      %convert_element_type3A_372 = arith.extui %lt3A_371 : i1 to i32
      %cond3A_373 = arith.constant 0 : i32
      %cond3A_374 = arith.cmpi ne, %convert_element_type3A_372, %cond3A_373 : i32
      scf.if %cond3A_374 {
        %ge3A = arith.constant 1 : i32
        %ge3A_376 = arith.cmpi sge, %scan3A_311, %ge3A : i32
        %convert_element_type3A_377 = arith.extui %ge3A_376 : i1 to i32
        %cond3A_378 = arith.constant 0 : i32
        %cond3A_379 = arith.cmpi ne, %convert_element_type3A_377, %cond3A_378 : i32
        scf.if %cond3A_379 {
          %dma_wait3A_401 = arith.constant 1 : i32
          %dma_wait3A_402 = arith.constant 0 : i32
          %dma_wait3A_403 = arith.constant 0 : i32
          %dma_wait3A_404 = tpu.memref_slice %arg9[%rem3A_321, %dma_wait3A_402, %dma_wait3A_403] : memref<3x128x128xf32, #tpu.memory_space<vmem>> -> memref<1x128x128xf32, #tpu.memory_space<vmem>>
          %dma_wait3A_405 = tpu.memref_squeeze %dma_wait3A_404 : memref<1x128x128xf32, #tpu.memory_space<vmem>> -> memref<128x128xf32, #tpu.memory_space<vmem>>
          %dma_wait3A_406 = arith.constant 0 : i32
          %dma_wait3A_407 = tpu.memref_slice %arg8[%rem3A_321, %dma_wait3A_401, %dma_wait3A_406] : memref<3x2x128xi32, #tpu.memory_space<vmem>> -> memref<1x1x128xi32, #tpu.memory_space<vmem>>
          %dma_wait3A_408 = tpu.memref_squeeze %dma_wait3A_407 : memref<1x1x128xi32, #tpu.memory_space<vmem>> -> memref<128xi32, #tpu.memory_space<vmem>>
          %dma_wait3A_409 = arith.constant 0 : i32
          %dma_wait3A_410 = arith.constant 0 : i32
          %dma_wait3A_411 = tpu.memref_slice %arg11[%dma_wait3A_409, %dma_wait3A_410] : memref<10016x128xf32, #tpu.memory_space<vmem_shared>> -> memref<10016x128xf32, #tpu.memory_space<vmem_shared>>
          %dma_wait3A_412 = tpu.memref_slice %arg15[%rem3A_321] : memref<3x!tpu.dma_semaphore, #tpu.memory_space<semaphore_mem>> -> memref<1x!tpu.dma_semaphore, #tpu.memory_space<semaphore_mem>>
          %dma_wait3A_413 = tpu.memref_squeeze %dma_wait3A_412 : memref<1x!tpu.dma_semaphore, #tpu.memory_space<semaphore_mem>> -> memref<!tpu.dma_semaphore, #tpu.memory_space<semaphore_mem>>
          tpu.wait_indirect_dma semaphore(%dma_wait3A_413 : memref<!tpu.dma_semaphore, #tpu.memory_space<semaphore_mem>>) src(%dma_wait3A_405 : memref<128x128xf32, #tpu.memory_space<vmem>>) dst(%dma_wait3A_411 : memref<10016x128xf32, #tpu.memory_space<vmem_shared>>)
        } else {
        }
        %add3A_380 = arith.addi %mul3A_2, %scan3A_311 : i32
        %add3A_381 = arith.constant 2 : i32
        %add3A_382 = arith.addi %add3A_380, %add3A_381 : i32
        %dma_start3A_383 = arith.constant 0 : i32
        %dma_start3A_384 = arith.constant 0 : i32
        %dma_start3A_385 = tpu.memref_slice %arg8[%rem3A_321, %dma_start3A_383, %dma_start3A_384] : memref<3x2x128xi32, #tpu.memory_space<vmem>> -> memref<1x2x128xi32, #tpu.memory_space<vmem>>
        %dma_start3A_386 = tpu.memref_squeeze %dma_start3A_385 : memref<1x2x128xi32, #tpu.memory_space<vmem>> -> memref<2x128xi32, #tpu.memory_space<vmem>>
        %dma_start3A_387 = arith.constant 0 : i32
        %dma_start3A_388 = arith.constant 0 : i32
        %dma_start3A_389 = tpu.memref_slice %arg2[%add3A_382, %dma_start3A_387, %dma_start3A_388] : memref<2528x2x128xi32, #tpu.memory_space<hbm>> -> memref<1x2x128xi32, #tpu.memory_space<hbm>>
        %dma_start3A_390 = tpu.memref_squeeze %dma_start3A_389 : memref<1x2x128xi32, #tpu.memory_space<hbm>> -> memref<2x128xi32, #tpu.memory_space<hbm>>
        %dma_start3A_391 = tpu.memref_slice %arg13[%rem3A_321] : memref<3x!tpu.dma_semaphore, #tpu.memory_space<semaphore_mem>> -> memref<1x!tpu.dma_semaphore, #tpu.memory_space<semaphore_mem>>
        %dma_start3A_392 = tpu.memref_squeeze %dma_start3A_391 : memref<1x!tpu.dma_semaphore, #tpu.memory_space<semaphore_mem>> -> memref<!tpu.dma_semaphore, #tpu.memory_space<semaphore_mem>>
        %dma_start3A_393 = arith.constant 0 : i32
        %dma_start3A_394 = arith.constant 0 : i32
        %dma_start3A_395 = tpu.memref_slice %arg8[%rem3A_321, %dma_start3A_393, %dma_start3A_394] : memref<3x2x128xi32, #tpu.memory_space<vmem>> -> memref<1x2x128xi32, #tpu.memory_space<vmem>>
        %dma_start3A_396 = tpu.memref_squeeze %dma_start3A_395 : memref<1x2x128xi32, #tpu.memory_space<vmem>> -> memref<2x128xi32, #tpu.memory_space<vmem>>
        %dma_start3A_397 = arith.constant 0 : i32
        %dma_start3A_398 = arith.constant 0 : i32
        %dma_start3A_399 = tpu.memref_slice %arg2[%add3A_382, %dma_start3A_397, %dma_start3A_398] : memref<2528x2x128xi32, #tpu.memory_space<hbm>> -> memref<1x2x128xi32, #tpu.memory_space<hbm>>
        %dma_start3A_400 = tpu.memref_squeeze %dma_start3A_399 : memref<1x2x128xi32, #tpu.memory_space<hbm>> -> memref<2x128xi32, #tpu.memory_space<hbm>>
        tpu.enqueue_dma source(%dma_start3A_400 : memref<2x128xi32, #tpu.memory_space<hbm>>) target(%dma_start3A_396 : memref<2x128xi32, #tpu.memory_space<vmem>>) target_semaphore(%dma_start3A_392 : memref<!tpu.dma_semaphore, #tpu.memory_space<semaphore_mem>>)
      } else {
      }
      %scan3A_375 = arith.constant 0 : i32
      scf.yield %scan3A_375 : i32
    }
    %scan3A_102 = arith.constant 78 : i32
    %scan3A_103 = arith.addi %scan3A_97, %scan3A_102 : i32
    %rem3A = arith.constant 3 : i32
    %rem3A_104 = arith.remsi %scan3A_103, %rem3A : i32
    %add3A_105 = arith.constant 1 : i32
    %add3A_106 = arith.addi %scan3A_103, %add3A_105 : i32
    %rem3A_107 = arith.constant 3 : i32
    %rem3A_108 = arith.remsi %add3A_106, %rem3A_107 : i32
    %add3A_109 = arith.constant 2 : i32
    %add3A_110 = arith.addi %scan3A_103, %add3A_109 : i32
    %rem3A_111 = arith.constant 3 : i32
    %rem3A_112 = arith.remsi %add3A_110, %rem3A_111 : i32
    %add3A_113 = arith.constant 1 : i32
    %add3A_114 = arith.addi %scan3A_103, %add3A_113 : i32
    %lt3A = arith.constant 79 : i32
    %lt3A_115 = arith.cmpi slt, %add3A_114, %lt3A : i32
    %convert_element_type3A = arith.extui %lt3A_115 : i1 to i32
    %cond3A = arith.constant 0 : i32
    %cond3A_116 = arith.cmpi ne, %convert_element_type3A, %cond3A : i32
    scf.if %cond3A_116 {
      %add3A_244 = arith.addi %mul3A_2, %scan3A_103 : i32
      %add3A_245 = arith.constant 1 : i32
      %add3A_246 = arith.addi %add3A_244, %add3A_245 : i32
      %dma_wait3A_247 = arith.constant 0 : i32
      %dma_wait3A_248 = arith.constant 0 : i32
      %dma_wait3A_249 = tpu.memref_slice %arg8[%rem3A_108, %dma_wait3A_247, %dma_wait3A_248] : memref<3x2x128xi32, #tpu.memory_space<vmem>> -> memref<1x2x128xi32, #tpu.memory_space<vmem>>
      %dma_wait3A_250 = tpu.memref_squeeze %dma_wait3A_249 : memref<1x2x128xi32, #tpu.memory_space<vmem>> -> memref<2x128xi32, #tpu.memory_space<vmem>>
      %dma_wait3A_251 = arith.constant 0 : i32
      %dma_wait3A_252 = arith.constant 0 : i32
      %dma_wait3A_253 = tpu.memref_slice %arg2[%add3A_246, %dma_wait3A_251, %dma_wait3A_252] : memref<2528x2x128xi32, #tpu.memory_space<hbm>> -> memref<1x2x128xi32, #tpu.memory_space<hbm>>
      %dma_wait3A_254 = tpu.memref_squeeze %dma_wait3A_253 : memref<1x2x128xi32, #tpu.memory_space<hbm>> -> memref<2x128xi32, #tpu.memory_space<hbm>>
      %dma_wait3A_255 = tpu.memref_slice %arg13[%rem3A_108] : memref<3x!tpu.dma_semaphore, #tpu.memory_space<semaphore_mem>> -> memref<1x!tpu.dma_semaphore, #tpu.memory_space<semaphore_mem>>
      %dma_wait3A_256 = tpu.memref_squeeze %dma_wait3A_255 : memref<1x!tpu.dma_semaphore, #tpu.memory_space<semaphore_mem>> -> memref<!tpu.dma_semaphore, #tpu.memory_space<semaphore_mem>>
      %dma_wait3A_257 = arith.constant 0 : i32
      %dma_wait3A_258 = arith.constant 0 : i32
      %dma_wait3A_259 = tpu.memref_slice %arg8[%rem3A_108, %dma_wait3A_257, %dma_wait3A_258] : memref<3x2x128xi32, #tpu.memory_space<vmem>> -> memref<1x2x128xi32, #tpu.memory_space<vmem>>
      %dma_wait3A_260 = tpu.memref_squeeze %dma_wait3A_259 : memref<1x2x128xi32, #tpu.memory_space<vmem>> -> memref<2x128xi32, #tpu.memory_space<vmem>>
      %dma_wait3A_261 = arith.constant 0 : i32
      %dma_wait3A_262 = arith.constant 0 : i32
      %dma_wait3A_263 = tpu.memref_slice %arg2[%add3A_246, %dma_wait3A_261, %dma_wait3A_262] : memref<2528x2x128xi32, #tpu.memory_space<hbm>> -> memref<1x2x128xi32, #tpu.memory_space<hbm>>
      %dma_wait3A_264 = tpu.memref_squeeze %dma_wait3A_263 : memref<1x2x128xi32, #tpu.memory_space<hbm>> -> memref<2x128xi32, #tpu.memory_space<hbm>>
      tpu.wait_dma2 semaphore(%dma_wait3A_256 : memref<!tpu.dma_semaphore, #tpu.memory_space<semaphore_mem>>) src(%dma_wait3A_264 : memref<2x128xi32, #tpu.memory_space<hbm>>) dst(%dma_wait3A_260 : memref<2x128xi32, #tpu.memory_space<vmem>>)
      %dma_start3A_265 = arith.constant 0 : i32
      %dma_start3A_266 = arith.constant 0 : i32
      %dma_start3A_267 = arith.constant 0 : i32
      %dma_start3A_268 = tpu.memref_slice %arg9[%rem3A_108, %dma_start3A_266, %dma_start3A_267] : memref<3x128x128xf32, #tpu.memory_space<vmem>> -> memref<1x64x128xf32, #tpu.memory_space<vmem>>
      %dma_start3A_269 = tpu.memref_squeeze %dma_start3A_268 : memref<1x64x128xf32, #tpu.memory_space<vmem>> -> memref<64x128xf32, #tpu.memory_space<vmem>>
      %dma_start3A_270 = arith.constant 0 : i32
      %dma_start3A_271 = tpu.memref_slice %arg8[%rem3A_108, %dma_start3A_265, %dma_start3A_270] : memref<3x2x128xi32, #tpu.memory_space<vmem>> -> memref<1x1x64xi32, #tpu.memory_space<vmem>>
      %dma_start3A_272 = tpu.memref_squeeze %dma_start3A_271 : memref<1x1x64xi32, #tpu.memory_space<vmem>> -> memref<64xi32, #tpu.memory_space<vmem>>
      %dma_start3A_273 = arith.constant 0 : i32
      %dma_start3A_274 = arith.constant 0 : i32
      %dma_start3A_275 = tpu.memref_slice %arg3[%dma_start3A_273, %dma_start3A_274] : memref<10000x128xf32, #tpu.memory_space<hbm>> -> memref<10000x128xf32, #tpu.memory_space<hbm>>
      %dma_start3A_276 = tpu.memref_slice %arg14[%rem3A_108] : memref<3x!tpu.dma_semaphore, #tpu.memory_space<semaphore_mem>> -> memref<1x!tpu.dma_semaphore, #tpu.memory_space<semaphore_mem>>
      %dma_start3A_277 = tpu.memref_squeeze %dma_start3A_276 : memref<1x!tpu.dma_semaphore, #tpu.memory_space<semaphore_mem>> -> memref<!tpu.dma_semaphore, #tpu.memory_space<semaphore_mem>>
      tpu.enqueue_indirect_dma source(%dma_start3A_275 : memref<10000x128xf32, #tpu.memory_space<hbm>>) target(%dma_start3A_269 : memref<64x128xf32, #tpu.memory_space<vmem>>) offsets(%dma_start3A_272 : memref<64xi32, #tpu.memory_space<vmem>>) semaphore(%dma_start3A_277 : memref<!tpu.dma_semaphore, #tpu.memory_space<semaphore_mem>>)
      %dma_start3A_278 = arith.constant 0 : i32
      %dma_start3A_279 = arith.constant 64 : i32
      %dma_start3A_280 = arith.constant 0 : i32
      %dma_start3A_281 = tpu.memref_slice %arg9[%rem3A_108, %dma_start3A_279, %dma_start3A_280] : memref<3x128x128xf32, #tpu.memory_space<vmem>> -> memref<1x64x128xf32, #tpu.memory_space<vmem>>
      %dma_start3A_282 = tpu.memref_squeeze %dma_start3A_281 : memref<1x64x128xf32, #tpu.memory_space<vmem>> -> memref<64x128xf32, #tpu.memory_space<vmem>>
      %dma_start3A_283 = arith.constant 64 : i32
      %dma_start3A_284 = tpu.memref_slice %arg8[%rem3A_108, %dma_start3A_278, %dma_start3A_283] : memref<3x2x128xi32, #tpu.memory_space<vmem>> -> memref<1x1x64xi32, #tpu.memory_space<vmem>>
      %dma_start3A_285 = tpu.memref_squeeze %dma_start3A_284 : memref<1x1x64xi32, #tpu.memory_space<vmem>> -> memref<64xi32, #tpu.memory_space<vmem>>
      %dma_start3A_286 = arith.constant 0 : i32
      %dma_start3A_287 = arith.constant 0 : i32
      %dma_start3A_288 = tpu.memref_slice %arg3[%dma_start3A_286, %dma_start3A_287] : memref<10000x128xf32, #tpu.memory_space<hbm>> -> memref<10000x128xf32, #tpu.memory_space<hbm>>
      %dma_start3A_289 = tpu.memref_slice %arg14[%rem3A_108] : memref<3x!tpu.dma_semaphore, #tpu.memory_space<semaphore_mem>> -> memref<1x!tpu.dma_semaphore, #tpu.memory_space<semaphore_mem>>
      %dma_start3A_290 = tpu.memref_squeeze %dma_start3A_289 : memref<1x!tpu.dma_semaphore, #tpu.memory_space<semaphore_mem>> -> memref<!tpu.dma_semaphore, #tpu.memory_space<semaphore_mem>>
      tpu.enqueue_indirect_dma source(%dma_start3A_288 : memref<10000x128xf32, #tpu.memory_space<hbm>>) target(%dma_start3A_282 : memref<64x128xf32, #tpu.memory_space<vmem>>) offsets(%dma_start3A_285 : memref<64xi32, #tpu.memory_space<vmem>>) semaphore(%dma_start3A_290 : memref<!tpu.dma_semaphore, #tpu.memory_space<semaphore_mem>>)
    } else {
    }
    %dma_wait3A_117 = arith.constant 0 : i32
    %dma_wait3A_118 = arith.constant 0 : i32
    %dma_wait3A_119 = arith.constant 0 : i32
    %dma_wait3A_120 = tpu.memref_slice %arg9[%rem3A_104, %dma_wait3A_118, %dma_wait3A_119] : memref<3x128x128xf32, #tpu.memory_space<vmem>> -> memref<1x64x128xf32, #tpu.memory_space<vmem>>
    %dma_wait3A_121 = tpu.memref_squeeze %dma_wait3A_120 : memref<1x64x128xf32, #tpu.memory_space<vmem>> -> memref<64x128xf32, #tpu.memory_space<vmem>>
    %dma_wait3A_122 = arith.constant 0 : i32
    %dma_wait3A_123 = tpu.memref_slice %arg8[%rem3A_104, %dma_wait3A_117, %dma_wait3A_122] : memref<3x2x128xi32, #tpu.memory_space<vmem>> -> memref<1x1x64xi32, #tpu.memory_space<vmem>>
    %dma_wait3A_124 = tpu.memref_squeeze %dma_wait3A_123 : memref<1x1x64xi32, #tpu.memory_space<vmem>> -> memref<64xi32, #tpu.memory_space<vmem>>
    %dma_wait3A_125 = arith.constant 0 : i32
    %dma_wait3A_126 = arith.constant 0 : i32
    %dma_wait3A_127 = tpu.memref_slice %arg3[%dma_wait3A_125, %dma_wait3A_126] : memref<10000x128xf32, #tpu.memory_space<hbm>> -> memref<10000x128xf32, #tpu.memory_space<hbm>>
    %dma_wait3A_128 = tpu.memref_slice %arg14[%rem3A_104] : memref<3x!tpu.dma_semaphore, #tpu.memory_space<semaphore_mem>> -> memref<1x!tpu.dma_semaphore, #tpu.memory_space<semaphore_mem>>
    %dma_wait3A_129 = tpu.memref_squeeze %dma_wait3A_128 : memref<1x!tpu.dma_semaphore, #tpu.memory_space<semaphore_mem>> -> memref<!tpu.dma_semaphore, #tpu.memory_space<semaphore_mem>>
    tpu.wait_indirect_dma semaphore(%dma_wait3A_129 : memref<!tpu.dma_semaphore, #tpu.memory_space<semaphore_mem>>) src(%dma_wait3A_127 : memref<10000x128xf32, #tpu.memory_space<hbm>>) dst(%dma_wait3A_121 : memref<64x128xf32, #tpu.memory_space<vmem>>)
    %dma_wait3A_130 = arith.constant 0 : i32
    %dma_wait3A_131 = arith.constant 64 : i32
    %dma_wait3A_132 = arith.constant 0 : i32
    %dma_wait3A_133 = tpu.memref_slice %arg9[%rem3A_104, %dma_wait3A_131, %dma_wait3A_132] : memref<3x128x128xf32, #tpu.memory_space<vmem>> -> memref<1x64x128xf32, #tpu.memory_space<vmem>>
    %dma_wait3A_134 = tpu.memref_squeeze %dma_wait3A_133 : memref<1x64x128xf32, #tpu.memory_space<vmem>> -> memref<64x128xf32, #tpu.memory_space<vmem>>
    %dma_wait3A_135 = arith.constant 64 : i32
    %dma_wait3A_136 = tpu.memref_slice %arg8[%rem3A_104, %dma_wait3A_130, %dma_wait3A_135] : memref<3x2x128xi32, #tpu.memory_space<vmem>> -> memref<1x1x64xi32, #tpu.memory_space<vmem>>
    %dma_wait3A_137 = tpu.memref_squeeze %dma_wait3A_136 : memref<1x1x64xi32, #tpu.memory_space<vmem>> -> memref<64xi32, #tpu.memory_space<vmem>>
    %dma_wait3A_138 = arith.constant 0 : i32
    %dma_wait3A_139 = arith.constant 0 : i32
    %dma_wait3A_140 = tpu.memref_slice %arg3[%dma_wait3A_138, %dma_wait3A_139] : memref<10000x128xf32, #tpu.memory_space<hbm>> -> memref<10000x128xf32, #tpu.memory_space<hbm>>
    %dma_wait3A_141 = tpu.memref_slice %arg14[%rem3A_104] : memref<3x!tpu.dma_semaphore, #tpu.memory_space<semaphore_mem>> -> memref<1x!tpu.dma_semaphore, #tpu.memory_space<semaphore_mem>>
    %dma_wait3A_142 = tpu.memref_squeeze %dma_wait3A_141 : memref<1x!tpu.dma_semaphore, #tpu.memory_space<semaphore_mem>> -> memref<!tpu.dma_semaphore, #tpu.memory_space<semaphore_mem>>
    tpu.wait_indirect_dma semaphore(%dma_wait3A_142 : memref<!tpu.dma_semaphore, #tpu.memory_space<semaphore_mem>>) src(%dma_wait3A_140 : memref<10000x128xf32, #tpu.memory_space<hbm>>) dst(%dma_wait3A_134 : memref<64x128xf32, #tpu.memory_space<vmem>>)
    %dma_start3A_143 = arith.constant 1 : i32
    %dma_start3A_144 = arith.constant 0 : i32
    %dma_start3A_145 = arith.constant 0 : i32
    %dma_start3A_146 = tpu.memref_slice %arg9[%rem3A_104, %dma_start3A_144, %dma_start3A_145] : memref<3x128x128xf32, #tpu.memory_space<vmem>> -> memref<1x128x128xf32, #tpu.memory_space<vmem>>
    %dma_start3A_147 = tpu.memref_squeeze %dma_start3A_146 : memref<1x128x128xf32, #tpu.memory_space<vmem>> -> memref<128x128xf32, #tpu.memory_space<vmem>>
    %dma_start3A_148 = arith.constant 0 : i32
    %dma_start3A_149 = tpu.memref_slice %arg8[%rem3A_104, %dma_start3A_143, %dma_start3A_148] : memref<3x2x128xi32, #tpu.memory_space<vmem>> -> memref<1x1x128xi32, #tpu.memory_space<vmem>>
    %dma_start3A_150 = tpu.memref_squeeze %dma_start3A_149 : memref<1x1x128xi32, #tpu.memory_space<vmem>> -> memref<128xi32, #tpu.memory_space<vmem>>
    %dma_start3A_151 = arith.constant 0 : i32
    %dma_start3A_152 = arith.constant 0 : i32
    %dma_start3A_153 = tpu.memref_slice %arg11[%dma_start3A_151, %dma_start3A_152] : memref<10016x128xf32, #tpu.memory_space<vmem_shared>> -> memref<10016x128xf32, #tpu.memory_space<vmem_shared>>
    %dma_start3A_154 = tpu.memref_slice %arg15[%rem3A_104] : memref<3x!tpu.dma_semaphore, #tpu.memory_space<semaphore_mem>> -> memref<1x!tpu.dma_semaphore, #tpu.memory_space<semaphore_mem>>
    %dma_start3A_155 = tpu.memref_squeeze %dma_start3A_154 : memref<1x!tpu.dma_semaphore, #tpu.memory_space<semaphore_mem>> -> memref<!tpu.dma_semaphore, #tpu.memory_space<semaphore_mem>>
    tpu.enqueue_indirect_dma source(%dma_start3A_147 : memref<128x128xf32, #tpu.memory_space<vmem>>) target(%dma_start3A_153 : memref<10016x128xf32, #tpu.memory_space<vmem_shared>>) offsets(%dma_start3A_150 : memref<128xi32, #tpu.memory_space<vmem>>) semaphore(%dma_start3A_155 : memref<!tpu.dma_semaphore, #tpu.memory_space<semaphore_mem>>) {add = true}
    %add3A_156 = arith.constant 2 : i32
    %add3A_157 = arith.addi %scan3A_103, %add3A_156 : i32
    %lt3A_158 = arith.constant 79 : i32
    %lt3A_159 = arith.cmpi slt, %add3A_157, %lt3A_158 : i32
    %convert_element_type3A_160 = arith.extui %lt3A_159 : i1 to i32
    %cond3A_161 = arith.constant 0 : i32
    %cond3A_162 = arith.cmpi ne, %convert_element_type3A_160, %cond3A_161 : i32
    scf.if %cond3A_162 {
      %ge3A = arith.constant 1 : i32
      %ge3A_244 = arith.cmpi sge, %scan3A_103, %ge3A : i32
      %convert_element_type3A_245 = arith.extui %ge3A_244 : i1 to i32
      %cond3A_246 = arith.constant 0 : i32
      %cond3A_247 = arith.cmpi ne, %convert_element_type3A_245, %cond3A_246 : i32
      scf.if %cond3A_247 {
        %dma_wait3A_269 = arith.constant 1 : i32
        %dma_wait3A_270 = arith.constant 0 : i32
        %dma_wait3A_271 = arith.constant 0 : i32
        %dma_wait3A_272 = tpu.memref_slice %arg9[%rem3A_112, %dma_wait3A_270, %dma_wait3A_271] : memref<3x128x128xf32, #tpu.memory_space<vmem>> -> memref<1x128x128xf32, #tpu.memory_space<vmem>>
        %dma_wait3A_273 = tpu.memref_squeeze %dma_wait3A_272 : memref<1x128x128xf32, #tpu.memory_space<vmem>> -> memref<128x128xf32, #tpu.memory_space<vmem>>
        %dma_wait3A_274 = arith.constant 0 : i32
        %dma_wait3A_275 = tpu.memref_slice %arg8[%rem3A_112, %dma_wait3A_269, %dma_wait3A_274] : memref<3x2x128xi32, #tpu.memory_space<vmem>> -> memref<1x1x128xi32, #tpu.memory_space<vmem>>
        %dma_wait3A_276 = tpu.memref_squeeze %dma_wait3A_275 : memref<1x1x128xi32, #tpu.memory_space<vmem>> -> memref<128xi32, #tpu.memory_space<vmem>>
        %dma_wait3A_277 = arith.constant 0 : i32
        %dma_wait3A_278 = arith.constant 0 : i32
        %dma_wait3A_279 = tpu.memref_slice %arg11[%dma_wait3A_277, %dma_wait3A_278] : memref<10016x128xf32, #tpu.memory_space<vmem_shared>> -> memref<10016x128xf32, #tpu.memory_space<vmem_shared>>
        %dma_wait3A_280 = tpu.memref_slice %arg15[%rem3A_112] : memref<3x!tpu.dma_semaphore, #tpu.memory_space<semaphore_mem>> -> memref<1x!tpu.dma_semaphore, #tpu.memory_space<semaphore_mem>>
        %dma_wait3A_281 = tpu.memref_squeeze %dma_wait3A_280 : memref<1x!tpu.dma_semaphore, #tpu.memory_space<semaphore_mem>> -> memref<!tpu.dma_semaphore, #tpu.memory_space<semaphore_mem>>
        tpu.wait_indirect_dma semaphore(%dma_wait3A_281 : memref<!tpu.dma_semaphore, #tpu.memory_space<semaphore_mem>>) src(%dma_wait3A_273 : memref<128x128xf32, #tpu.memory_space<vmem>>) dst(%dma_wait3A_279 : memref<10016x128xf32, #tpu.memory_space<vmem_shared>>)
      } else {
      }
      %add3A_248 = arith.addi %mul3A_2, %scan3A_103 : i32
      %add3A_249 = arith.constant 2 : i32
      %add3A_250 = arith.addi %add3A_248, %add3A_249 : i32
      %dma_start3A_251 = arith.constant 0 : i32
      %dma_start3A_252 = arith.constant 0 : i32
      %dma_start3A_253 = tpu.memref_slice %arg8[%rem3A_112, %dma_start3A_251, %dma_start3A_252] : memref<3x2x128xi32, #tpu.memory_space<vmem>> -> memref<1x2x128xi32, #tpu.memory_space<vmem>>
      %dma_start3A_254 = tpu.memref_squeeze %dma_start3A_253 : memref<1x2x128xi32, #tpu.memory_space<vmem>> -> memref<2x128xi32, #tpu.memory_space<vmem>>
      %dma_start3A_255 = arith.constant 0 : i32
      %dma_start3A_256 = arith.constant 0 : i32
      %dma_start3A_257 = tpu.memref_slice %arg2[%add3A_250, %dma_start3A_255, %dma_start3A_256] : memref<2528x2x128xi32, #tpu.memory_space<hbm>> -> memref<1x2x128xi32, #tpu.memory_space<hbm>>
      %dma_start3A_258 = tpu.memref_squeeze %dma_start3A_257 : memref<1x2x128xi32, #tpu.memory_space<hbm>> -> memref<2x128xi32, #tpu.memory_space<hbm>>
      %dma_start3A_259 = tpu.memref_slice %arg13[%rem3A_112] : memref<3x!tpu.dma_semaphore, #tpu.memory_space<semaphore_mem>> -> memref<1x!tpu.dma_semaphore, #tpu.memory_space<semaphore_mem>>
      %dma_start3A_260 = tpu.memref_squeeze %dma_start3A_259 : memref<1x!tpu.dma_semaphore, #tpu.memory_space<semaphore_mem>> -> memref<!tpu.dma_semaphore, #tpu.memory_space<semaphore_mem>>
      %dma_start3A_261 = arith.constant 0 : i32
      %dma_start3A_262 = arith.constant 0 : i32
      %dma_start3A_263 = tpu.memref_slice %arg8[%rem3A_112, %dma_start3A_261, %dma_start3A_262] : memref<3x2x128xi32, #tpu.memory_space<vmem>> -> memref<1x2x128xi32, #tpu.memory_space<vmem>>
      %dma_start3A_264 = tpu.memref_squeeze %dma_start3A_263 : memref<1x2x128xi32, #tpu.memory_space<vmem>> -> memref<2x128xi32, #tpu.memory_space<vmem>>
      %dma_start3A_265 = arith.constant 0 : i32
      %dma_start3A_266 = arith.constant 0 : i32
      %dma_start3A_267 = tpu.memref_slice %arg2[%add3A_250, %dma_start3A_265, %dma_start3A_266] : memref<2528x2x128xi32, #tpu.memory_space<hbm>> -> memref<1x2x128xi32, #tpu.memory_space<hbm>>
      %dma_start3A_268 = tpu.memref_squeeze %dma_start3A_267 : memref<1x2x128xi32, #tpu.memory_space<hbm>> -> memref<2x128xi32, #tpu.memory_space<hbm>>
      tpu.enqueue_dma source(%dma_start3A_268 : memref<2x128xi32, #tpu.memory_space<hbm>>) target(%dma_start3A_264 : memref<2x128xi32, #tpu.memory_space<vmem>>) target_semaphore(%dma_start3A_260 : memref<!tpu.dma_semaphore, #tpu.memory_space<semaphore_mem>>)
    } else {
    }
    %scan3A_163 = arith.constant 0 : i32
    %scan3A_164 = arith.constant 79 : i32
    %dma_wait3A_165 = arith.constant 1 : i32
    %dma_wait3A_166 = arith.constant 1 : i32
    %dma_wait3A_167 = arith.constant 1 : i32
    %dma_wait3A_168 = arith.constant 1 : i32
    %dma_wait3A_169 = arith.constant 0 : i32
    %dma_wait3A_170 = arith.constant 0 : i32
    %dma_wait3A_171 = tpu.memref_slice %arg9[%dma_wait3A_165, %dma_wait3A_169, %dma_wait3A_170] : memref<3x128x128xf32, #tpu.memory_space<vmem>> -> memref<1x128x128xf32, #tpu.memory_space<vmem>>
    %dma_wait3A_172 = tpu.memref_squeeze %dma_wait3A_171 : memref<1x128x128xf32, #tpu.memory_space<vmem>> -> memref<128x128xf32, #tpu.memory_space<vmem>>
    %dma_wait3A_173 = arith.constant 0 : i32
    %dma_wait3A_174 = tpu.memref_slice %arg8[%dma_wait3A_166, %dma_wait3A_167, %dma_wait3A_173] : memref<3x2x128xi32, #tpu.memory_space<vmem>> -> memref<1x1x128xi32, #tpu.memory_space<vmem>>
    %dma_wait3A_175 = tpu.memref_squeeze %dma_wait3A_174 : memref<1x1x128xi32, #tpu.memory_space<vmem>> -> memref<128xi32, #tpu.memory_space<vmem>>
    %dma_wait3A_176 = arith.constant 0 : i32
    %dma_wait3A_177 = arith.constant 0 : i32
    %dma_wait3A_178 = tpu.memref_slice %arg11[%dma_wait3A_176, %dma_wait3A_177] : memref<10016x128xf32, #tpu.memory_space<vmem_shared>> -> memref<10016x128xf32, #tpu.memory_space<vmem_shared>>
    %dma_wait3A_179 = tpu.memref_slice %arg15[%dma_wait3A_168] : memref<3x!tpu.dma_semaphore, #tpu.memory_space<semaphore_mem>> -> memref<1x!tpu.dma_semaphore, #tpu.memory_space<semaphore_mem>>
    %dma_wait3A_180 = tpu.memref_squeeze %dma_wait3A_179 : memref<1x!tpu.dma_semaphore, #tpu.memory_space<semaphore_mem>> -> memref<!tpu.dma_semaphore, #tpu.memory_space<semaphore_mem>>
    tpu.wait_indirect_dma semaphore(%dma_wait3A_180 : memref<!tpu.dma_semaphore, #tpu.memory_space<semaphore_mem>>) src(%dma_wait3A_172 : memref<128x128xf32, #tpu.memory_space<vmem>>) dst(%dma_wait3A_178 : memref<10016x128xf32, #tpu.memory_space<vmem_shared>>)
    %dma_wait3A_181 = arith.constant 2 : i32
    %dma_wait3A_182 = arith.constant 2 : i32
    %dma_wait3A_183 = arith.constant 1 : i32
    %dma_wait3A_184 = arith.constant 2 : i32
    %dma_wait3A_185 = arith.constant 0 : i32
    %dma_wait3A_186 = arith.constant 0 : i32
    %dma_wait3A_187 = tpu.memref_slice %arg9[%dma_wait3A_181, %dma_wait3A_185, %dma_wait3A_186] : memref<3x128x128xf32, #tpu.memory_space<vmem>> -> memref<1x128x128xf32, #tpu.memory_space<vmem>>
    %dma_wait3A_188 = tpu.memref_squeeze %dma_wait3A_187 : memref<1x128x128xf32, #tpu.memory_space<vmem>> -> memref<128x128xf32, #tpu.memory_space<vmem>>
    %dma_wait3A_189 = arith.constant 0 : i32
    %dma_wait3A_190 = tpu.memref_slice %arg8[%dma_wait3A_182, %dma_wait3A_183, %dma_wait3A_189] : memref<3x2x128xi32, #tpu.memory_space<vmem>> -> memref<1x1x128xi32, #tpu.memory_space<vmem>>
    %dma_wait3A_191 = tpu.memref_squeeze %dma_wait3A_190 : memref<1x1x128xi32, #tpu.memory_space<vmem>> -> memref<128xi32, #tpu.memory_space<vmem>>
    %dma_wait3A_192 = arith.constant 0 : i32
    %dma_wait3A_193 = arith.constant 0 : i32
    %dma_wait3A_194 = tpu.memref_slice %arg11[%dma_wait3A_192, %dma_wait3A_193] : memref<10016x128xf32, #tpu.memory_space<vmem_shared>> -> memref<10016x128xf32, #tpu.memory_space<vmem_shared>>
    %dma_wait3A_195 = tpu.memref_slice %arg15[%dma_wait3A_184] : memref<3x!tpu.dma_semaphore, #tpu.memory_space<semaphore_mem>> -> memref<1x!tpu.dma_semaphore, #tpu.memory_space<semaphore_mem>>
    %dma_wait3A_196 = tpu.memref_squeeze %dma_wait3A_195 : memref<1x!tpu.dma_semaphore, #tpu.memory_space<semaphore_mem>> -> memref<!tpu.dma_semaphore, #tpu.memory_space<semaphore_mem>>
    tpu.wait_indirect_dma semaphore(%dma_wait3A_196 : memref<!tpu.dma_semaphore, #tpu.memory_space<semaphore_mem>>) src(%dma_wait3A_188 : memref<128x128xf32, #tpu.memory_space<vmem>>) dst(%dma_wait3A_194 : memref<10016x128xf32, #tpu.memory_space<vmem_shared>>)
    %dma_wait3A_197 = arith.constant 0 : i32
    %dma_wait3A_198 = arith.constant 0 : i32
    %dma_wait3A_199 = arith.constant 1 : i32
    %dma_wait3A_200 = arith.constant 0 : i32
    %dma_wait3A_201 = arith.constant 0 : i32
    %dma_wait3A_202 = arith.constant 0 : i32
    %dma_wait3A_203 = tpu.memref_slice %arg9[%dma_wait3A_197, %dma_wait3A_201, %dma_wait3A_202] : memref<3x128x128xf32, #tpu.memory_space<vmem>> -> memref<1x128x128xf32, #tpu.memory_space<vmem>>
    %dma_wait3A_204 = tpu.memref_squeeze %dma_wait3A_203 : memref<1x128x128xf32, #tpu.memory_space<vmem>> -> memref<128x128xf32, #tpu.memory_space<vmem>>
    %dma_wait3A_205 = arith.constant 0 : i32
    %dma_wait3A_206 = tpu.memref_slice %arg8[%dma_wait3A_198, %dma_wait3A_199, %dma_wait3A_205] : memref<3x2x128xi32, #tpu.memory_space<vmem>> -> memref<1x1x128xi32, #tpu.memory_space<vmem>>
    %dma_wait3A_207 = tpu.memref_squeeze %dma_wait3A_206 : memref<1x1x128xi32, #tpu.memory_space<vmem>> -> memref<128xi32, #tpu.memory_space<vmem>>
    %dma_wait3A_208 = arith.constant 0 : i32
    %dma_wait3A_209 = arith.constant 0 : i32
    %dma_wait3A_210 = tpu.memref_slice %arg11[%dma_wait3A_208, %dma_wait3A_209] : memref<10016x128xf32, #tpu.memory_space<vmem_shared>> -> memref<10016x128xf32, #tpu.memory_space<vmem_shared>>
    %dma_wait3A_211 = tpu.memref_slice %arg15[%dma_wait3A_200] : memref<3x!tpu.dma_semaphore, #tpu.memory_space<semaphore_mem>> -> memref<1x!tpu.dma_semaphore, #tpu.memory_space<semaphore_mem>>
    %dma_wait3A_212 = tpu.memref_squeeze %dma_wait3A_211 : memref<1x!tpu.dma_semaphore, #tpu.memory_space<semaphore_mem>> -> memref<!tpu.dma_semaphore, #tpu.memory_space<semaphore_mem>>
    tpu.wait_indirect_dma semaphore(%dma_wait3A_212 : memref<!tpu.dma_semaphore, #tpu.memory_space<semaphore_mem>>) src(%dma_wait3A_204 : memref<128x128xf32, #tpu.memory_space<vmem>>) dst(%dma_wait3A_210 : memref<10016x128xf32, #tpu.memory_space<vmem_shared>>)
    %barrier3A_213 = arith.constant 0 : index
    tpu.barrier barrier_id(%barrier3A_213)
    %eq3A = arith.constant 0 : i32
    %eq3A_214 = arith.cmpi eq, %arg0, %eq3A : i32
    %lt3A_215 = arith.constant 15 : i32
    %lt3A_216 = arith.cmpi slt, %arg1, %lt3A_215 : i32
    %and3A = arith.andi %eq3A_214, %lt3A_216 : i1
    %convert_element_type3A_217 = arith.extui %and3A : i1 to i32
    %cond3A_218 = arith.constant 0 : i32
    %cond3A_219 = arith.cmpi ne, %convert_element_type3A_217, %cond3A_218 : i32
    scf.if %cond3A_219 {
      %mul3A_244 = arith.constant 640 : i32
      %mul3A_245 = arith.muli %arg1, %mul3A_244 : i32
      %mul3A_246 = arith.constant 640 : i32
      %mul3A_247 = arith.muli %arg1, %mul3A_246 : i32
      "tpu.region"() ({
        %run_scoped3A = tpu.sem_alloc : memref<!tpu.dma_semaphore, #tpu.memory_space<semaphore_mem>>
        %dma_start3A_248 = arith.constant 0 : i32
        %dma_start3A_249 = tpu.memref_slice %arg6[%mul3A_247, %dma_start3A_248] : memref<10000x128xf32, #tpu.memory_space<hbm>> -> memref<640x128xf32, #tpu.memory_space<hbm>>
        %dma_start3A_250 = arith.constant 0 : i32
        %dma_start3A_251 = tpu.memref_slice %arg11[%mul3A_245, %dma_start3A_250] : memref<10016x128xf32, #tpu.memory_space<vmem_shared>> -> memref<640x128xf32, #tpu.memory_space<vmem_shared>>
        tpu.enqueue_dma source(%dma_start3A_251 : memref<640x128xf32, #tpu.memory_space<vmem_shared>>) target(%dma_start3A_249 : memref<640x128xf32, #tpu.memory_space<hbm>>) target_semaphore(%run_scoped3A : memref<!tpu.dma_semaphore, #tpu.memory_space<semaphore_mem>>)
        %dma_wait3A_252 = arith.constant 0 : i32
        %dma_wait3A_253 = tpu.memref_slice %arg6[%mul3A_247, %dma_wait3A_252] : memref<10000x128xf32, #tpu.memory_space<hbm>> -> memref<640x128xf32, #tpu.memory_space<hbm>>
        %dma_wait3A_254 = arith.constant 0 : i32
        %dma_wait3A_255 = tpu.memref_slice %arg11[%mul3A_245, %dma_wait3A_254] : memref<10016x128xf32, #tpu.memory_space<vmem_shared>> -> memref<640x128xf32, #tpu.memory_space<vmem_shared>>
        tpu.wait_dma2 semaphore(%run_scoped3A : memref<!tpu.dma_semaphore, #tpu.memory_space<semaphore_mem>>) src(%dma_wait3A_255 : memref<640x128xf32, #tpu.memory_space<vmem_shared>>) dst(%dma_wait3A_253 : memref<640x128xf32, #tpu.memory_space<hbm>>)
        tpu.yield
      }) : () -> ()
    } else {
    }
    %eq3A_220 = arith.constant 0 : i32
    %eq3A_221 = arith.cmpi eq, %arg0, %eq3A_220 : i32
    %eq3A_222 = arith.constant 15 : i32
    %eq3A_223 = arith.cmpi eq, %arg1, %eq3A_222 : i32
    %and3A_224 = arith.andi %eq3A_221, %eq3A_223 : i1
    %convert_element_type3A_225 = arith.extui %and3A_224 : i1 to i32
    %cond3A_226 = arith.constant 0 : i32
    %cond3A_227 = arith.cmpi ne, %convert_element_type3A_225, %cond3A_226 : i32
    scf.if %cond3A_227 {
      "tpu.region"() ({
        %run_scoped3A = tpu.sem_alloc : memref<!tpu.dma_semaphore, #tpu.memory_space<semaphore_mem>>
        %dma_start3A_244 = arith.constant 9600 : i32
        %dma_start3A_245 = arith.constant 0 : i32
        %dma_start3A_246 = tpu.memref_slice %arg6[%dma_start3A_244, %dma_start3A_245] : memref<10000x128xf32, #tpu.memory_space<hbm>> -> memref<400x128xf32, #tpu.memory_space<hbm>>
        %dma_start3A_247 = arith.constant 9600 : i32
        %dma_start3A_248 = arith.constant 0 : i32
        %dma_start3A_249 = tpu.memref_slice %arg11[%dma_start3A_247, %dma_start3A_248] : memref<10016x128xf32, #tpu.memory_space<vmem_shared>> -> memref<400x128xf32, #tpu.memory_space<vmem_shared>>
        tpu.enqueue_dma source(%dma_start3A_249 : memref<400x128xf32, #tpu.memory_space<vmem_shared>>) target(%dma_start3A_246 : memref<400x128xf32, #tpu.memory_space<hbm>>) target_semaphore(%run_scoped3A : memref<!tpu.dma_semaphore, #tpu.memory_space<semaphore_mem>>)
        %dma_wait3A_250 = arith.constant 9600 : i32
        %dma_wait3A_251 = arith.constant 0 : i32
        %dma_wait3A_252 = tpu.memref_slice %arg6[%dma_wait3A_250, %dma_wait3A_251] : memref<10000x128xf32, #tpu.memory_space<hbm>> -> memref<400x128xf32, #tpu.memory_space<hbm>>
        %dma_wait3A_253 = arith.constant 9600 : i32
        %dma_wait3A_254 = arith.constant 0 : i32
        %dma_wait3A_255 = tpu.memref_slice %arg11[%dma_wait3A_253, %dma_wait3A_254] : memref<10016x128xf32, #tpu.memory_space<vmem_shared>> -> memref<400x128xf32, #tpu.memory_space<vmem_shared>>
        tpu.wait_dma2 semaphore(%run_scoped3A : memref<!tpu.dma_semaphore, #tpu.memory_space<semaphore_mem>>) src(%dma_wait3A_255 : memref<400x128xf32, #tpu.memory_space<vmem_shared>>) dst(%dma_wait3A_252 : memref<400x128xf32, #tpu.memory_space<hbm>>)
        tpu.yield
      }) : () -> ()
    } else {
    }
    %eq3A_228 = arith.constant 1 : i32
    %eq3A_229 = arith.cmpi eq, %arg0, %eq3A_228 : i32
    %lt3A_230 = arith.constant 15 : i32
    %lt3A_231 = arith.cmpi slt, %arg1, %lt3A_230 : i32
    %and3A_232 = arith.andi %eq3A_229, %lt3A_231 : i1
    %convert_element_type3A_233 = arith.extui %and3A_232 : i1 to i32
    %cond3A_234 = arith.constant 0 : i32
    %cond3A_235 = arith.cmpi ne, %convert_element_type3A_233, %cond3A_234 : i32
    scf.if %cond3A_235 {
      %mul3A_244 = arith.constant 640 : i32
      %mul3A_245 = arith.muli %arg1, %mul3A_244 : i32
      %mul3A_246 = arith.constant 640 : i32
      %mul3A_247 = arith.muli %arg1, %mul3A_246 : i32
      "tpu.region"() ({
        %run_scoped3A = tpu.sem_alloc : memref<!tpu.dma_semaphore, #tpu.memory_space<semaphore_mem>>
        %dma_start3A_248 = arith.constant 0 : i32
        %dma_start3A_249 = tpu.memref_slice %arg7[%mul3A_247, %dma_start3A_248] : memref<10000x128xf32, #tpu.memory_space<hbm>> -> memref<640x128xf32, #tpu.memory_space<hbm>>
        %dma_start3A_250 = arith.constant 0 : i32
        %dma_start3A_251 = tpu.memref_slice %arg11[%mul3A_245, %dma_start3A_250] : memref<10016x128xf32, #tpu.memory_space<vmem_shared>> -> memref<640x128xf32, #tpu.memory_space<vmem_shared>>
        tpu.enqueue_dma source(%dma_start3A_251 : memref<640x128xf32, #tpu.memory_space<vmem_shared>>) target(%dma_start3A_249 : memref<640x128xf32, #tpu.memory_space<hbm>>) target_semaphore(%run_scoped3A : memref<!tpu.dma_semaphore, #tpu.memory_space<semaphore_mem>>)
        %dma_wait3A_252 = arith.constant 0 : i32
        %dma_wait3A_253 = tpu.memref_slice %arg7[%mul3A_247, %dma_wait3A_252] : memref<10000x128xf32, #tpu.memory_space<hbm>> -> memref<640x128xf32, #tpu.memory_space<hbm>>
        %dma_wait3A_254 = arith.constant 0 : i32
        %dma_wait3A_255 = tpu.memref_slice %arg11[%mul3A_245, %dma_wait3A_254] : memref<10016x128xf32, #tpu.memory_space<vmem_shared>> -> memref<640x128xf32, #tpu.memory_space<vmem_shared>>
        tpu.wait_dma2 semaphore(%run_scoped3A : memref<!tpu.dma_semaphore, #tpu.memory_space<semaphore_mem>>) src(%dma_wait3A_255 : memref<640x128xf32, #tpu.memory_space<vmem_shared>>) dst(%dma_wait3A_253 : memref<640x128xf32, #tpu.memory_space<hbm>>)
        tpu.yield
      }) : () -> ()
    } else {
    }
    %eq3A_236 = arith.constant 1 : i32
    %eq3A_237 = arith.cmpi eq, %arg0, %eq3A_236 : i32
    %eq3A_238 = arith.constant 15 : i32
    %eq3A_239 = arith.cmpi eq, %arg1, %eq3A_238 : i32
    %and3A_240 = arith.andi %eq3A_237, %eq3A_239 : i1
    %convert_element_type3A_241 = arith.extui %and3A_240 : i1 to i32
    %cond3A_242 = arith.constant 0 : i32
    %cond3A_243 = arith.cmpi ne, %convert_element_type3A_241, %cond3A_242 : i32
    scf.if %cond3A_243 {
      "tpu.region"() ({
        %run_scoped3A = tpu.sem_alloc : memref<!tpu.dma_semaphore, #tpu.memory_space<semaphore_mem>>
        %dma_start3A_244 = arith.constant 9600 : i32
        %dma_start3A_245 = arith.constant 0 : i32
        %dma_start3A_246 = tpu.memref_slice %arg7[%dma_start3A_244, %dma_start3A_245] : memref<10000x128xf32, #tpu.memory_space<hbm>> -> memref<400x128xf32, #tpu.memory_space<hbm>>
        %dma_start3A_247 = arith.constant 9600 : i32
        %dma_start3A_248 = arith.constant 0 : i32
        %dma_start3A_249 = tpu.memref_slice %arg11[%dma_start3A_247, %dma_start3A_248] : memref<10016x128xf32, #tpu.memory_space<vmem_shared>> -> memref<400x128xf32, #tpu.memory_space<vmem_shared>>
        tpu.enqueue_dma source(%dma_start3A_249 : memref<400x128xf32, #tpu.memory_space<vmem_shared>>) target(%dma_start3A_246 : memref<400x128xf32, #tpu.memory_space<hbm>>) target_semaphore(%run_scoped3A : memref<!tpu.dma_semaphore, #tpu.memory_space<semaphore_mem>>)
        %dma_wait3A_250 = arith.constant 9600 : i32
        %dma_wait3A_251 = arith.constant 0 : i32
        %dma_wait3A_252 = tpu.memref_slice %arg7[%dma_wait3A_250, %dma_wait3A_251] : memref<10000x128xf32, #tpu.memory_space<hbm>> -> memref<400x128xf32, #tpu.memory_space<hbm>>
        %dma_wait3A_253 = arith.constant 9600 : i32
        %dma_wait3A_254 = arith.constant 0 : i32
        %dma_wait3A_255 = tpu.memref_slice %arg11[%dma_wait3A_253, %dma_wait3A_254] : memref<10016x128xf32, #tpu.memory_space<vmem_shared>> -> memref<400x128xf32, #tpu.memory_space<vmem_shared>>
        tpu.wait_dma2 semaphore(%run_scoped3A : memref<!tpu.dma_semaphore, #tpu.memory_space<semaphore_mem>>) src(%dma_wait3A_255 : memref<400x128xf32, #tpu.memory_space<vmem_shared>>) dst(%dma_wait3A_252 : memref<400x128xf32, #tpu.memory_space<hbm>>)
        tpu.yield
      }) : () -> ()
    } else {
    }
    return
  }
}

#map = affine_map<(d0, d1) -> (0, 0, 0)>
#map1 = affine_map<(d0, d1) -> (0, 0)>
#map2 = affine_map<(d0, d1) -> (0)>
module attributes {stable_mosaic.version = 14 : i64} {
  func.func @agg(%arg0: i32, %arg1: i32, %arg2: memref<2528x2x128xi32, #tpu.memory_space<hbm>>, %arg3: memref<10000x128xf32, #tpu.memory_space<hbm>>, %arg4: memref<626x128xf32, #tpu.memory_space<hbm>>, %arg5: memref<10016xf32, #tpu.memory_space<hbm>>, %arg6: memref<10000x128xf32, #tpu.memory_space<hbm>>, %arg7: memref<10000x128xf32, #tpu.memory_space<hbm>>, %arg8: memref<10016xf32, #tpu.memory_space<hbm>>, %arg9: memref<10016xf32, #tpu.memory_space<hbm>>, %arg10: memref<3x2x128xi32, #tpu.memory_space<vmem>>, %arg11: memref<3x128x128xf32, #tpu.memory_space<vmem>>, %arg12: memref<128xf32, #tpu.memory_space<vmem>>, %arg13: memref<10016x128xf32, #tpu.memory_space<vmem_shared>>, %arg14: memref<10016xf32, #tpu.memory_space<vmem_shared>>, %arg15: memref<3x!tpu.dma_semaphore, #tpu.memory_space<semaphore_mem>>, %arg16: memref<3x!tpu.dma_semaphore, #tpu.memory_space<semaphore_mem>>, %arg17: memref<3x!tpu.dma_semaphore, #tpu.memory_space<semaphore_mem>>, %arg18: memref<3x!tpu.dma_semaphore, #tpu.memory_space<semaphore_mem>>) attributes {dimension_semantics = [#tpu.dimension_semantics<core_parallel>, #tpu.dimension_semantics<subcore_parallel>], iteration_bounds = array<i64: 2, 16>, scalar_prefetch = 0 : i64, scratch_operands = 9 : i64, tpu.core_type = #tpu.core_type<sc_vector_subcore>, window_params = [{transform_indices = #map}, {transform_indices = #map1}, {transform_indices = #map1}, {transform_indices = #map2}, {transform_indices = #map1}, {transform_indices = #map1}, {transform_indices = #map2}, {transform_indices = #map2}]} {
    %scan3A = arith.constant 0 : i32
    %scan3A_0 = arith.constant 0 : i32
    %scan3A_1 = arith.constant 8 : i32
    %scan3A_2 = arith.addi %scan3A_0, %scan3A_1 : i32
    %scan3A_3 = arith.constant 1 : i32
    %scan3A_4 = scf.for %scan3A_310 = %scan3A_0 to %scan3A_2 step %scan3A_3 iter_args(%scan3A_311 = %scan3A) -> (i32)  : i32 {
      %broadcast_in_dim3A = arith.constant 1.000000e+00 : f32
      %broadcast_in_dim3A_312 = vector.broadcast %broadcast_in_dim3A : f32 to vector<16xf32>
      %mul3A_313 = arith.constant 16 : i32
      %mul3A_314 = arith.muli %scan3A_310, %mul3A_313 : i32
      %swap3A = arith.index_cast %mul3A_314 : i32 to index
      %swap3A_315 = tpu.vector_load %arg12[%swap3A] {strides = array<i32>} : memref<128xf32, #tpu.memory_space<vmem>>, vector<16xf32>,
      %swap3A_316 = vector.shape_cast %swap3A_315 : vector<16xf32> to vector<16xf32>
      %swap3A_317 = vector.shape_cast %broadcast_in_dim3A_312 : vector<16xf32> to vector<16xf32>
      tpu.vector_store %arg12[%swap3A], %swap3A_317 {strides = array<i32>} : memref<128xf32, #tpu.memory_space<vmem>>, vector<16xf32>,
      %scan3A_318 = arith.constant 0 : i32
      scf.yield %scan3A_318 : i32
    }
    %scan3A_5 = arith.constant 8 : i32
    %mul3A = arith.constant 16 : i32
    %mul3A_6 = arith.muli %arg0, %mul3A : i32
    %add3A = arith.addi %mul3A_6, %arg1 : i32
    %mul3A_7 = arith.constant 79 : i32
    %mul3A_8 = arith.muli %add3A, %mul3A_7 : i32
    %dma_start3A = arith.constant 0 : i32
    %dma_start3A_9 = arith.constant 0 : i32
    %dma_start3A_10 = arith.constant 0 : i32
    %dma_start3A_11 = arith.constant 0 : i32
    %dma_start3A_12 = tpu.memref_slice %arg10[%dma_start3A, %dma_start3A_10, %dma_start3A_11] : memref<3x2x128xi32, #tpu.memory_space<vmem>> -> memref<1x2x128xi32, #tpu.memory_space<vmem>>
    %dma_start3A_13 = tpu.memref_squeeze %dma_start3A_12 : memref<1x2x128xi32, #tpu.memory_space<vmem>> -> memref<2x128xi32, #tpu.memory_space<vmem>>
    %dma_start3A_14 = arith.constant 0 : i32
    %dma_start3A_15 = arith.constant 0 : i32
    %dma_start3A_16 = tpu.memref_slice %arg2[%mul3A_8, %dma_start3A_14, %dma_start3A_15] : memref<2528x2x128xi32, #tpu.memory_space<hbm>> -> memref<1x2x128xi32, #tpu.memory_space<hbm>>
    %dma_start3A_17 = tpu.memref_squeeze %dma_start3A_16 : memref<1x2x128xi32, #tpu.memory_space<hbm>> -> memref<2x128xi32, #tpu.memory_space<hbm>>
    %dma_start3A_18 = tpu.memref_slice %arg15[%dma_start3A_9] : memref<3x!tpu.dma_semaphore, #tpu.memory_space<semaphore_mem>> -> memref<1x!tpu.dma_semaphore, #tpu.memory_space<semaphore_mem>>
    %dma_start3A_19 = tpu.memref_squeeze %dma_start3A_18 : memref<1x!tpu.dma_semaphore, #tpu.memory_space<semaphore_mem>> -> memref<!tpu.dma_semaphore, #tpu.memory_space<semaphore_mem>>
    %dma_start3A_20 = arith.constant 0 : i32
    %dma_start3A_21 = arith.constant 0 : i32
    %dma_start3A_22 = tpu.memref_slice %arg10[%dma_start3A, %dma_start3A_20, %dma_start3A_21] : memref<3x2x128xi32, #tpu.memory_space<vmem>> -> memref<1x2x128xi32, #tpu.memory_space<vmem>>
    %dma_start3A_23 = tpu.memref_squeeze %dma_start3A_22 : memref<1x2x128xi32, #tpu.memory_space<vmem>> -> memref<2x128xi32, #tpu.memory_space<vmem>>
    %dma_start3A_24 = arith.constant 0 : i32
    %dma_start3A_25 = arith.constant 0 : i32
    %dma_start3A_26 = tpu.memref_slice %arg2[%mul3A_8, %dma_start3A_24, %dma_start3A_25] : memref<2528x2x128xi32, #tpu.memory_space<hbm>> -> memref<1x2x128xi32, #tpu.memory_space<hbm>>
    %dma_start3A_27 = tpu.memref_squeeze %dma_start3A_26 : memref<1x2x128xi32, #tpu.memory_space<hbm>> -> memref<2x128xi32, #tpu.memory_space<hbm>>
    tpu.enqueue_dma source(%dma_start3A_27 : memref<2x128xi32, #tpu.memory_space<hbm>>) target(%dma_start3A_23 : memref<2x128xi32, #tpu.memory_space<vmem>>) target_semaphore(%dma_start3A_19 : memref<!tpu.dma_semaphore, #tpu.memory_space<semaphore_mem>>)
    %mul3A_28 = arith.constant 626 : i32
    %mul3A_29 = arith.muli %arg1, %mul3A_28 : i32
    "tpu.region"() ({
      %run_scoped3A = tpu.sem_alloc : memref<!tpu.dma_semaphore, #tpu.memory_space<semaphore_mem>>
      %dma_start3A_310 = arith.constant 0 : i32
      %dma_start3A_311 = tpu.memref_slice %arg13[%mul3A_29, %dma_start3A_310] : memref<10016x128xf32, #tpu.memory_space<vmem_shared>> -> memref<626x128xf32, #tpu.memory_space<vmem_shared>>
      tpu.enqueue_dma source(%arg4 : memref<626x128xf32, #tpu.memory_space<hbm>>) target(%dma_start3A_311 : memref<626x128xf32, #tpu.memory_space<vmem_shared>>) target_semaphore(%run_scoped3A : memref<!tpu.dma_semaphore, #tpu.memory_space<semaphore_mem>>)
      %dma_wait3A_312 = arith.constant 0 : i32
      %dma_wait3A_313 = tpu.memref_slice %arg13[%mul3A_29, %dma_wait3A_312] : memref<10016x128xf32, #tpu.memory_space<vmem_shared>> -> memref<626x128xf32, #tpu.memory_space<vmem_shared>>
      tpu.wait_dma2 semaphore(%run_scoped3A : memref<!tpu.dma_semaphore, #tpu.memory_space<semaphore_mem>>) src(%arg4 : memref<626x128xf32, #tpu.memory_space<hbm>>) dst(%dma_wait3A_313 : memref<626x128xf32, #tpu.memory_space<vmem_shared>>)
      tpu.yield
    }) : () -> ()
    %eq3A = arith.constant 0 : i32
    %eq3A_30 = arith.cmpi eq, %arg1, %eq3A : i32
    %convert_element_type3A = arith.extui %eq3A_30 : i1 to i32
    %cond3A = arith.constant 0 : i32
    %cond3A_31 = arith.cmpi ne, %convert_element_type3A, %cond3A : i32
    scf.if %cond3A_31 {
      "tpu.region"() ({
        %run_scoped3A = tpu.sem_alloc : memref<!tpu.dma_semaphore, #tpu.memory_space<semaphore_mem>>
        tpu.enqueue_dma source(%arg5 : memref<10016xf32, #tpu.memory_space<hbm>>) target(%arg14 : memref<10016xf32, #tpu.memory_space<vmem_shared>>) target_semaphore(%run_scoped3A : memref<!tpu.dma_semaphore, #tpu.memory_space<semaphore_mem>>)
        tpu.wait_dma2 semaphore(%run_scoped3A : memref<!tpu.dma_semaphore, #tpu.memory_space<semaphore_mem>>) src(%arg5 : memref<10016xf32, #tpu.memory_space<hbm>>) dst(%arg14 : memref<10016xf32, #tpu.memory_space<vmem_shared>>)
        tpu.yield
      }) : () -> ()
    } else {
    }
    %barrier3A = arith.constant 0 : index
    tpu.barrier barrier_id(%barrier3A)
    %add3A_32 = arith.constant 1 : i32
    %add3A_33 = arith.addi %mul3A_8, %add3A_32 : i32
    %dma_start3A_34 = arith.constant 1 : i32
    %dma_start3A_35 = arith.constant 1 : i32
    %dma_start3A_36 = arith.constant 0 : i32
    %dma_start3A_37 = arith.constant 0 : i32
    %dma_start3A_38 = tpu.memref_slice %arg10[%dma_start3A_34, %dma_start3A_36, %dma_start3A_37] : memref<3x2x128xi32, #tpu.memory_space<vmem>> -> memref<1x2x128xi32, #tpu.memory_space<vmem>>
    %dma_start3A_39 = tpu.memref_squeeze %dma_start3A_38 : memref<1x2x128xi32, #tpu.memory_space<vmem>> -> memref<2x128xi32, #tpu.memory_space<vmem>>
    %dma_start3A_40 = arith.constant 0 : i32
    %dma_start3A_41 = arith.constant 0 : i32
    %dma_start3A_42 = tpu.memref_slice %arg2[%add3A_33, %dma_start3A_40, %dma_start3A_41] : memref<2528x2x128xi32, #tpu.memory_space<hbm>> -> memref<1x2x128xi32, #tpu.memory_space<hbm>>
    %dma_start3A_43 = tpu.memref_squeeze %dma_start3A_42 : memref<1x2x128xi32, #tpu.memory_space<hbm>> -> memref<2x128xi32, #tpu.memory_space<hbm>>
    %dma_start3A_44 = tpu.memref_slice %arg15[%dma_start3A_35] : memref<3x!tpu.dma_semaphore, #tpu.memory_space<semaphore_mem>> -> memref<1x!tpu.dma_semaphore, #tpu.memory_space<semaphore_mem>>
    %dma_start3A_45 = tpu.memref_squeeze %dma_start3A_44 : memref<1x!tpu.dma_semaphore, #tpu.memory_space<semaphore_mem>> -> memref<!tpu.dma_semaphore, #tpu.memory_space<semaphore_mem>>
    %dma_start3A_46 = arith.constant 0 : i32
    %dma_start3A_47 = arith.constant 0 : i32
    %dma_start3A_48 = tpu.memref_slice %arg10[%dma_start3A_34, %dma_start3A_46, %dma_start3A_47] : memref<3x2x128xi32, #tpu.memory_space<vmem>> -> memref<1x2x128xi32, #tpu.memory_space<vmem>>
    %dma_start3A_49 = tpu.memref_squeeze %dma_start3A_48 : memref<1x2x128xi32, #tpu.memory_space<vmem>> -> memref<2x128xi32, #tpu.memory_space<vmem>>
    %dma_start3A_50 = arith.constant 0 : i32
    %dma_start3A_51 = arith.constant 0 : i32
    %dma_start3A_52 = tpu.memref_slice %arg2[%add3A_33, %dma_start3A_50, %dma_start3A_51] : memref<2528x2x128xi32, #tpu.memory_space<hbm>> -> memref<1x2x128xi32, #tpu.memory_space<hbm>>
    %dma_start3A_53 = tpu.memref_squeeze %dma_start3A_52 : memref<1x2x128xi32, #tpu.memory_space<hbm>> -> memref<2x128xi32, #tpu.memory_space<hbm>>
    tpu.enqueue_dma source(%dma_start3A_53 : memref<2x128xi32, #tpu.memory_space<hbm>>) target(%dma_start3A_49 : memref<2x128xi32, #tpu.memory_space<vmem>>) target_semaphore(%dma_start3A_45 : memref<!tpu.dma_semaphore, #tpu.memory_space<semaphore_mem>>)
    %dma_wait3A = arith.constant 0 : i32
    %dma_wait3A_54 = arith.constant 0 : i32
    %dma_wait3A_55 = arith.constant 0 : i32
    %dma_wait3A_56 = arith.constant 0 : i32
    %dma_wait3A_57 = tpu.memref_slice %arg10[%dma_wait3A, %dma_wait3A_55, %dma_wait3A_56] : memref<3x2x128xi32, #tpu.memory_space<vmem>> -> memref<1x2x128xi32, #tpu.memory_space<vmem>>
    %dma_wait3A_58 = tpu.memref_squeeze %dma_wait3A_57 : memref<1x2x128xi32, #tpu.memory_space<vmem>> -> memref<2x128xi32, #tpu.memory_space<vmem>>
    %dma_wait3A_59 = arith.constant 0 : i32
    %dma_wait3A_60 = arith.constant 0 : i32
    %dma_wait3A_61 = tpu.memref_slice %arg2[%mul3A_8, %dma_wait3A_59, %dma_wait3A_60] : memref<2528x2x128xi32, #tpu.memory_space<hbm>> -> memref<1x2x128xi32, #tpu.memory_space<hbm>>
    %dma_wait3A_62 = tpu.memref_squeeze %dma_wait3A_61 : memref<1x2x128xi32, #tpu.memory_space<hbm>> -> memref<2x128xi32, #tpu.memory_space<hbm>>
    %dma_wait3A_63 = tpu.memref_slice %arg15[%dma_wait3A_54] : memref<3x!tpu.dma_semaphore, #tpu.memory_space<semaphore_mem>> -> memref<1x!tpu.dma_semaphore, #tpu.memory_space<semaphore_mem>>
    %dma_wait3A_64 = tpu.memref_squeeze %dma_wait3A_63 : memref<1x!tpu.dma_semaphore, #tpu.memory_space<semaphore_mem>> -> memref<!tpu.dma_semaphore, #tpu.memory_space<semaphore_mem>>
    %dma_wait3A_65 = arith.constant 0 : i32
    %dma_wait3A_66 = arith.constant 0 : i32
    %dma_wait3A_67 = tpu.memref_slice %arg10[%dma_wait3A, %dma_wait3A_65, %dma_wait3A_66] : memref<3x2x128xi32, #tpu.memory_space<vmem>> -> memref<1x2x128xi32, #tpu.memory_space<vmem>>
    %dma_wait3A_68 = tpu.memref_squeeze %dma_wait3A_67 : memref<1x2x128xi32, #tpu.memory_space<vmem>> -> memref<2x128xi32, #tpu.memory_space<vmem>>
    %dma_wait3A_69 = arith.constant 0 : i32
    %dma_wait3A_70 = arith.constant 0 : i32
    %dma_wait3A_71 = tpu.memref_slice %arg2[%mul3A_8, %dma_wait3A_69, %dma_wait3A_70] : memref<2528x2x128xi32, #tpu.memory_space<hbm>> -> memref<1x2x128xi32, #tpu.memory_space<hbm>>
    %dma_wait3A_72 = tpu.memref_squeeze %dma_wait3A_71 : memref<1x2x128xi32, #tpu.memory_space<hbm>> -> memref<2x128xi32, #tpu.memory_space<hbm>>
    tpu.wait_dma2 semaphore(%dma_wait3A_64 : memref<!tpu.dma_semaphore, #tpu.memory_space<semaphore_mem>>) src(%dma_wait3A_72 : memref<2x128xi32, #tpu.memory_space<hbm>>) dst(%dma_wait3A_68 : memref<2x128xi32, #tpu.memory_space<vmem>>)
    %dma_start3A_73 = arith.constant 0 : i32
    %dma_start3A_74 = arith.constant 0 : i32
    %dma_start3A_75 = arith.constant 0 : i32
    %dma_start3A_76 = arith.constant 0 : i32
    %dma_start3A_77 = arith.constant 0 : i32
    %dma_start3A_78 = arith.constant 0 : i32
    %dma_start3A_79 = tpu.memref_slice %arg11[%dma_start3A_75, %dma_start3A_77, %dma_start3A_78] : memref<3x128x128xf32, #tpu.memory_space<vmem>> -> memref<1x64x128xf32, #tpu.memory_space<vmem>>
    %dma_start3A_80 = tpu.memref_squeeze %dma_start3A_79 : memref<1x64x128xf32, #tpu.memory_space<vmem>> -> memref<64x128xf32, #tpu.memory_space<vmem>>
    %dma_start3A_81 = arith.constant 0 : i32
    %dma_start3A_82 = tpu.memref_slice %arg10[%dma_start3A_73, %dma_start3A_74, %dma_start3A_81] : memref<3x2x128xi32, #tpu.memory_space<vmem>> -> memref<1x1x64xi32, #tpu.memory_space<vmem>>
    %dma_start3A_83 = tpu.memref_squeeze %dma_start3A_82 : memref<1x1x64xi32, #tpu.memory_space<vmem>> -> memref<64xi32, #tpu.memory_space<vmem>>
    %dma_start3A_84 = arith.constant 0 : i32
    %dma_start3A_85 = arith.constant 0 : i32
    %dma_start3A_86 = tpu.memref_slice %arg3[%dma_start3A_84, %dma_start3A_85] : memref<10000x128xf32, #tpu.memory_space<hbm>> -> memref<10000x128xf32, #tpu.memory_space<hbm>>
    %dma_start3A_87 = tpu.memref_slice %arg16[%dma_start3A_76] : memref<3x!tpu.dma_semaphore, #tpu.memory_space<semaphore_mem>> -> memref<1x!tpu.dma_semaphore, #tpu.memory_space<semaphore_mem>>
    %dma_start3A_88 = tpu.memref_squeeze %dma_start3A_87 : memref<1x!tpu.dma_semaphore, #tpu.memory_space<semaphore_mem>> -> memref<!tpu.dma_semaphore, #tpu.memory_space<semaphore_mem>>
    tpu.enqueue_indirect_dma source(%dma_start3A_86 : memref<10000x128xf32, #tpu.memory_space<hbm>>) target(%dma_start3A_80 : memref<64x128xf32, #tpu.memory_space<vmem>>) offsets(%dma_start3A_83 : memref<64xi32, #tpu.memory_space<vmem>>) semaphore(%dma_start3A_88 : memref<!tpu.dma_semaphore, #tpu.memory_space<semaphore_mem>>)
    %dma_start3A_89 = arith.constant 0 : i32
    %dma_start3A_90 = arith.constant 0 : i32
    %dma_start3A_91 = arith.constant 0 : i32
    %dma_start3A_92 = arith.constant 0 : i32
    %dma_start3A_93 = arith.constant 64 : i32
    %dma_start3A_94 = arith.constant 0 : i32
    %dma_start3A_95 = tpu.memref_slice %arg11[%dma_start3A_91, %dma_start3A_93, %dma_start3A_94] : memref<3x128x128xf32, #tpu.memory_space<vmem>> -> memref<1x64x128xf32, #tpu.memory_space<vmem>>
    %dma_start3A_96 = tpu.memref_squeeze %dma_start3A_95 : memref<1x64x128xf32, #tpu.memory_space<vmem>> -> memref<64x128xf32, #tpu.memory_space<vmem>>
    %dma_start3A_97 = arith.constant 64 : i32
    %dma_start3A_98 = tpu.memref_slice %arg10[%dma_start3A_89, %dma_start3A_90, %dma_start3A_97] : memref<3x2x128xi32, #tpu.memory_space<vmem>> -> memref<1x1x64xi32, #tpu.memory_space<vmem>>
    %dma_start3A_99 = tpu.memref_squeeze %dma_start3A_98 : memref<1x1x64xi32, #tpu.memory_space<vmem>> -> memref<64xi32, #tpu.memory_space<vmem>>
    %dma_start3A_100 = arith.constant 0 : i32
    %dma_start3A_101 = arith.constant 0 : i32
    %dma_start3A_102 = tpu.memref_slice %arg3[%dma_start3A_100, %dma_start3A_101] : memref<10000x128xf32, #tpu.memory_space<hbm>> -> memref<10000x128xf32, #tpu.memory_space<hbm>>
    %dma_start3A_103 = tpu.memref_slice %arg16[%dma_start3A_92] : memref<3x!tpu.dma_semaphore, #tpu.memory_space<semaphore_mem>> -> memref<1x!tpu.dma_semaphore, #tpu.memory_space<semaphore_mem>>
    %dma_start3A_104 = tpu.memref_squeeze %dma_start3A_103 : memref<1x!tpu.dma_semaphore, #tpu.memory_space<semaphore_mem>> -> memref<!tpu.dma_semaphore, #tpu.memory_space<semaphore_mem>>
    tpu.enqueue_indirect_dma source(%dma_start3A_102 : memref<10000x128xf32, #tpu.memory_space<hbm>>) target(%dma_start3A_96 : memref<64x128xf32, #tpu.memory_space<vmem>>) offsets(%dma_start3A_99 : memref<64xi32, #tpu.memory_space<vmem>>) semaphore(%dma_start3A_104 : memref<!tpu.dma_semaphore, #tpu.memory_space<semaphore_mem>>)
    %scan3A_105 = arith.constant 0 : i32
    %scan3A_106 = arith.constant 0 : i32
    %scan3A_107 = arith.constant 78 : i32
    %scan3A_108 = arith.addi %scan3A_106, %scan3A_107 : i32
    %scan3A_109 = arith.constant 2 : i32
    %scan3A_110 = scf.for %scan3A_310 = %scan3A_106 to %scan3A_108 step %scan3A_109 iter_args(%scan3A_311 = %scan3A_105) -> (i32)  : i32 {
      %rem3A_312 = arith.constant 3 : i32
      %rem3A_313 = arith.remsi %scan3A_310, %rem3A_312 : i32
      %add3A_314 = arith.constant 1 : i32
      %add3A_315 = arith.addi %scan3A_310, %add3A_314 : i32
      %rem3A_316 = arith.constant 3 : i32
      %rem3A_317 = arith.remsi %add3A_315, %rem3A_316 : i32
      %add3A_318 = arith.constant 2 : i32
      %add3A_319 = arith.addi %scan3A_310, %add3A_318 : i32
      %rem3A_320 = arith.constant 3 : i32
      %rem3A_321 = arith.remsi %add3A_319, %rem3A_320 : i32
      %add3A_322 = arith.constant 1 : i32
      %add3A_323 = arith.addi %scan3A_310, %add3A_322 : i32
      %lt3A_324 = arith.constant 79 : i32
      %lt3A_325 = arith.cmpi slt, %add3A_323, %lt3A_324 : i32
      %convert_element_type3A_326 = arith.extui %lt3A_325 : i1 to i32
      %cond3A_327 = arith.constant 0 : i32
      %cond3A_328 = arith.cmpi ne, %convert_element_type3A_326, %cond3A_327 : i32
      scf.if %cond3A_328 {
        %add3A_458 = arith.addi %mul3A_8, %scan3A_310 : i32
        %add3A_459 = arith.constant 1 : i32
        %add3A_460 = arith.addi %add3A_458, %add3A_459 : i32
        %dma_wait3A_461 = arith.constant 0 : i32
        %dma_wait3A_462 = arith.constant 0 : i32
        %dma_wait3A_463 = tpu.memref_slice %arg10[%rem3A_317, %dma_wait3A_461, %dma_wait3A_462] : memref<3x2x128xi32, #tpu.memory_space<vmem>> -> memref<1x2x128xi32, #tpu.memory_space<vmem>>
        %dma_wait3A_464 = tpu.memref_squeeze %dma_wait3A_463 : memref<1x2x128xi32, #tpu.memory_space<vmem>> -> memref<2x128xi32, #tpu.memory_space<vmem>>
        %dma_wait3A_465 = arith.constant 0 : i32
        %dma_wait3A_466 = arith.constant 0 : i32
        %dma_wait3A_467 = tpu.memref_slice %arg2[%add3A_460, %dma_wait3A_465, %dma_wait3A_466] : memref<2528x2x128xi32, #tpu.memory_space<hbm>> -> memref<1x2x128xi32, #tpu.memory_space<hbm>>
        %dma_wait3A_468 = tpu.memref_squeeze %dma_wait3A_467 : memref<1x2x128xi32, #tpu.memory_space<hbm>> -> memref<2x128xi32, #tpu.memory_space<hbm>>
        %dma_wait3A_469 = tpu.memref_slice %arg15[%rem3A_317] : memref<3x!tpu.dma_semaphore, #tpu.memory_space<semaphore_mem>> -> memref<1x!tpu.dma_semaphore, #tpu.memory_space<semaphore_mem>>
        %dma_wait3A_470 = tpu.memref_squeeze %dma_wait3A_469 : memref<1x!tpu.dma_semaphore, #tpu.memory_space<semaphore_mem>> -> memref<!tpu.dma_semaphore, #tpu.memory_space<semaphore_mem>>
        %dma_wait3A_471 = arith.constant 0 : i32
        %dma_wait3A_472 = arith.constant 0 : i32
        %dma_wait3A_473 = tpu.memref_slice %arg10[%rem3A_317, %dma_wait3A_471, %dma_wait3A_472] : memref<3x2x128xi32, #tpu.memory_space<vmem>> -> memref<1x2x128xi32, #tpu.memory_space<vmem>>
        %dma_wait3A_474 = tpu.memref_squeeze %dma_wait3A_473 : memref<1x2x128xi32, #tpu.memory_space<vmem>> -> memref<2x128xi32, #tpu.memory_space<vmem>>
        %dma_wait3A_475 = arith.constant 0 : i32
        %dma_wait3A_476 = arith.constant 0 : i32
        %dma_wait3A_477 = tpu.memref_slice %arg2[%add3A_460, %dma_wait3A_475, %dma_wait3A_476] : memref<2528x2x128xi32, #tpu.memory_space<hbm>> -> memref<1x2x128xi32, #tpu.memory_space<hbm>>
        %dma_wait3A_478 = tpu.memref_squeeze %dma_wait3A_477 : memref<1x2x128xi32, #tpu.memory_space<hbm>> -> memref<2x128xi32, #tpu.memory_space<hbm>>
        tpu.wait_dma2 semaphore(%dma_wait3A_470 : memref<!tpu.dma_semaphore, #tpu.memory_space<semaphore_mem>>) src(%dma_wait3A_478 : memref<2x128xi32, #tpu.memory_space<hbm>>) dst(%dma_wait3A_474 : memref<2x128xi32, #tpu.memory_space<vmem>>)
        %dma_start3A_479 = arith.constant 0 : i32
        %dma_start3A_480 = arith.constant 0 : i32
        %dma_start3A_481 = arith.constant 0 : i32
        %dma_start3A_482 = tpu.memref_slice %arg11[%rem3A_317, %dma_start3A_480, %dma_start3A_481] : memref<3x128x128xf32, #tpu.memory_space<vmem>> -> memref<1x64x128xf32, #tpu.memory_space<vmem>>
        %dma_start3A_483 = tpu.memref_squeeze %dma_start3A_482 : memref<1x64x128xf32, #tpu.memory_space<vmem>> -> memref<64x128xf32, #tpu.memory_space<vmem>>
        %dma_start3A_484 = arith.constant 0 : i32
        %dma_start3A_485 = tpu.memref_slice %arg10[%rem3A_317, %dma_start3A_479, %dma_start3A_484] : memref<3x2x128xi32, #tpu.memory_space<vmem>> -> memref<1x1x64xi32, #tpu.memory_space<vmem>>
        %dma_start3A_486 = tpu.memref_squeeze %dma_start3A_485 : memref<1x1x64xi32, #tpu.memory_space<vmem>> -> memref<64xi32, #tpu.memory_space<vmem>>
        %dma_start3A_487 = arith.constant 0 : i32
        %dma_start3A_488 = arith.constant 0 : i32
        %dma_start3A_489 = tpu.memref_slice %arg3[%dma_start3A_487, %dma_start3A_488] : memref<10000x128xf32, #tpu.memory_space<hbm>> -> memref<10000x128xf32, #tpu.memory_space<hbm>>
        %dma_start3A_490 = tpu.memref_slice %arg16[%rem3A_317] : memref<3x!tpu.dma_semaphore, #tpu.memory_space<semaphore_mem>> -> memref<1x!tpu.dma_semaphore, #tpu.memory_space<semaphore_mem>>
        %dma_start3A_491 = tpu.memref_squeeze %dma_start3A_490 : memref<1x!tpu.dma_semaphore, #tpu.memory_space<semaphore_mem>> -> memref<!tpu.dma_semaphore, #tpu.memory_space<semaphore_mem>>
        tpu.enqueue_indirect_dma source(%dma_start3A_489 : memref<10000x128xf32, #tpu.memory_space<hbm>>) target(%dma_start3A_483 : memref<64x128xf32, #tpu.memory_space<vmem>>) offsets(%dma_start3A_486 : memref<64xi32, #tpu.memory_space<vmem>>) semaphore(%dma_start3A_491 : memref<!tpu.dma_semaphore, #tpu.memory_space<semaphore_mem>>)
        %dma_start3A_492 = arith.constant 0 : i32
        %dma_start3A_493 = arith.constant 64 : i32
        %dma_start3A_494 = arith.constant 0 : i32
        %dma_start3A_495 = tpu.memref_slice %arg11[%rem3A_317, %dma_start3A_493, %dma_start3A_494] : memref<3x128x128xf32, #tpu.memory_space<vmem>> -> memref<1x64x128xf32, #tpu.memory_space<vmem>>
        %dma_start3A_496 = tpu.memref_squeeze %dma_start3A_495 : memref<1x64x128xf32, #tpu.memory_space<vmem>> -> memref<64x128xf32, #tpu.memory_space<vmem>>
        %dma_start3A_497 = arith.constant 64 : i32
        %dma_start3A_498 = tpu.memref_slice %arg10[%rem3A_317, %dma_start3A_492, %dma_start3A_497] : memref<3x2x128xi32, #tpu.memory_space<vmem>> -> memref<1x1x64xi32, #tpu.memory_space<vmem>>
        %dma_start3A_499 = tpu.memref_squeeze %dma_start3A_498 : memref<1x1x64xi32, #tpu.memory_space<vmem>> -> memref<64xi32, #tpu.memory_space<vmem>>
        %dma_start3A_500 = arith.constant 0 : i32
        %dma_start3A_501 = arith.constant 0 : i32
        %dma_start3A_502 = tpu.memref_slice %arg3[%dma_start3A_500, %dma_start3A_501] : memref<10000x128xf32, #tpu.memory_space<hbm>> -> memref<10000x128xf32, #tpu.memory_space<hbm>>
        %dma_start3A_503 = tpu.memref_slice %arg16[%rem3A_317] : memref<3x!tpu.dma_semaphore, #tpu.memory_space<semaphore_mem>> -> memref<1x!tpu.dma_semaphore, #tpu.memory_space<semaphore_mem>>
        %dma_start3A_504 = tpu.memref_squeeze %dma_start3A_503 : memref<1x!tpu.dma_semaphore, #tpu.memory_space<semaphore_mem>> -> memref<!tpu.dma_semaphore, #tpu.memory_space<semaphore_mem>>
        tpu.enqueue_indirect_dma source(%dma_start3A_502 : memref<10000x128xf32, #tpu.memory_space<hbm>>) target(%dma_start3A_496 : memref<64x128xf32, #tpu.memory_space<vmem>>) offsets(%dma_start3A_499 : memref<64xi32, #tpu.memory_space<vmem>>) semaphore(%dma_start3A_504 : memref<!tpu.dma_semaphore, #tpu.memory_space<semaphore_mem>>)
      } else {
      }
      %dma_wait3A_329 = arith.constant 0 : i32
      %dma_wait3A_330 = arith.constant 0 : i32
      %dma_wait3A_331 = arith.constant 0 : i32
      %dma_wait3A_332 = tpu.memref_slice %arg11[%rem3A_313, %dma_wait3A_330, %dma_wait3A_331] : memref<3x128x128xf32, #tpu.memory_space<vmem>> -> memref<1x64x128xf32, #tpu.memory_space<vmem>>
      %dma_wait3A_333 = tpu.memref_squeeze %dma_wait3A_332 : memref<1x64x128xf32, #tpu.memory_space<vmem>> -> memref<64x128xf32, #tpu.memory_space<vmem>>
      %dma_wait3A_334 = arith.constant 0 : i32
      %dma_wait3A_335 = tpu.memref_slice %arg10[%rem3A_313, %dma_wait3A_329, %dma_wait3A_334] : memref<3x2x128xi32, #tpu.memory_space<vmem>> -> memref<1x1x64xi32, #tpu.memory_space<vmem>>
      %dma_wait3A_336 = tpu.memref_squeeze %dma_wait3A_335 : memref<1x1x64xi32, #tpu.memory_space<vmem>> -> memref<64xi32, #tpu.memory_space<vmem>>
      %dma_wait3A_337 = arith.constant 0 : i32
      %dma_wait3A_338 = arith.constant 0 : i32
      %dma_wait3A_339 = tpu.memref_slice %arg3[%dma_wait3A_337, %dma_wait3A_338] : memref<10000x128xf32, #tpu.memory_space<hbm>> -> memref<10000x128xf32, #tpu.memory_space<hbm>>
      %dma_wait3A_340 = tpu.memref_slice %arg16[%rem3A_313] : memref<3x!tpu.dma_semaphore, #tpu.memory_space<semaphore_mem>> -> memref<1x!tpu.dma_semaphore, #tpu.memory_space<semaphore_mem>>
      %dma_wait3A_341 = tpu.memref_squeeze %dma_wait3A_340 : memref<1x!tpu.dma_semaphore, #tpu.memory_space<semaphore_mem>> -> memref<!tpu.dma_semaphore, #tpu.memory_space<semaphore_mem>>
      tpu.wait_indirect_dma semaphore(%dma_wait3A_341 : memref<!tpu.dma_semaphore, #tpu.memory_space<semaphore_mem>>) src(%dma_wait3A_339 : memref<10000x128xf32, #tpu.memory_space<hbm>>) dst(%dma_wait3A_333 : memref<64x128xf32, #tpu.memory_space<vmem>>)
      %dma_wait3A_342 = arith.constant 0 : i32
      %dma_wait3A_343 = arith.constant 64 : i32
      %dma_wait3A_344 = arith.constant 0 : i32
      %dma_wait3A_345 = tpu.memref_slice %arg11[%rem3A_313, %dma_wait3A_343, %dma_wait3A_344] : memref<3x128x128xf32, #tpu.memory_space<vmem>> -> memref<1x64x128xf32, #tpu.memory_space<vmem>>
      %dma_wait3A_346 = tpu.memref_squeeze %dma_wait3A_345 : memref<1x64x128xf32, #tpu.memory_space<vmem>> -> memref<64x128xf32, #tpu.memory_space<vmem>>
      %dma_wait3A_347 = arith.constant 64 : i32
      %dma_wait3A_348 = tpu.memref_slice %arg10[%rem3A_313, %dma_wait3A_342, %dma_wait3A_347] : memref<3x2x128xi32, #tpu.memory_space<vmem>> -> memref<1x1x64xi32, #tpu.memory_space<vmem>>
      %dma_wait3A_349 = tpu.memref_squeeze %dma_wait3A_348 : memref<1x1x64xi32, #tpu.memory_space<vmem>> -> memref<64xi32, #tpu.memory_space<vmem>>
      %dma_wait3A_350 = arith.constant 0 : i32
      %dma_wait3A_351 = arith.constant 0 : i32
      %dma_wait3A_352 = tpu.memref_slice %arg3[%dma_wait3A_350, %dma_wait3A_351] : memref<10000x128xf32, #tpu.memory_space<hbm>> -> memref<10000x128xf32, #tpu.memory_space<hbm>>
      %dma_wait3A_353 = tpu.memref_slice %arg16[%rem3A_313] : memref<3x!tpu.dma_semaphore, #tpu.memory_space<semaphore_mem>> -> memref<1x!tpu.dma_semaphore, #tpu.memory_space<semaphore_mem>>
      %dma_wait3A_354 = tpu.memref_squeeze %dma_wait3A_353 : memref<1x!tpu.dma_semaphore, #tpu.memory_space<semaphore_mem>> -> memref<!tpu.dma_semaphore, #tpu.memory_space<semaphore_mem>>
      tpu.wait_indirect_dma semaphore(%dma_wait3A_354 : memref<!tpu.dma_semaphore, #tpu.memory_space<semaphore_mem>>) src(%dma_wait3A_352 : memref<10000x128xf32, #tpu.memory_space<hbm>>) dst(%dma_wait3A_346 : memref<64x128xf32, #tpu.memory_space<vmem>>)
      %dma_start3A_355 = arith.constant 1 : i32
      %dma_start3A_356 = arith.constant 0 : i32
      %dma_start3A_357 = arith.constant 0 : i32
      %dma_start3A_358 = tpu.memref_slice %arg11[%rem3A_313, %dma_start3A_356, %dma_start3A_357] : memref<3x128x128xf32, #tpu.memory_space<vmem>> -> memref<1x128x128xf32, #tpu.memory_space<vmem>>
      %dma_start3A_359 = tpu.memref_squeeze %dma_start3A_358 : memref<1x128x128xf32, #tpu.memory_space<vmem>> -> memref<128x128xf32, #tpu.memory_space<vmem>>
      %dma_start3A_360 = arith.constant 0 : i32
      %dma_start3A_361 = tpu.memref_slice %arg10[%rem3A_313, %dma_start3A_355, %dma_start3A_360] : memref<3x2x128xi32, #tpu.memory_space<vmem>> -> memref<1x1x128xi32, #tpu.memory_space<vmem>>
      %dma_start3A_362 = tpu.memref_squeeze %dma_start3A_361 : memref<1x1x128xi32, #tpu.memory_space<vmem>> -> memref<128xi32, #tpu.memory_space<vmem>>
      %dma_start3A_363 = arith.constant 0 : i32
      %dma_start3A_364 = arith.constant 0 : i32
      %dma_start3A_365 = tpu.memref_slice %arg13[%dma_start3A_363, %dma_start3A_364] : memref<10016x128xf32, #tpu.memory_space<vmem_shared>> -> memref<10016x128xf32, #tpu.memory_space<vmem_shared>>
      %dma_start3A_366 = tpu.memref_slice %arg17[%rem3A_313] : memref<3x!tpu.dma_semaphore, #tpu.memory_space<semaphore_mem>> -> memref<1x!tpu.dma_semaphore, #tpu.memory_space<semaphore_mem>>
      %dma_start3A_367 = tpu.memref_squeeze %dma_start3A_366 : memref<1x!tpu.dma_semaphore, #tpu.memory_space<semaphore_mem>> -> memref<!tpu.dma_semaphore, #tpu.memory_space<semaphore_mem>>
      tpu.enqueue_indirect_dma source(%dma_start3A_359 : memref<128x128xf32, #tpu.memory_space<vmem>>) target(%dma_start3A_365 : memref<10016x128xf32, #tpu.memory_space<vmem_shared>>) offsets(%dma_start3A_362 : memref<128xi32, #tpu.memory_space<vmem>>) semaphore(%dma_start3A_367 : memref<!tpu.dma_semaphore, #tpu.memory_space<semaphore_mem>>) {add = true}
      %dma_start3A_368 = arith.constant 1 : i32
      %dma_start3A_369 = arith.constant 0 : i32
      %dma_start3A_370 = tpu.memref_slice %arg10[%rem3A_313, %dma_start3A_368, %dma_start3A_369] : memref<3x2x128xi32, #tpu.memory_space<vmem>> -> memref<1x1x128xi32, #tpu.memory_space<vmem>>
      %dma_start3A_371 = tpu.memref_squeeze %dma_start3A_370 : memref<1x1x128xi32, #tpu.memory_space<vmem>> -> memref<128xi32, #tpu.memory_space<vmem>>
      %dma_start3A_372 = arith.constant 0 : i32
      %dma_start3A_373 = tpu.memref_slice %arg14[%dma_start3A_372] : memref<10016xf32, #tpu.memory_space<vmem_shared>> -> memref<10016xf32, #tpu.memory_space<vmem_shared>>
      %dma_start3A_374 = tpu.memref_slice %arg18[%rem3A_313] : memref<3x!tpu.dma_semaphore, #tpu.memory_space<semaphore_mem>> -> memref<1x!tpu.dma_semaphore, #tpu.memory_space<semaphore_mem>>
      %dma_start3A_375 = tpu.memref_squeeze %dma_start3A_374 : memref<1x!tpu.dma_semaphore, #tpu.memory_space<semaphore_mem>> -> memref<!tpu.dma_semaphore, #tpu.memory_space<semaphore_mem>>
      tpu.enqueue_indirect_dma source(%arg12 : memref<128xf32, #tpu.memory_space<vmem>>) target(%dma_start3A_373 : memref<10016xf32, #tpu.memory_space<vmem_shared>>) offsets(%dma_start3A_371 : memref<128xi32, #tpu.memory_space<vmem>>) semaphore(%dma_start3A_375 : memref<!tpu.dma_semaphore, #tpu.memory_space<semaphore_mem>>) {add = true}
      %add3A_376 = arith.constant 2 : i32
      %add3A_377 = arith.addi %scan3A_310, %add3A_376 : i32
      %lt3A_378 = arith.constant 79 : i32
      %lt3A_379 = arith.cmpi slt, %add3A_377, %lt3A_378 : i32
      %convert_element_type3A_380 = arith.extui %lt3A_379 : i1 to i32
      %cond3A_381 = arith.constant 0 : i32
      %cond3A_382 = arith.cmpi ne, %convert_element_type3A_380, %cond3A_381 : i32
      scf.if %cond3A_382 {
        %ge3A = arith.constant 1 : i32
        %ge3A_458 = arith.cmpi sge, %scan3A_310, %ge3A : i32
        %convert_element_type3A_459 = arith.extui %ge3A_458 : i1 to i32
        %cond3A_460 = arith.constant 0 : i32
        %cond3A_461 = arith.cmpi ne, %convert_element_type3A_459, %cond3A_460 : i32
        scf.if %cond3A_461 {
          %dma_wait3A_483 = arith.constant 1 : i32
          %dma_wait3A_484 = arith.constant 0 : i32
          %dma_wait3A_485 = arith.constant 0 : i32
          %dma_wait3A_486 = tpu.memref_slice %arg11[%rem3A_321, %dma_wait3A_484, %dma_wait3A_485] : memref<3x128x128xf32, #tpu.memory_space<vmem>> -> memref<1x128x128xf32, #tpu.memory_space<vmem>>
          %dma_wait3A_487 = tpu.memref_squeeze %dma_wait3A_486 : memref<1x128x128xf32, #tpu.memory_space<vmem>> -> memref<128x128xf32, #tpu.memory_space<vmem>>
          %dma_wait3A_488 = arith.constant 0 : i32
          %dma_wait3A_489 = tpu.memref_slice %arg10[%rem3A_321, %dma_wait3A_483, %dma_wait3A_488] : memref<3x2x128xi32, #tpu.memory_space<vmem>> -> memref<1x1x128xi32, #tpu.memory_space<vmem>>
          %dma_wait3A_490 = tpu.memref_squeeze %dma_wait3A_489 : memref<1x1x128xi32, #tpu.memory_space<vmem>> -> memref<128xi32, #tpu.memory_space<vmem>>
          %dma_wait3A_491 = arith.constant 0 : i32
          %dma_wait3A_492 = arith.constant 0 : i32
          %dma_wait3A_493 = tpu.memref_slice %arg13[%dma_wait3A_491, %dma_wait3A_492] : memref<10016x128xf32, #tpu.memory_space<vmem_shared>> -> memref<10016x128xf32, #tpu.memory_space<vmem_shared>>
          %dma_wait3A_494 = tpu.memref_slice %arg17[%rem3A_321] : memref<3x!tpu.dma_semaphore, #tpu.memory_space<semaphore_mem>> -> memref<1x!tpu.dma_semaphore, #tpu.memory_space<semaphore_mem>>
          %dma_wait3A_495 = tpu.memref_squeeze %dma_wait3A_494 : memref<1x!tpu.dma_semaphore, #tpu.memory_space<semaphore_mem>> -> memref<!tpu.dma_semaphore, #tpu.memory_space<semaphore_mem>>
          tpu.wait_indirect_dma semaphore(%dma_wait3A_495 : memref<!tpu.dma_semaphore, #tpu.memory_space<semaphore_mem>>) src(%dma_wait3A_487 : memref<128x128xf32, #tpu.memory_space<vmem>>) dst(%dma_wait3A_493 : memref<10016x128xf32, #tpu.memory_space<vmem_shared>>)
          %dma_wait3A_496 = arith.constant 1 : i32
          %dma_wait3A_497 = arith.constant 0 : i32
          %dma_wait3A_498 = tpu.memref_slice %arg10[%rem3A_321, %dma_wait3A_496, %dma_wait3A_497] : memref<3x2x128xi32, #tpu.memory_space<vmem>> -> memref<1x1x128xi32, #tpu.memory_space<vmem>>
          %dma_wait3A_499 = tpu.memref_squeeze %dma_wait3A_498 : memref<1x1x128xi32, #tpu.memory_space<vmem>> -> memref<128xi32, #tpu.memory_space<vmem>>
          %dma_wait3A_500 = arith.constant 0 : i32
          %dma_wait3A_501 = tpu.memref_slice %arg14[%dma_wait3A_500] : memref<10016xf32, #tpu.memory_space<vmem_shared>> -> memref<10016xf32, #tpu.memory_space<vmem_shared>>
          %dma_wait3A_502 = tpu.memref_slice %arg18[%rem3A_321] : memref<3x!tpu.dma_semaphore, #tpu.memory_space<semaphore_mem>> -> memref<1x!tpu.dma_semaphore, #tpu.memory_space<semaphore_mem>>
          %dma_wait3A_503 = tpu.memref_squeeze %dma_wait3A_502 : memref<1x!tpu.dma_semaphore, #tpu.memory_space<semaphore_mem>> -> memref<!tpu.dma_semaphore, #tpu.memory_space<semaphore_mem>>
          tpu.wait_indirect_dma semaphore(%dma_wait3A_503 : memref<!tpu.dma_semaphore, #tpu.memory_space<semaphore_mem>>) src(%arg12 : memref<128xf32, #tpu.memory_space<vmem>>) dst(%dma_wait3A_501 : memref<10016xf32, #tpu.memory_space<vmem_shared>>)
        } else {
        }
        %add3A_462 = arith.addi %mul3A_8, %scan3A_310 : i32
        %add3A_463 = arith.constant 2 : i32
        %add3A_464 = arith.addi %add3A_462, %add3A_463 : i32
        %dma_start3A_465 = arith.constant 0 : i32
        %dma_start3A_466 = arith.constant 0 : i32
        %dma_start3A_467 = tpu.memref_slice %arg10[%rem3A_321, %dma_start3A_465, %dma_start3A_466] : memref<3x2x128xi32, #tpu.memory_space<vmem>> -> memref<1x2x128xi32, #tpu.memory_space<vmem>>
        %dma_start3A_468 = tpu.memref_squeeze %dma_start3A_467 : memref<1x2x128xi32, #tpu.memory_space<vmem>> -> memref<2x128xi32, #tpu.memory_space<vmem>>
        %dma_start3A_469 = arith.constant 0 : i32
        %dma_start3A_470 = arith.constant 0 : i32
        %dma_start3A_471 = tpu.memref_slice %arg2[%add3A_464, %dma_start3A_469, %dma_start3A_470] : memref<2528x2x128xi32, #tpu.memory_space<hbm>> -> memref<1x2x128xi32, #tpu.memory_space<hbm>>
        %dma_start3A_472 = tpu.memref_squeeze %dma_start3A_471 : memref<1x2x128xi32, #tpu.memory_space<hbm>> -> memref<2x128xi32, #tpu.memory_space<hbm>>
        %dma_start3A_473 = tpu.memref_slice %arg15[%rem3A_321] : memref<3x!tpu.dma_semaphore, #tpu.memory_space<semaphore_mem>> -> memref<1x!tpu.dma_semaphore, #tpu.memory_space<semaphore_mem>>
        %dma_start3A_474 = tpu.memref_squeeze %dma_start3A_473 : memref<1x!tpu.dma_semaphore, #tpu.memory_space<semaphore_mem>> -> memref<!tpu.dma_semaphore, #tpu.memory_space<semaphore_mem>>
        %dma_start3A_475 = arith.constant 0 : i32
        %dma_start3A_476 = arith.constant 0 : i32
        %dma_start3A_477 = tpu.memref_slice %arg10[%rem3A_321, %dma_start3A_475, %dma_start3A_476] : memref<3x2x128xi32, #tpu.memory_space<vmem>> -> memref<1x2x128xi32, #tpu.memory_space<vmem>>
        %dma_start3A_478 = tpu.memref_squeeze %dma_start3A_477 : memref<1x2x128xi32, #tpu.memory_space<vmem>> -> memref<2x128xi32, #tpu.memory_space<vmem>>
        %dma_start3A_479 = arith.constant 0 : i32
        %dma_start3A_480 = arith.constant 0 : i32
        %dma_start3A_481 = tpu.memref_slice %arg2[%add3A_464, %dma_start3A_479, %dma_start3A_480] : memref<2528x2x128xi32, #tpu.memory_space<hbm>> -> memref<1x2x128xi32, #tpu.memory_space<hbm>>
        %dma_start3A_482 = tpu.memref_squeeze %dma_start3A_481 : memref<1x2x128xi32, #tpu.memory_space<hbm>> -> memref<2x128xi32, #tpu.memory_space<hbm>>
        tpu.enqueue_dma source(%dma_start3A_482 : memref<2x128xi32, #tpu.memory_space<hbm>>) target(%dma_start3A_478 : memref<2x128xi32, #tpu.memory_space<vmem>>) target_semaphore(%dma_start3A_474 : memref<!tpu.dma_semaphore, #tpu.memory_space<semaphore_mem>>)
      } else {
      }
      %scan3A_383 = arith.constant 0 : i32
      %scan3A_384 = arith.constant 1 : i32
      %scan3A_385 = arith.addi %scan3A_310, %scan3A_384 : i32
      %rem3A_386 = arith.constant 3 : i32
      %rem3A_387 = arith.remsi %scan3A_385, %rem3A_386 : i32
      %add3A_388 = arith.constant 1 : i32
      %add3A_389 = arith.addi %scan3A_385, %add3A_388 : i32
      %rem3A_390 = arith.constant 3 : i32
      %rem3A_391 = arith.remsi %add3A_389, %rem3A_390 : i32
      %add3A_392 = arith.constant 2 : i32
      %add3A_393 = arith.addi %scan3A_385, %add3A_392 : i32
      %rem3A_394 = arith.constant 3 : i32
      %rem3A_395 = arith.remsi %add3A_393, %rem3A_394 : i32
      %add3A_396 = arith.constant 1 : i32
      %add3A_397 = arith.addi %scan3A_385, %add3A_396 : i32
      %lt3A_398 = arith.constant 79 : i32
      %lt3A_399 = arith.cmpi slt, %add3A_397, %lt3A_398 : i32
      %convert_element_type3A_400 = arith.extui %lt3A_399 : i1 to i32
      %cond3A_401 = arith.constant 0 : i32
      %cond3A_402 = arith.cmpi ne, %convert_element_type3A_400, %cond3A_401 : i32
      scf.if %cond3A_402 {
        %add3A_458 = arith.addi %mul3A_8, %scan3A_385 : i32
        %add3A_459 = arith.constant 1 : i32
        %add3A_460 = arith.addi %add3A_458, %add3A_459 : i32
        %dma_wait3A_461 = arith.constant 0 : i32
        %dma_wait3A_462 = arith.constant 0 : i32
        %dma_wait3A_463 = tpu.memref_slice %arg10[%rem3A_391, %dma_wait3A_461, %dma_wait3A_462] : memref<3x2x128xi32, #tpu.memory_space<vmem>> -> memref<1x2x128xi32, #tpu.memory_space<vmem>>
        %dma_wait3A_464 = tpu.memref_squeeze %dma_wait3A_463 : memref<1x2x128xi32, #tpu.memory_space<vmem>> -> memref<2x128xi32, #tpu.memory_space<vmem>>
        %dma_wait3A_465 = arith.constant 0 : i32
        %dma_wait3A_466 = arith.constant 0 : i32
        %dma_wait3A_467 = tpu.memref_slice %arg2[%add3A_460, %dma_wait3A_465, %dma_wait3A_466] : memref<2528x2x128xi32, #tpu.memory_space<hbm>> -> memref<1x2x128xi32, #tpu.memory_space<hbm>>
        %dma_wait3A_468 = tpu.memref_squeeze %dma_wait3A_467 : memref<1x2x128xi32, #tpu.memory_space<hbm>> -> memref<2x128xi32, #tpu.memory_space<hbm>>
        %dma_wait3A_469 = tpu.memref_slice %arg15[%rem3A_391] : memref<3x!tpu.dma_semaphore, #tpu.memory_space<semaphore_mem>> -> memref<1x!tpu.dma_semaphore, #tpu.memory_space<semaphore_mem>>
        %dma_wait3A_470 = tpu.memref_squeeze %dma_wait3A_469 : memref<1x!tpu.dma_semaphore, #tpu.memory_space<semaphore_mem>> -> memref<!tpu.dma_semaphore, #tpu.memory_space<semaphore_mem>>
        %dma_wait3A_471 = arith.constant 0 : i32
        %dma_wait3A_472 = arith.constant 0 : i32
        %dma_wait3A_473 = tpu.memref_slice %arg10[%rem3A_391, %dma_wait3A_471, %dma_wait3A_472] : memref<3x2x128xi32, #tpu.memory_space<vmem>> -> memref<1x2x128xi32, #tpu.memory_space<vmem>>
        %dma_wait3A_474 = tpu.memref_squeeze %dma_wait3A_473 : memref<1x2x128xi32, #tpu.memory_space<vmem>> -> memref<2x128xi32, #tpu.memory_space<vmem>>
        %dma_wait3A_475 = arith.constant 0 : i32
        %dma_wait3A_476 = arith.constant 0 : i32
        %dma_wait3A_477 = tpu.memref_slice %arg2[%add3A_460, %dma_wait3A_475, %dma_wait3A_476] : memref<2528x2x128xi32, #tpu.memory_space<hbm>> -> memref<1x2x128xi32, #tpu.memory_space<hbm>>
        %dma_wait3A_478 = tpu.memref_squeeze %dma_wait3A_477 : memref<1x2x128xi32, #tpu.memory_space<hbm>> -> memref<2x128xi32, #tpu.memory_space<hbm>>
        tpu.wait_dma2 semaphore(%dma_wait3A_470 : memref<!tpu.dma_semaphore, #tpu.memory_space<semaphore_mem>>) src(%dma_wait3A_478 : memref<2x128xi32, #tpu.memory_space<hbm>>) dst(%dma_wait3A_474 : memref<2x128xi32, #tpu.memory_space<vmem>>)
        %dma_start3A_479 = arith.constant 0 : i32
        %dma_start3A_480 = arith.constant 0 : i32
        %dma_start3A_481 = arith.constant 0 : i32
        %dma_start3A_482 = tpu.memref_slice %arg11[%rem3A_391, %dma_start3A_480, %dma_start3A_481] : memref<3x128x128xf32, #tpu.memory_space<vmem>> -> memref<1x64x128xf32, #tpu.memory_space<vmem>>
        %dma_start3A_483 = tpu.memref_squeeze %dma_start3A_482 : memref<1x64x128xf32, #tpu.memory_space<vmem>> -> memref<64x128xf32, #tpu.memory_space<vmem>>
        %dma_start3A_484 = arith.constant 0 : i32
        %dma_start3A_485 = tpu.memref_slice %arg10[%rem3A_391, %dma_start3A_479, %dma_start3A_484] : memref<3x2x128xi32, #tpu.memory_space<vmem>> -> memref<1x1x64xi32, #tpu.memory_space<vmem>>
        %dma_start3A_486 = tpu.memref_squeeze %dma_start3A_485 : memref<1x1x64xi32, #tpu.memory_space<vmem>> -> memref<64xi32, #tpu.memory_space<vmem>>
        %dma_start3A_487 = arith.constant 0 : i32
        %dma_start3A_488 = arith.constant 0 : i32
        %dma_start3A_489 = tpu.memref_slice %arg3[%dma_start3A_487, %dma_start3A_488] : memref<10000x128xf32, #tpu.memory_space<hbm>> -> memref<10000x128xf32, #tpu.memory_space<hbm>>
        %dma_start3A_490 = tpu.memref_slice %arg16[%rem3A_391] : memref<3x!tpu.dma_semaphore, #tpu.memory_space<semaphore_mem>> -> memref<1x!tpu.dma_semaphore, #tpu.memory_space<semaphore_mem>>
        %dma_start3A_491 = tpu.memref_squeeze %dma_start3A_490 : memref<1x!tpu.dma_semaphore, #tpu.memory_space<semaphore_mem>> -> memref<!tpu.dma_semaphore, #tpu.memory_space<semaphore_mem>>
        tpu.enqueue_indirect_dma source(%dma_start3A_489 : memref<10000x128xf32, #tpu.memory_space<hbm>>) target(%dma_start3A_483 : memref<64x128xf32, #tpu.memory_space<vmem>>) offsets(%dma_start3A_486 : memref<64xi32, #tpu.memory_space<vmem>>) semaphore(%dma_start3A_491 : memref<!tpu.dma_semaphore, #tpu.memory_space<semaphore_mem>>)
        %dma_start3A_492 = arith.constant 0 : i32
        %dma_start3A_493 = arith.constant 64 : i32
        %dma_start3A_494 = arith.constant 0 : i32
        %dma_start3A_495 = tpu.memref_slice %arg11[%rem3A_391, %dma_start3A_493, %dma_start3A_494] : memref<3x128x128xf32, #tpu.memory_space<vmem>> -> memref<1x64x128xf32, #tpu.memory_space<vmem>>
        %dma_start3A_496 = tpu.memref_squeeze %dma_start3A_495 : memref<1x64x128xf32, #tpu.memory_space<vmem>> -> memref<64x128xf32, #tpu.memory_space<vmem>>
        %dma_start3A_497 = arith.constant 64 : i32
        %dma_start3A_498 = tpu.memref_slice %arg10[%rem3A_391, %dma_start3A_492, %dma_start3A_497] : memref<3x2x128xi32, #tpu.memory_space<vmem>> -> memref<1x1x64xi32, #tpu.memory_space<vmem>>
        %dma_start3A_499 = tpu.memref_squeeze %dma_start3A_498 : memref<1x1x64xi32, #tpu.memory_space<vmem>> -> memref<64xi32, #tpu.memory_space<vmem>>
        %dma_start3A_500 = arith.constant 0 : i32
        %dma_start3A_501 = arith.constant 0 : i32
        %dma_start3A_502 = tpu.memref_slice %arg3[%dma_start3A_500, %dma_start3A_501] : memref<10000x128xf32, #tpu.memory_space<hbm>> -> memref<10000x128xf32, #tpu.memory_space<hbm>>
        %dma_start3A_503 = tpu.memref_slice %arg16[%rem3A_391] : memref<3x!tpu.dma_semaphore, #tpu.memory_space<semaphore_mem>> -> memref<1x!tpu.dma_semaphore, #tpu.memory_space<semaphore_mem>>
        %dma_start3A_504 = tpu.memref_squeeze %dma_start3A_503 : memref<1x!tpu.dma_semaphore, #tpu.memory_space<semaphore_mem>> -> memref<!tpu.dma_semaphore, #tpu.memory_space<semaphore_mem>>
        tpu.enqueue_indirect_dma source(%dma_start3A_502 : memref<10000x128xf32, #tpu.memory_space<hbm>>) target(%dma_start3A_496 : memref<64x128xf32, #tpu.memory_space<vmem>>) offsets(%dma_start3A_499 : memref<64xi32, #tpu.memory_space<vmem>>) semaphore(%dma_start3A_504 : memref<!tpu.dma_semaphore, #tpu.memory_space<semaphore_mem>>)
      } else {
      }
      %dma_wait3A_403 = arith.constant 0 : i32
      %dma_wait3A_404 = arith.constant 0 : i32
      %dma_wait3A_405 = arith.constant 0 : i32
      %dma_wait3A_406 = tpu.memref_slice %arg11[%rem3A_387, %dma_wait3A_404, %dma_wait3A_405] : memref<3x128x128xf32, #tpu.memory_space<vmem>> -> memref<1x64x128xf32, #tpu.memory_space<vmem>>
      %dma_wait3A_407 = tpu.memref_squeeze %dma_wait3A_406 : memref<1x64x128xf32, #tpu.memory_space<vmem>> -> memref<64x128xf32, #tpu.memory_space<vmem>>
      %dma_wait3A_408 = arith.constant 0 : i32
      %dma_wait3A_409 = tpu.memref_slice %arg10[%rem3A_387, %dma_wait3A_403, %dma_wait3A_408] : memref<3x2x128xi32, #tpu.memory_space<vmem>> -> memref<1x1x64xi32, #tpu.memory_space<vmem>>
      %dma_wait3A_410 = tpu.memref_squeeze %dma_wait3A_409 : memref<1x1x64xi32, #tpu.memory_space<vmem>> -> memref<64xi32, #tpu.memory_space<vmem>>
      %dma_wait3A_411 = arith.constant 0 : i32
      %dma_wait3A_412 = arith.constant 0 : i32
      %dma_wait3A_413 = tpu.memref_slice %arg3[%dma_wait3A_411, %dma_wait3A_412] : memref<10000x128xf32, #tpu.memory_space<hbm>> -> memref<10000x128xf32, #tpu.memory_space<hbm>>
      %dma_wait3A_414 = tpu.memref_slice %arg16[%rem3A_387] : memref<3x!tpu.dma_semaphore, #tpu.memory_space<semaphore_mem>> -> memref<1x!tpu.dma_semaphore, #tpu.memory_space<semaphore_mem>>
      %dma_wait3A_415 = tpu.memref_squeeze %dma_wait3A_414 : memref<1x!tpu.dma_semaphore, #tpu.memory_space<semaphore_mem>> -> memref<!tpu.dma_semaphore, #tpu.memory_space<semaphore_mem>>
      tpu.wait_indirect_dma semaphore(%dma_wait3A_415 : memref<!tpu.dma_semaphore, #tpu.memory_space<semaphore_mem>>) src(%dma_wait3A_413 : memref<10000x128xf32, #tpu.memory_space<hbm>>) dst(%dma_wait3A_407 : memref<64x128xf32, #tpu.memory_space<vmem>>)
      %dma_wait3A_416 = arith.constant 0 : i32
      %dma_wait3A_417 = arith.constant 64 : i32
      %dma_wait3A_418 = arith.constant 0 : i32
      %dma_wait3A_419 = tpu.memref_slice %arg11[%rem3A_387, %dma_wait3A_417, %dma_wait3A_418] : memref<3x128x128xf32, #tpu.memory_space<vmem>> -> memref<1x64x128xf32, #tpu.memory_space<vmem>>
      %dma_wait3A_420 = tpu.memref_squeeze %dma_wait3A_419 : memref<1x64x128xf32, #tpu.memory_space<vmem>> -> memref<64x128xf32, #tpu.memory_space<vmem>>
      %dma_wait3A_421 = arith.constant 64 : i32
      %dma_wait3A_422 = tpu.memref_slice %arg10[%rem3A_387, %dma_wait3A_416, %dma_wait3A_421] : memref<3x2x128xi32, #tpu.memory_space<vmem>> -> memref<1x1x64xi32, #tpu.memory_space<vmem>>
      %dma_wait3A_423 = tpu.memref_squeeze %dma_wait3A_422 : memref<1x1x64xi32, #tpu.memory_space<vmem>> -> memref<64xi32, #tpu.memory_space<vmem>>
      %dma_wait3A_424 = arith.constant 0 : i32
      %dma_wait3A_425 = arith.constant 0 : i32
      %dma_wait3A_426 = tpu.memref_slice %arg3[%dma_wait3A_424, %dma_wait3A_425] : memref<10000x128xf32, #tpu.memory_space<hbm>> -> memref<10000x128xf32, #tpu.memory_space<hbm>>
      %dma_wait3A_427 = tpu.memref_slice %arg16[%rem3A_387] : memref<3x!tpu.dma_semaphore, #tpu.memory_space<semaphore_mem>> -> memref<1x!tpu.dma_semaphore, #tpu.memory_space<semaphore_mem>>
      %dma_wait3A_428 = tpu.memref_squeeze %dma_wait3A_427 : memref<1x!tpu.dma_semaphore, #tpu.memory_space<semaphore_mem>> -> memref<!tpu.dma_semaphore, #tpu.memory_space<semaphore_mem>>
      tpu.wait_indirect_dma semaphore(%dma_wait3A_428 : memref<!tpu.dma_semaphore, #tpu.memory_space<semaphore_mem>>) src(%dma_wait3A_426 : memref<10000x128xf32, #tpu.memory_space<hbm>>) dst(%dma_wait3A_420 : memref<64x128xf32, #tpu.memory_space<vmem>>)
      %dma_start3A_429 = arith.constant 1 : i32
      %dma_start3A_430 = arith.constant 0 : i32
      %dma_start3A_431 = arith.constant 0 : i32
      %dma_start3A_432 = tpu.memref_slice %arg11[%rem3A_387, %dma_start3A_430, %dma_start3A_431] : memref<3x128x128xf32, #tpu.memory_space<vmem>> -> memref<1x128x128xf32, #tpu.memory_space<vmem>>
      %dma_start3A_433 = tpu.memref_squeeze %dma_start3A_432 : memref<1x128x128xf32, #tpu.memory_space<vmem>> -> memref<128x128xf32, #tpu.memory_space<vmem>>
      %dma_start3A_434 = arith.constant 0 : i32
      %dma_start3A_435 = tpu.memref_slice %arg10[%rem3A_387, %dma_start3A_429, %dma_start3A_434] : memref<3x2x128xi32, #tpu.memory_space<vmem>> -> memref<1x1x128xi32, #tpu.memory_space<vmem>>
      %dma_start3A_436 = tpu.memref_squeeze %dma_start3A_435 : memref<1x1x128xi32, #tpu.memory_space<vmem>> -> memref<128xi32, #tpu.memory_space<vmem>>
      %dma_start3A_437 = arith.constant 0 : i32
      %dma_start3A_438 = arith.constant 0 : i32
      %dma_start3A_439 = tpu.memref_slice %arg13[%dma_start3A_437, %dma_start3A_438] : memref<10016x128xf32, #tpu.memory_space<vmem_shared>> -> memref<10016x128xf32, #tpu.memory_space<vmem_shared>>
      %dma_start3A_440 = tpu.memref_slice %arg17[%rem3A_387] : memref<3x!tpu.dma_semaphore, #tpu.memory_space<semaphore_mem>> -> memref<1x!tpu.dma_semaphore, #tpu.memory_space<semaphore_mem>>
      %dma_start3A_441 = tpu.memref_squeeze %dma_start3A_440 : memref<1x!tpu.dma_semaphore, #tpu.memory_space<semaphore_mem>> -> memref<!tpu.dma_semaphore, #tpu.memory_space<semaphore_mem>>
      tpu.enqueue_indirect_dma source(%dma_start3A_433 : memref<128x128xf32, #tpu.memory_space<vmem>>) target(%dma_start3A_439 : memref<10016x128xf32, #tpu.memory_space<vmem_shared>>) offsets(%dma_start3A_436 : memref<128xi32, #tpu.memory_space<vmem>>) semaphore(%dma_start3A_441 : memref<!tpu.dma_semaphore, #tpu.memory_space<semaphore_mem>>) {add = true}
      %dma_start3A_442 = arith.constant 1 : i32
      %dma_start3A_443 = arith.constant 0 : i32
      %dma_start3A_444 = tpu.memref_slice %arg10[%rem3A_387, %dma_start3A_442, %dma_start3A_443] : memref<3x2x128xi32, #tpu.memory_space<vmem>> -> memref<1x1x128xi32, #tpu.memory_space<vmem>>
      %dma_start3A_445 = tpu.memref_squeeze %dma_start3A_444 : memref<1x1x128xi32, #tpu.memory_space<vmem>> -> memref<128xi32, #tpu.memory_space<vmem>>
      %dma_start3A_446 = arith.constant 0 : i32
      %dma_start3A_447 = tpu.memref_slice %arg14[%dma_start3A_446] : memref<10016xf32, #tpu.memory_space<vmem_shared>> -> memref<10016xf32, #tpu.memory_space<vmem_shared>>
      %dma_start3A_448 = tpu.memref_slice %arg18[%rem3A_387] : memref<3x!tpu.dma_semaphore, #tpu.memory_space<semaphore_mem>> -> memref<1x!tpu.dma_semaphore, #tpu.memory_space<semaphore_mem>>
      %dma_start3A_449 = tpu.memref_squeeze %dma_start3A_448 : memref<1x!tpu.dma_semaphore, #tpu.memory_space<semaphore_mem>> -> memref<!tpu.dma_semaphore, #tpu.memory_space<semaphore_mem>>
      tpu.enqueue_indirect_dma source(%arg12 : memref<128xf32, #tpu.memory_space<vmem>>) target(%dma_start3A_447 : memref<10016xf32, #tpu.memory_space<vmem_shared>>) offsets(%dma_start3A_445 : memref<128xi32, #tpu.memory_space<vmem>>) semaphore(%dma_start3A_449 : memref<!tpu.dma_semaphore, #tpu.memory_space<semaphore_mem>>) {add = true}
      %add3A_450 = arith.constant 2 : i32
      %add3A_451 = arith.addi %scan3A_385, %add3A_450 : i32
      %lt3A_452 = arith.constant 79 : i32
      %lt3A_453 = arith.cmpi slt, %add3A_451, %lt3A_452 : i32
      %convert_element_type3A_454 = arith.extui %lt3A_453 : i1 to i32
      %cond3A_455 = arith.constant 0 : i32
      %cond3A_456 = arith.cmpi ne, %convert_element_type3A_454, %cond3A_455 : i32
      scf.if %cond3A_456 {
        %ge3A = arith.constant 1 : i32
        %ge3A_458 = arith.cmpi sge, %scan3A_385, %ge3A : i32
        %convert_element_type3A_459 = arith.extui %ge3A_458 : i1 to i32
        %cond3A_460 = arith.constant 0 : i32
        %cond3A_461 = arith.cmpi ne, %convert_element_type3A_459, %cond3A_460 : i32
        scf.if %cond3A_461 {
          %dma_wait3A_483 = arith.constant 1 : i32
          %dma_wait3A_484 = arith.constant 0 : i32
          %dma_wait3A_485 = arith.constant 0 : i32
          %dma_wait3A_486 = tpu.memref_slice %arg11[%rem3A_395, %dma_wait3A_484, %dma_wait3A_485] : memref<3x128x128xf32, #tpu.memory_space<vmem>> -> memref<1x128x128xf32, #tpu.memory_space<vmem>>
          %dma_wait3A_487 = tpu.memref_squeeze %dma_wait3A_486 : memref<1x128x128xf32, #tpu.memory_space<vmem>> -> memref<128x128xf32, #tpu.memory_space<vmem>>
          %dma_wait3A_488 = arith.constant 0 : i32
          %dma_wait3A_489 = tpu.memref_slice %arg10[%rem3A_395, %dma_wait3A_483, %dma_wait3A_488] : memref<3x2x128xi32, #tpu.memory_space<vmem>> -> memref<1x1x128xi32, #tpu.memory_space<vmem>>
          %dma_wait3A_490 = tpu.memref_squeeze %dma_wait3A_489 : memref<1x1x128xi32, #tpu.memory_space<vmem>> -> memref<128xi32, #tpu.memory_space<vmem>>
          %dma_wait3A_491 = arith.constant 0 : i32
          %dma_wait3A_492 = arith.constant 0 : i32
          %dma_wait3A_493 = tpu.memref_slice %arg13[%dma_wait3A_491, %dma_wait3A_492] : memref<10016x128xf32, #tpu.memory_space<vmem_shared>> -> memref<10016x128xf32, #tpu.memory_space<vmem_shared>>
          %dma_wait3A_494 = tpu.memref_slice %arg17[%rem3A_395] : memref<3x!tpu.dma_semaphore, #tpu.memory_space<semaphore_mem>> -> memref<1x!tpu.dma_semaphore, #tpu.memory_space<semaphore_mem>>
          %dma_wait3A_495 = tpu.memref_squeeze %dma_wait3A_494 : memref<1x!tpu.dma_semaphore, #tpu.memory_space<semaphore_mem>> -> memref<!tpu.dma_semaphore, #tpu.memory_space<semaphore_mem>>
          tpu.wait_indirect_dma semaphore(%dma_wait3A_495 : memref<!tpu.dma_semaphore, #tpu.memory_space<semaphore_mem>>) src(%dma_wait3A_487 : memref<128x128xf32, #tpu.memory_space<vmem>>) dst(%dma_wait3A_493 : memref<10016x128xf32, #tpu.memory_space<vmem_shared>>)
          %dma_wait3A_496 = arith.constant 1 : i32
          %dma_wait3A_497 = arith.constant 0 : i32
          %dma_wait3A_498 = tpu.memref_slice %arg10[%rem3A_395, %dma_wait3A_496, %dma_wait3A_497] : memref<3x2x128xi32, #tpu.memory_space<vmem>> -> memref<1x1x128xi32, #tpu.memory_space<vmem>>
          %dma_wait3A_499 = tpu.memref_squeeze %dma_wait3A_498 : memref<1x1x128xi32, #tpu.memory_space<vmem>> -> memref<128xi32, #tpu.memory_space<vmem>>
          %dma_wait3A_500 = arith.constant 0 : i32
          %dma_wait3A_501 = tpu.memref_slice %arg14[%dma_wait3A_500] : memref<10016xf32, #tpu.memory_space<vmem_shared>> -> memref<10016xf32, #tpu.memory_space<vmem_shared>>
          %dma_wait3A_502 = tpu.memref_slice %arg18[%rem3A_395] : memref<3x!tpu.dma_semaphore, #tpu.memory_space<semaphore_mem>> -> memref<1x!tpu.dma_semaphore, #tpu.memory_space<semaphore_mem>>
          %dma_wait3A_503 = tpu.memref_squeeze %dma_wait3A_502 : memref<1x!tpu.dma_semaphore, #tpu.memory_space<semaphore_mem>> -> memref<!tpu.dma_semaphore, #tpu.memory_space<semaphore_mem>>
          tpu.wait_indirect_dma semaphore(%dma_wait3A_503 : memref<!tpu.dma_semaphore, #tpu.memory_space<semaphore_mem>>) src(%arg12 : memref<128xf32, #tpu.memory_space<vmem>>) dst(%dma_wait3A_501 : memref<10016xf32, #tpu.memory_space<vmem_shared>>)
        } else {
        }
        %add3A_462 = arith.addi %mul3A_8, %scan3A_385 : i32
        %add3A_463 = arith.constant 2 : i32
        %add3A_464 = arith.addi %add3A_462, %add3A_463 : i32
        %dma_start3A_465 = arith.constant 0 : i32
        %dma_start3A_466 = arith.constant 0 : i32
        %dma_start3A_467 = tpu.memref_slice %arg10[%rem3A_395, %dma_start3A_465, %dma_start3A_466] : memref<3x2x128xi32, #tpu.memory_space<vmem>> -> memref<1x2x128xi32, #tpu.memory_space<vmem>>
        %dma_start3A_468 = tpu.memref_squeeze %dma_start3A_467 : memref<1x2x128xi32, #tpu.memory_space<vmem>> -> memref<2x128xi32, #tpu.memory_space<vmem>>
        %dma_start3A_469 = arith.constant 0 : i32
        %dma_start3A_470 = arith.constant 0 : i32
        %dma_start3A_471 = tpu.memref_slice %arg2[%add3A_464, %dma_start3A_469, %dma_start3A_470] : memref<2528x2x128xi32, #tpu.memory_space<hbm>> -> memref<1x2x128xi32, #tpu.memory_space<hbm>>
        %dma_start3A_472 = tpu.memref_squeeze %dma_start3A_471 : memref<1x2x128xi32, #tpu.memory_space<hbm>> -> memref<2x128xi32, #tpu.memory_space<hbm>>
        %dma_start3A_473 = tpu.memref_slice %arg15[%rem3A_395] : memref<3x!tpu.dma_semaphore, #tpu.memory_space<semaphore_mem>> -> memref<1x!tpu.dma_semaphore, #tpu.memory_space<semaphore_mem>>
        %dma_start3A_474 = tpu.memref_squeeze %dma_start3A_473 : memref<1x!tpu.dma_semaphore, #tpu.memory_space<semaphore_mem>> -> memref<!tpu.dma_semaphore, #tpu.memory_space<semaphore_mem>>
        %dma_start3A_475 = arith.constant 0 : i32
        %dma_start3A_476 = arith.constant 0 : i32
        %dma_start3A_477 = tpu.memref_slice %arg10[%rem3A_395, %dma_start3A_475, %dma_start3A_476] : memref<3x2x128xi32, #tpu.memory_space<vmem>> -> memref<1x2x128xi32, #tpu.memory_space<vmem>>
        %dma_start3A_478 = tpu.memref_squeeze %dma_start3A_477 : memref<1x2x128xi32, #tpu.memory_space<vmem>> -> memref<2x128xi32, #tpu.memory_space<vmem>>
        %dma_start3A_479 = arith.constant 0 : i32
        %dma_start3A_480 = arith.constant 0 : i32
        %dma_start3A_481 = tpu.memref_slice %arg2[%add3A_464, %dma_start3A_479, %dma_start3A_480] : memref<2528x2x128xi32, #tpu.memory_space<hbm>> -> memref<1x2x128xi32, #tpu.memory_space<hbm>>
        %dma_start3A_482 = tpu.memref_squeeze %dma_start3A_481 : memref<1x2x128xi32, #tpu.memory_space<hbm>> -> memref<2x128xi32, #tpu.memory_space<hbm>>
        tpu.enqueue_dma source(%dma_start3A_482 : memref<2x128xi32, #tpu.memory_space<hbm>>) target(%dma_start3A_478 : memref<2x128xi32, #tpu.memory_space<vmem>>) target_semaphore(%dma_start3A_474 : memref<!tpu.dma_semaphore, #tpu.memory_space<semaphore_mem>>)
      } else {
      }
      %scan3A_457 = arith.constant 0 : i32
      scf.yield %scan3A_457 : i32
    }
    %scan3A_111 = arith.constant 78 : i32
    %scan3A_112 = arith.addi %scan3A_106, %scan3A_111 : i32
    %rem3A = arith.constant 3 : i32
    %rem3A_113 = arith.remsi %scan3A_112, %rem3A : i32
    %add3A_114 = arith.constant 1 : i32
    %add3A_115 = arith.addi %scan3A_112, %add3A_114 : i32
    %rem3A_116 = arith.constant 3 : i32
    %rem3A_117 = arith.remsi %add3A_115, %rem3A_116 : i32
    %add3A_118 = arith.constant 2 : i32
    %add3A_119 = arith.addi %scan3A_112, %add3A_118 : i32
    %rem3A_120 = arith.constant 3 : i32
    %rem3A_121 = arith.remsi %add3A_119, %rem3A_120 : i32
    %add3A_122 = arith.constant 1 : i32
    %add3A_123 = arith.addi %scan3A_112, %add3A_122 : i32
    %lt3A = arith.constant 79 : i32
    %lt3A_124 = arith.cmpi slt, %add3A_123, %lt3A : i32
    %convert_element_type3A_125 = arith.extui %lt3A_124 : i1 to i32
    %cond3A_126 = arith.constant 0 : i32
    %cond3A_127 = arith.cmpi ne, %convert_element_type3A_125, %cond3A_126 : i32
    scf.if %cond3A_127 {
      %add3A_310 = arith.addi %mul3A_8, %scan3A_112 : i32
      %add3A_311 = arith.constant 1 : i32
      %add3A_312 = arith.addi %add3A_310, %add3A_311 : i32
      %dma_wait3A_313 = arith.constant 0 : i32
      %dma_wait3A_314 = arith.constant 0 : i32
      %dma_wait3A_315 = tpu.memref_slice %arg10[%rem3A_117, %dma_wait3A_313, %dma_wait3A_314] : memref<3x2x128xi32, #tpu.memory_space<vmem>> -> memref<1x2x128xi32, #tpu.memory_space<vmem>>
      %dma_wait3A_316 = tpu.memref_squeeze %dma_wait3A_315 : memref<1x2x128xi32, #tpu.memory_space<vmem>> -> memref<2x128xi32, #tpu.memory_space<vmem>>
      %dma_wait3A_317 = arith.constant 0 : i32
      %dma_wait3A_318 = arith.constant 0 : i32
      %dma_wait3A_319 = tpu.memref_slice %arg2[%add3A_312, %dma_wait3A_317, %dma_wait3A_318] : memref<2528x2x128xi32, #tpu.memory_space<hbm>> -> memref<1x2x128xi32, #tpu.memory_space<hbm>>
      %dma_wait3A_320 = tpu.memref_squeeze %dma_wait3A_319 : memref<1x2x128xi32, #tpu.memory_space<hbm>> -> memref<2x128xi32, #tpu.memory_space<hbm>>
      %dma_wait3A_321 = tpu.memref_slice %arg15[%rem3A_117] : memref<3x!tpu.dma_semaphore, #tpu.memory_space<semaphore_mem>> -> memref<1x!tpu.dma_semaphore, #tpu.memory_space<semaphore_mem>>
      %dma_wait3A_322 = tpu.memref_squeeze %dma_wait3A_321 : memref<1x!tpu.dma_semaphore, #tpu.memory_space<semaphore_mem>> -> memref<!tpu.dma_semaphore, #tpu.memory_space<semaphore_mem>>
      %dma_wait3A_323 = arith.constant 0 : i32
      %dma_wait3A_324 = arith.constant 0 : i32
      %dma_wait3A_325 = tpu.memref_slice %arg10[%rem3A_117, %dma_wait3A_323, %dma_wait3A_324] : memref<3x2x128xi32, #tpu.memory_space<vmem>> -> memref<1x2x128xi32, #tpu.memory_space<vmem>>
      %dma_wait3A_326 = tpu.memref_squeeze %dma_wait3A_325 : memref<1x2x128xi32, #tpu.memory_space<vmem>> -> memref<2x128xi32, #tpu.memory_space<vmem>>
      %dma_wait3A_327 = arith.constant 0 : i32
      %dma_wait3A_328 = arith.constant 0 : i32
      %dma_wait3A_329 = tpu.memref_slice %arg2[%add3A_312, %dma_wait3A_327, %dma_wait3A_328] : memref<2528x2x128xi32, #tpu.memory_space<hbm>> -> memref<1x2x128xi32, #tpu.memory_space<hbm>>
      %dma_wait3A_330 = tpu.memref_squeeze %dma_wait3A_329 : memref<1x2x128xi32, #tpu.memory_space<hbm>> -> memref<2x128xi32, #tpu.memory_space<hbm>>
      tpu.wait_dma2 semaphore(%dma_wait3A_322 : memref<!tpu.dma_semaphore, #tpu.memory_space<semaphore_mem>>) src(%dma_wait3A_330 : memref<2x128xi32, #tpu.memory_space<hbm>>) dst(%dma_wait3A_326 : memref<2x128xi32, #tpu.memory_space<vmem>>)
      %dma_start3A_331 = arith.constant 0 : i32
      %dma_start3A_332 = arith.constant 0 : i32
      %dma_start3A_333 = arith.constant 0 : i32
      %dma_start3A_334 = tpu.memref_slice %arg11[%rem3A_117, %dma_start3A_332, %dma_start3A_333] : memref<3x128x128xf32, #tpu.memory_space<vmem>> -> memref<1x64x128xf32, #tpu.memory_space<vmem>>
      %dma_start3A_335 = tpu.memref_squeeze %dma_start3A_334 : memref<1x64x128xf32, #tpu.memory_space<vmem>> -> memref<64x128xf32, #tpu.memory_space<vmem>>
      %dma_start3A_336 = arith.constant 0 : i32
      %dma_start3A_337 = tpu.memref_slice %arg10[%rem3A_117, %dma_start3A_331, %dma_start3A_336] : memref<3x2x128xi32, #tpu.memory_space<vmem>> -> memref<1x1x64xi32, #tpu.memory_space<vmem>>
      %dma_start3A_338 = tpu.memref_squeeze %dma_start3A_337 : memref<1x1x64xi32, #tpu.memory_space<vmem>> -> memref<64xi32, #tpu.memory_space<vmem>>
      %dma_start3A_339 = arith.constant 0 : i32
      %dma_start3A_340 = arith.constant 0 : i32
      %dma_start3A_341 = tpu.memref_slice %arg3[%dma_start3A_339, %dma_start3A_340] : memref<10000x128xf32, #tpu.memory_space<hbm>> -> memref<10000x128xf32, #tpu.memory_space<hbm>>
      %dma_start3A_342 = tpu.memref_slice %arg16[%rem3A_117] : memref<3x!tpu.dma_semaphore, #tpu.memory_space<semaphore_mem>> -> memref<1x!tpu.dma_semaphore, #tpu.memory_space<semaphore_mem>>
      %dma_start3A_343 = tpu.memref_squeeze %dma_start3A_342 : memref<1x!tpu.dma_semaphore, #tpu.memory_space<semaphore_mem>> -> memref<!tpu.dma_semaphore, #tpu.memory_space<semaphore_mem>>
      tpu.enqueue_indirect_dma source(%dma_start3A_341 : memref<10000x128xf32, #tpu.memory_space<hbm>>) target(%dma_start3A_335 : memref<64x128xf32, #tpu.memory_space<vmem>>) offsets(%dma_start3A_338 : memref<64xi32, #tpu.memory_space<vmem>>) semaphore(%dma_start3A_343 : memref<!tpu.dma_semaphore, #tpu.memory_space<semaphore_mem>>)
      %dma_start3A_344 = arith.constant 0 : i32
      %dma_start3A_345 = arith.constant 64 : i32
      %dma_start3A_346 = arith.constant 0 : i32
      %dma_start3A_347 = tpu.memref_slice %arg11[%rem3A_117, %dma_start3A_345, %dma_start3A_346] : memref<3x128x128xf32, #tpu.memory_space<vmem>> -> memref<1x64x128xf32, #tpu.memory_space<vmem>>
      %dma_start3A_348 = tpu.memref_squeeze %dma_start3A_347 : memref<1x64x128xf32, #tpu.memory_space<vmem>> -> memref<64x128xf32, #tpu.memory_space<vmem>>
      %dma_start3A_349 = arith.constant 64 : i32
      %dma_start3A_350 = tpu.memref_slice %arg10[%rem3A_117, %dma_start3A_344, %dma_start3A_349] : memref<3x2x128xi32, #tpu.memory_space<vmem>> -> memref<1x1x64xi32, #tpu.memory_space<vmem>>
      %dma_start3A_351 = tpu.memref_squeeze %dma_start3A_350 : memref<1x1x64xi32, #tpu.memory_space<vmem>> -> memref<64xi32, #tpu.memory_space<vmem>>
      %dma_start3A_352 = arith.constant 0 : i32
      %dma_start3A_353 = arith.constant 0 : i32
      %dma_start3A_354 = tpu.memref_slice %arg3[%dma_start3A_352, %dma_start3A_353] : memref<10000x128xf32, #tpu.memory_space<hbm>> -> memref<10000x128xf32, #tpu.memory_space<hbm>>
      %dma_start3A_355 = tpu.memref_slice %arg16[%rem3A_117] : memref<3x!tpu.dma_semaphore, #tpu.memory_space<semaphore_mem>> -> memref<1x!tpu.dma_semaphore, #tpu.memory_space<semaphore_mem>>
      %dma_start3A_356 = tpu.memref_squeeze %dma_start3A_355 : memref<1x!tpu.dma_semaphore, #tpu.memory_space<semaphore_mem>> -> memref<!tpu.dma_semaphore, #tpu.memory_space<semaphore_mem>>
      tpu.enqueue_indirect_dma source(%dma_start3A_354 : memref<10000x128xf32, #tpu.memory_space<hbm>>) target(%dma_start3A_348 : memref<64x128xf32, #tpu.memory_space<vmem>>) offsets(%dma_start3A_351 : memref<64xi32, #tpu.memory_space<vmem>>) semaphore(%dma_start3A_356 : memref<!tpu.dma_semaphore, #tpu.memory_space<semaphore_mem>>)
    } else {
    }
    %dma_wait3A_128 = arith.constant 0 : i32
    %dma_wait3A_129 = arith.constant 0 : i32
    %dma_wait3A_130 = arith.constant 0 : i32
    %dma_wait3A_131 = tpu.memref_slice %arg11[%rem3A_113, %dma_wait3A_129, %dma_wait3A_130] : memref<3x128x128xf32, #tpu.memory_space<vmem>> -> memref<1x64x128xf32, #tpu.memory_space<vmem>>
    %dma_wait3A_132 = tpu.memref_squeeze %dma_wait3A_131 : memref<1x64x128xf32, #tpu.memory_space<vmem>> -> memref<64x128xf32, #tpu.memory_space<vmem>>
    %dma_wait3A_133 = arith.constant 0 : i32
    %dma_wait3A_134 = tpu.memref_slice %arg10[%rem3A_113, %dma_wait3A_128, %dma_wait3A_133] : memref<3x2x128xi32, #tpu.memory_space<vmem>> -> memref<1x1x64xi32, #tpu.memory_space<vmem>>
    %dma_wait3A_135 = tpu.memref_squeeze %dma_wait3A_134 : memref<1x1x64xi32, #tpu.memory_space<vmem>> -> memref<64xi32, #tpu.memory_space<vmem>>
    %dma_wait3A_136 = arith.constant 0 : i32
    %dma_wait3A_137 = arith.constant 0 : i32
    %dma_wait3A_138 = tpu.memref_slice %arg3[%dma_wait3A_136, %dma_wait3A_137] : memref<10000x128xf32, #tpu.memory_space<hbm>> -> memref<10000x128xf32, #tpu.memory_space<hbm>>
    %dma_wait3A_139 = tpu.memref_slice %arg16[%rem3A_113] : memref<3x!tpu.dma_semaphore, #tpu.memory_space<semaphore_mem>> -> memref<1x!tpu.dma_semaphore, #tpu.memory_space<semaphore_mem>>
    %dma_wait3A_140 = tpu.memref_squeeze %dma_wait3A_139 : memref<1x!tpu.dma_semaphore, #tpu.memory_space<semaphore_mem>> -> memref<!tpu.dma_semaphore, #tpu.memory_space<semaphore_mem>>
    tpu.wait_indirect_dma semaphore(%dma_wait3A_140 : memref<!tpu.dma_semaphore, #tpu.memory_space<semaphore_mem>>) src(%dma_wait3A_138 : memref<10000x128xf32, #tpu.memory_space<hbm>>) dst(%dma_wait3A_132 : memref<64x128xf32, #tpu.memory_space<vmem>>)
    %dma_wait3A_141 = arith.constant 0 : i32
    %dma_wait3A_142 = arith.constant 64 : i32
    %dma_wait3A_143 = arith.constant 0 : i32
    %dma_wait3A_144 = tpu.memref_slice %arg11[%rem3A_113, %dma_wait3A_142, %dma_wait3A_143] : memref<3x128x128xf32, #tpu.memory_space<vmem>> -> memref<1x64x128xf32, #tpu.memory_space<vmem>>
    %dma_wait3A_145 = tpu.memref_squeeze %dma_wait3A_144 : memref<1x64x128xf32, #tpu.memory_space<vmem>> -> memref<64x128xf32, #tpu.memory_space<vmem>>
    %dma_wait3A_146 = arith.constant 64 : i32
    %dma_wait3A_147 = tpu.memref_slice %arg10[%rem3A_113, %dma_wait3A_141, %dma_wait3A_146] : memref<3x2x128xi32, #tpu.memory_space<vmem>> -> memref<1x1x64xi32, #tpu.memory_space<vmem>>
    %dma_wait3A_148 = tpu.memref_squeeze %dma_wait3A_147 : memref<1x1x64xi32, #tpu.memory_space<vmem>> -> memref<64xi32, #tpu.memory_space<vmem>>
    %dma_wait3A_149 = arith.constant 0 : i32
    %dma_wait3A_150 = arith.constant 0 : i32
    %dma_wait3A_151 = tpu.memref_slice %arg3[%dma_wait3A_149, %dma_wait3A_150] : memref<10000x128xf32, #tpu.memory_space<hbm>> -> memref<10000x128xf32, #tpu.memory_space<hbm>>
    %dma_wait3A_152 = tpu.memref_slice %arg16[%rem3A_113] : memref<3x!tpu.dma_semaphore, #tpu.memory_space<semaphore_mem>> -> memref<1x!tpu.dma_semaphore, #tpu.memory_space<semaphore_mem>>
    %dma_wait3A_153 = tpu.memref_squeeze %dma_wait3A_152 : memref<1x!tpu.dma_semaphore, #tpu.memory_space<semaphore_mem>> -> memref<!tpu.dma_semaphore, #tpu.memory_space<semaphore_mem>>
    tpu.wait_indirect_dma semaphore(%dma_wait3A_153 : memref<!tpu.dma_semaphore, #tpu.memory_space<semaphore_mem>>) src(%dma_wait3A_151 : memref<10000x128xf32, #tpu.memory_space<hbm>>) dst(%dma_wait3A_145 : memref<64x128xf32, #tpu.memory_space<vmem>>)
    %dma_start3A_154 = arith.constant 1 : i32
    %dma_start3A_155 = arith.constant 0 : i32
    %dma_start3A_156 = arith.constant 0 : i32
    %dma_start3A_157 = tpu.memref_slice %arg11[%rem3A_113, %dma_start3A_155, %dma_start3A_156] : memref<3x128x128xf32, #tpu.memory_space<vmem>> -> memref<1x128x128xf32, #tpu.memory_space<vmem>>
    %dma_start3A_158 = tpu.memref_squeeze %dma_start3A_157 : memref<1x128x128xf32, #tpu.memory_space<vmem>> -> memref<128x128xf32, #tpu.memory_space<vmem>>
    %dma_start3A_159 = arith.constant 0 : i32
    %dma_start3A_160 = tpu.memref_slice %arg10[%rem3A_113, %dma_start3A_154, %dma_start3A_159] : memref<3x2x128xi32, #tpu.memory_space<vmem>> -> memref<1x1x128xi32, #tpu.memory_space<vmem>>
    %dma_start3A_161 = tpu.memref_squeeze %dma_start3A_160 : memref<1x1x128xi32, #tpu.memory_space<vmem>> -> memref<128xi32, #tpu.memory_space<vmem>>
    %dma_start3A_162 = arith.constant 0 : i32
    %dma_start3A_163 = arith.constant 0 : i32
    %dma_start3A_164 = tpu.memref_slice %arg13[%dma_start3A_162, %dma_start3A_163] : memref<10016x128xf32, #tpu.memory_space<vmem_shared>> -> memref<10016x128xf32, #tpu.memory_space<vmem_shared>>
    %dma_start3A_165 = tpu.memref_slice %arg17[%rem3A_113] : memref<3x!tpu.dma_semaphore, #tpu.memory_space<semaphore_mem>> -> memref<1x!tpu.dma_semaphore, #tpu.memory_space<semaphore_mem>>
    %dma_start3A_166 = tpu.memref_squeeze %dma_start3A_165 : memref<1x!tpu.dma_semaphore, #tpu.memory_space<semaphore_mem>> -> memref<!tpu.dma_semaphore, #tpu.memory_space<semaphore_mem>>
    tpu.enqueue_indirect_dma source(%dma_start3A_158 : memref<128x128xf32, #tpu.memory_space<vmem>>) target(%dma_start3A_164 : memref<10016x128xf32, #tpu.memory_space<vmem_shared>>) offsets(%dma_start3A_161 : memref<128xi32, #tpu.memory_space<vmem>>) semaphore(%dma_start3A_166 : memref<!tpu.dma_semaphore, #tpu.memory_space<semaphore_mem>>) {add = true}
    %dma_start3A_167 = arith.constant 1 : i32
    %dma_start3A_168 = arith.constant 0 : i32
    %dma_start3A_169 = tpu.memref_slice %arg10[%rem3A_113, %dma_start3A_167, %dma_start3A_168] : memref<3x2x128xi32, #tpu.memory_space<vmem>> -> memref<1x1x128xi32, #tpu.memory_space<vmem>>
    %dma_start3A_170 = tpu.memref_squeeze %dma_start3A_169 : memref<1x1x128xi32, #tpu.memory_space<vmem>> -> memref<128xi32, #tpu.memory_space<vmem>>
    %dma_start3A_171 = arith.constant 0 : i32
    %dma_start3A_172 = tpu.memref_slice %arg14[%dma_start3A_171] : memref<10016xf32, #tpu.memory_space<vmem_shared>> -> memref<10016xf32, #tpu.memory_space<vmem_shared>>
    %dma_start3A_173 = tpu.memref_slice %arg18[%rem3A_113] : memref<3x!tpu.dma_semaphore, #tpu.memory_space<semaphore_mem>> -> memref<1x!tpu.dma_semaphore, #tpu.memory_space<semaphore_mem>>
    %dma_start3A_174 = tpu.memref_squeeze %dma_start3A_173 : memref<1x!tpu.dma_semaphore, #tpu.memory_space<semaphore_mem>> -> memref<!tpu.dma_semaphore, #tpu.memory_space<semaphore_mem>>
    tpu.enqueue_indirect_dma source(%arg12 : memref<128xf32, #tpu.memory_space<vmem>>) target(%dma_start3A_172 : memref<10016xf32, #tpu.memory_space<vmem_shared>>) offsets(%dma_start3A_170 : memref<128xi32, #tpu.memory_space<vmem>>) semaphore(%dma_start3A_174 : memref<!tpu.dma_semaphore, #tpu.memory_space<semaphore_mem>>) {add = true}
    %add3A_175 = arith.constant 2 : i32
    %add3A_176 = arith.addi %scan3A_112, %add3A_175 : i32
    %lt3A_177 = arith.constant 79 : i32
    %lt3A_178 = arith.cmpi slt, %add3A_176, %lt3A_177 : i32
    %convert_element_type3A_179 = arith.extui %lt3A_178 : i1 to i32
    %cond3A_180 = arith.constant 0 : i32
    %cond3A_181 = arith.cmpi ne, %convert_element_type3A_179, %cond3A_180 : i32
    scf.if %cond3A_181 {
      %ge3A = arith.constant 1 : i32
      %ge3A_310 = arith.cmpi sge, %scan3A_112, %ge3A : i32
      %convert_element_type3A_311 = arith.extui %ge3A_310 : i1 to i32
      %cond3A_312 = arith.constant 0 : i32
      %cond3A_313 = arith.cmpi ne, %convert_element_type3A_311, %cond3A_312 : i32
      scf.if %cond3A_313 {
        %dma_wait3A_335 = arith.constant 1 : i32
        %dma_wait3A_336 = arith.constant 0 : i32
        %dma_wait3A_337 = arith.constant 0 : i32
        %dma_wait3A_338 = tpu.memref_slice %arg11[%rem3A_121, %dma_wait3A_336, %dma_wait3A_337] : memref<3x128x128xf32, #tpu.memory_space<vmem>> -> memref<1x128x128xf32, #tpu.memory_space<vmem>>
        %dma_wait3A_339 = tpu.memref_squeeze %dma_wait3A_338 : memref<1x128x128xf32, #tpu.memory_space<vmem>> -> memref<128x128xf32, #tpu.memory_space<vmem>>
        %dma_wait3A_340 = arith.constant 0 : i32
        %dma_wait3A_341 = tpu.memref_slice %arg10[%rem3A_121, %dma_wait3A_335, %dma_wait3A_340] : memref<3x2x128xi32, #tpu.memory_space<vmem>> -> memref<1x1x128xi32, #tpu.memory_space<vmem>>
        %dma_wait3A_342 = tpu.memref_squeeze %dma_wait3A_341 : memref<1x1x128xi32, #tpu.memory_space<vmem>> -> memref<128xi32, #tpu.memory_space<vmem>>
        %dma_wait3A_343 = arith.constant 0 : i32
        %dma_wait3A_344 = arith.constant 0 : i32
        %dma_wait3A_345 = tpu.memref_slice %arg13[%dma_wait3A_343, %dma_wait3A_344] : memref<10016x128xf32, #tpu.memory_space<vmem_shared>> -> memref<10016x128xf32, #tpu.memory_space<vmem_shared>>
        %dma_wait3A_346 = tpu.memref_slice %arg17[%rem3A_121] : memref<3x!tpu.dma_semaphore, #tpu.memory_space<semaphore_mem>> -> memref<1x!tpu.dma_semaphore, #tpu.memory_space<semaphore_mem>>
        %dma_wait3A_347 = tpu.memref_squeeze %dma_wait3A_346 : memref<1x!tpu.dma_semaphore, #tpu.memory_space<semaphore_mem>> -> memref<!tpu.dma_semaphore, #tpu.memory_space<semaphore_mem>>
        tpu.wait_indirect_dma semaphore(%dma_wait3A_347 : memref<!tpu.dma_semaphore, #tpu.memory_space<semaphore_mem>>) src(%dma_wait3A_339 : memref<128x128xf32, #tpu.memory_space<vmem>>) dst(%dma_wait3A_345 : memref<10016x128xf32, #tpu.memory_space<vmem_shared>>)
        %dma_wait3A_348 = arith.constant 1 : i32
        %dma_wait3A_349 = arith.constant 0 : i32
        %dma_wait3A_350 = tpu.memref_slice %arg10[%rem3A_121, %dma_wait3A_348, %dma_wait3A_349] : memref<3x2x128xi32, #tpu.memory_space<vmem>> -> memref<1x1x128xi32, #tpu.memory_space<vmem>>
        %dma_wait3A_351 = tpu.memref_squeeze %dma_wait3A_350 : memref<1x1x128xi32, #tpu.memory_space<vmem>> -> memref<128xi32, #tpu.memory_space<vmem>>
        %dma_wait3A_352 = arith.constant 0 : i32
        %dma_wait3A_353 = tpu.memref_slice %arg14[%dma_wait3A_352] : memref<10016xf32, #tpu.memory_space<vmem_shared>> -> memref<10016xf32, #tpu.memory_space<vmem_shared>>
        %dma_wait3A_354 = tpu.memref_slice %arg18[%rem3A_121] : memref<3x!tpu.dma_semaphore, #tpu.memory_space<semaphore_mem>> -> memref<1x!tpu.dma_semaphore, #tpu.memory_space<semaphore_mem>>
        %dma_wait3A_355 = tpu.memref_squeeze %dma_wait3A_354 : memref<1x!tpu.dma_semaphore, #tpu.memory_space<semaphore_mem>> -> memref<!tpu.dma_semaphore, #tpu.memory_space<semaphore_mem>>
        tpu.wait_indirect_dma semaphore(%dma_wait3A_355 : memref<!tpu.dma_semaphore, #tpu.memory_space<semaphore_mem>>) src(%arg12 : memref<128xf32, #tpu.memory_space<vmem>>) dst(%dma_wait3A_353 : memref<10016xf32, #tpu.memory_space<vmem_shared>>)
      } else {
      }
      %add3A_314 = arith.addi %mul3A_8, %scan3A_112 : i32
      %add3A_315 = arith.constant 2 : i32
      %add3A_316 = arith.addi %add3A_314, %add3A_315 : i32
      %dma_start3A_317 = arith.constant 0 : i32
      %dma_start3A_318 = arith.constant 0 : i32
      %dma_start3A_319 = tpu.memref_slice %arg10[%rem3A_121, %dma_start3A_317, %dma_start3A_318] : memref<3x2x128xi32, #tpu.memory_space<vmem>> -> memref<1x2x128xi32, #tpu.memory_space<vmem>>
      %dma_start3A_320 = tpu.memref_squeeze %dma_start3A_319 : memref<1x2x128xi32, #tpu.memory_space<vmem>> -> memref<2x128xi32, #tpu.memory_space<vmem>>
      %dma_start3A_321 = arith.constant 0 : i32
      %dma_start3A_322 = arith.constant 0 : i32
      %dma_start3A_323 = tpu.memref_slice %arg2[%add3A_316, %dma_start3A_321, %dma_start3A_322] : memref<2528x2x128xi32, #tpu.memory_space<hbm>> -> memref<1x2x128xi32, #tpu.memory_space<hbm>>
      %dma_start3A_324 = tpu.memref_squeeze %dma_start3A_323 : memref<1x2x128xi32, #tpu.memory_space<hbm>> -> memref<2x128xi32, #tpu.memory_space<hbm>>
      %dma_start3A_325 = tpu.memref_slice %arg15[%rem3A_121] : memref<3x!tpu.dma_semaphore, #tpu.memory_space<semaphore_mem>> -> memref<1x!tpu.dma_semaphore, #tpu.memory_space<semaphore_mem>>
      %dma_start3A_326 = tpu.memref_squeeze %dma_start3A_325 : memref<1x!tpu.dma_semaphore, #tpu.memory_space<semaphore_mem>> -> memref<!tpu.dma_semaphore, #tpu.memory_space<semaphore_mem>>
      %dma_start3A_327 = arith.constant 0 : i32
      %dma_start3A_328 = arith.constant 0 : i32
      %dma_start3A_329 = tpu.memref_slice %arg10[%rem3A_121, %dma_start3A_327, %dma_start3A_328] : memref<3x2x128xi32, #tpu.memory_space<vmem>> -> memref<1x2x128xi32, #tpu.memory_space<vmem>>
      %dma_start3A_330 = tpu.memref_squeeze %dma_start3A_329 : memref<1x2x128xi32, #tpu.memory_space<vmem>> -> memref<2x128xi32, #tpu.memory_space<vmem>>
      %dma_start3A_331 = arith.constant 0 : i32
      %dma_start3A_332 = arith.constant 0 : i32
      %dma_start3A_333 = tpu.memref_slice %arg2[%add3A_316, %dma_start3A_331, %dma_start3A_332] : memref<2528x2x128xi32, #tpu.memory_space<hbm>> -> memref<1x2x128xi32, #tpu.memory_space<hbm>>
      %dma_start3A_334 = tpu.memref_squeeze %dma_start3A_333 : memref<1x2x128xi32, #tpu.memory_space<hbm>> -> memref<2x128xi32, #tpu.memory_space<hbm>>
      tpu.enqueue_dma source(%dma_start3A_334 : memref<2x128xi32, #tpu.memory_space<hbm>>) target(%dma_start3A_330 : memref<2x128xi32, #tpu.memory_space<vmem>>) target_semaphore(%dma_start3A_326 : memref<!tpu.dma_semaphore, #tpu.memory_space<semaphore_mem>>)
    } else {
    }
    %scan3A_182 = arith.constant 0 : i32
    %scan3A_183 = arith.constant 79 : i32
    %dma_wait3A_184 = arith.constant 1 : i32
    %dma_wait3A_185 = arith.constant 1 : i32
    %dma_wait3A_186 = arith.constant 1 : i32
    %dma_wait3A_187 = arith.constant 1 : i32
    %dma_wait3A_188 = arith.constant 0 : i32
    %dma_wait3A_189 = arith.constant 0 : i32
    %dma_wait3A_190 = tpu.memref_slice %arg11[%dma_wait3A_184, %dma_wait3A_188, %dma_wait3A_189] : memref<3x128x128xf32, #tpu.memory_space<vmem>> -> memref<1x128x128xf32, #tpu.memory_space<vmem>>
    %dma_wait3A_191 = tpu.memref_squeeze %dma_wait3A_190 : memref<1x128x128xf32, #tpu.memory_space<vmem>> -> memref<128x128xf32, #tpu.memory_space<vmem>>
    %dma_wait3A_192 = arith.constant 0 : i32
    %dma_wait3A_193 = tpu.memref_slice %arg10[%dma_wait3A_185, %dma_wait3A_186, %dma_wait3A_192] : memref<3x2x128xi32, #tpu.memory_space<vmem>> -> memref<1x1x128xi32, #tpu.memory_space<vmem>>
    %dma_wait3A_194 = tpu.memref_squeeze %dma_wait3A_193 : memref<1x1x128xi32, #tpu.memory_space<vmem>> -> memref<128xi32, #tpu.memory_space<vmem>>
    %dma_wait3A_195 = arith.constant 0 : i32
    %dma_wait3A_196 = arith.constant 0 : i32
    %dma_wait3A_197 = tpu.memref_slice %arg13[%dma_wait3A_195, %dma_wait3A_196] : memref<10016x128xf32, #tpu.memory_space<vmem_shared>> -> memref<10016x128xf32, #tpu.memory_space<vmem_shared>>
    %dma_wait3A_198 = tpu.memref_slice %arg17[%dma_wait3A_187] : memref<3x!tpu.dma_semaphore, #tpu.memory_space<semaphore_mem>> -> memref<1x!tpu.dma_semaphore, #tpu.memory_space<semaphore_mem>>
    %dma_wait3A_199 = tpu.memref_squeeze %dma_wait3A_198 : memref<1x!tpu.dma_semaphore, #tpu.memory_space<semaphore_mem>> -> memref<!tpu.dma_semaphore, #tpu.memory_space<semaphore_mem>>
    tpu.wait_indirect_dma semaphore(%dma_wait3A_199 : memref<!tpu.dma_semaphore, #tpu.memory_space<semaphore_mem>>) src(%dma_wait3A_191 : memref<128x128xf32, #tpu.memory_space<vmem>>) dst(%dma_wait3A_197 : memref<10016x128xf32, #tpu.memory_space<vmem_shared>>)
    %dma_wait3A_200 = arith.constant 1 : i32
    %dma_wait3A_201 = arith.constant 1 : i32
    %dma_wait3A_202 = arith.constant 1 : i32
    %dma_wait3A_203 = arith.constant 0 : i32
    %dma_wait3A_204 = tpu.memref_slice %arg10[%dma_wait3A_200, %dma_wait3A_201, %dma_wait3A_203] : memref<3x2x128xi32, #tpu.memory_space<vmem>> -> memref<1x1x128xi32, #tpu.memory_space<vmem>>
    %dma_wait3A_205 = tpu.memref_squeeze %dma_wait3A_204 : memref<1x1x128xi32, #tpu.memory_space<vmem>> -> memref<128xi32, #tpu.memory_space<vmem>>
    %dma_wait3A_206 = arith.constant 0 : i32
    %dma_wait3A_207 = tpu.memref_slice %arg14[%dma_wait3A_206] : memref<10016xf32, #tpu.memory_space<vmem_shared>> -> memref<10016xf32, #tpu.memory_space<vmem_shared>>
    %dma_wait3A_208 = tpu.memref_slice %arg18[%dma_wait3A_202] : memref<3x!tpu.dma_semaphore, #tpu.memory_space<semaphore_mem>> -> memref<1x!tpu.dma_semaphore, #tpu.memory_space<semaphore_mem>>
    %dma_wait3A_209 = tpu.memref_squeeze %dma_wait3A_208 : memref<1x!tpu.dma_semaphore, #tpu.memory_space<semaphore_mem>> -> memref<!tpu.dma_semaphore, #tpu.memory_space<semaphore_mem>>
    tpu.wait_indirect_dma semaphore(%dma_wait3A_209 : memref<!tpu.dma_semaphore, #tpu.memory_space<semaphore_mem>>) src(%arg12 : memref<128xf32, #tpu.memory_space<vmem>>) dst(%dma_wait3A_207 : memref<10016xf32, #tpu.memory_space<vmem_shared>>)
    %dma_wait3A_210 = arith.constant 2 : i32
    %dma_wait3A_211 = arith.constant 2 : i32
    %dma_wait3A_212 = arith.constant 1 : i32
    %dma_wait3A_213 = arith.constant 2 : i32
    %dma_wait3A_214 = arith.constant 0 : i32
    %dma_wait3A_215 = arith.constant 0 : i32
    %dma_wait3A_216 = tpu.memref_slice %arg11[%dma_wait3A_210, %dma_wait3A_214, %dma_wait3A_215] : memref<3x128x128xf32, #tpu.memory_space<vmem>> -> memref<1x128x128xf32, #tpu.memory_space<vmem>>
    %dma_wait3A_217 = tpu.memref_squeeze %dma_wait3A_216 : memref<1x128x128xf32, #tpu.memory_space<vmem>> -> memref<128x128xf32, #tpu.memory_space<vmem>>
    %dma_wait3A_218 = arith.constant 0 : i32
    %dma_wait3A_219 = tpu.memref_slice %arg10[%dma_wait3A_211, %dma_wait3A_212, %dma_wait3A_218] : memref<3x2x128xi32, #tpu.memory_space<vmem>> -> memref<1x1x128xi32, #tpu.memory_space<vmem>>
    %dma_wait3A_220 = tpu.memref_squeeze %dma_wait3A_219 : memref<1x1x128xi32, #tpu.memory_space<vmem>> -> memref<128xi32, #tpu.memory_space<vmem>>
    %dma_wait3A_221 = arith.constant 0 : i32
    %dma_wait3A_222 = arith.constant 0 : i32
    %dma_wait3A_223 = tpu.memref_slice %arg13[%dma_wait3A_221, %dma_wait3A_222] : memref<10016x128xf32, #tpu.memory_space<vmem_shared>> -> memref<10016x128xf32, #tpu.memory_space<vmem_shared>>
    %dma_wait3A_224 = tpu.memref_slice %arg17[%dma_wait3A_213] : memref<3x!tpu.dma_semaphore, #tpu.memory_space<semaphore_mem>> -> memref<1x!tpu.dma_semaphore, #tpu.memory_space<semaphore_mem>>
    %dma_wait3A_225 = tpu.memref_squeeze %dma_wait3A_224 : memref<1x!tpu.dma_semaphore, #tpu.memory_space<semaphore_mem>> -> memref<!tpu.dma_semaphore, #tpu.memory_space<semaphore_mem>>
    tpu.wait_indirect_dma semaphore(%dma_wait3A_225 : memref<!tpu.dma_semaphore, #tpu.memory_space<semaphore_mem>>) src(%dma_wait3A_217 : memref<128x128xf32, #tpu.memory_space<vmem>>) dst(%dma_wait3A_223 : memref<10016x128xf32, #tpu.memory_space<vmem_shared>>)
    %dma_wait3A_226 = arith.constant 2 : i32
    %dma_wait3A_227 = arith.constant 1 : i32
    %dma_wait3A_228 = arith.constant 2 : i32
    %dma_wait3A_229 = arith.constant 0 : i32
    %dma_wait3A_230 = tpu.memref_slice %arg10[%dma_wait3A_226, %dma_wait3A_227, %dma_wait3A_229] : memref<3x2x128xi32, #tpu.memory_space<vmem>> -> memref<1x1x128xi32, #tpu.memory_space<vmem>>
    %dma_wait3A_231 = tpu.memref_squeeze %dma_wait3A_230 : memref<1x1x128xi32, #tpu.memory_space<vmem>> -> memref<128xi32, #tpu.memory_space<vmem>>
    %dma_wait3A_232 = arith.constant 0 : i32
    %dma_wait3A_233 = tpu.memref_slice %arg14[%dma_wait3A_232] : memref<10016xf32, #tpu.memory_space<vmem_shared>> -> memref<10016xf32, #tpu.memory_space<vmem_shared>>
    %dma_wait3A_234 = tpu.memref_slice %arg18[%dma_wait3A_228] : memref<3x!tpu.dma_semaphore, #tpu.memory_space<semaphore_mem>> -> memref<1x!tpu.dma_semaphore, #tpu.memory_space<semaphore_mem>>
    %dma_wait3A_235 = tpu.memref_squeeze %dma_wait3A_234 : memref<1x!tpu.dma_semaphore, #tpu.memory_space<semaphore_mem>> -> memref<!tpu.dma_semaphore, #tpu.memory_space<semaphore_mem>>
    tpu.wait_indirect_dma semaphore(%dma_wait3A_235 : memref<!tpu.dma_semaphore, #tpu.memory_space<semaphore_mem>>) src(%arg12 : memref<128xf32, #tpu.memory_space<vmem>>) dst(%dma_wait3A_233 : memref<10016xf32, #tpu.memory_space<vmem_shared>>)
    %dma_wait3A_236 = arith.constant 0 : i32
    %dma_wait3A_237 = arith.constant 0 : i32
    %dma_wait3A_238 = arith.constant 1 : i32
    %dma_wait3A_239 = arith.constant 0 : i32
    %dma_wait3A_240 = arith.constant 0 : i32
    %dma_wait3A_241 = arith.constant 0 : i32
    %dma_wait3A_242 = tpu.memref_slice %arg11[%dma_wait3A_236, %dma_wait3A_240, %dma_wait3A_241] : memref<3x128x128xf32, #tpu.memory_space<vmem>> -> memref<1x128x128xf32, #tpu.memory_space<vmem>>
    %dma_wait3A_243 = tpu.memref_squeeze %dma_wait3A_242 : memref<1x128x128xf32, #tpu.memory_space<vmem>> -> memref<128x128xf32, #tpu.memory_space<vmem>>
    %dma_wait3A_244 = arith.constant 0 : i32
    %dma_wait3A_245 = tpu.memref_slice %arg10[%dma_wait3A_237, %dma_wait3A_238, %dma_wait3A_244] : memref<3x2x128xi32, #tpu.memory_space<vmem>> -> memref<1x1x128xi32, #tpu.memory_space<vmem>>
    %dma_wait3A_246 = tpu.memref_squeeze %dma_wait3A_245 : memref<1x1x128xi32, #tpu.memory_space<vmem>> -> memref<128xi32, #tpu.memory_space<vmem>>
    %dma_wait3A_247 = arith.constant 0 : i32
    %dma_wait3A_248 = arith.constant 0 : i32
    %dma_wait3A_249 = tpu.memref_slice %arg13[%dma_wait3A_247, %dma_wait3A_248] : memref<10016x128xf32, #tpu.memory_space<vmem_shared>> -> memref<10016x128xf32, #tpu.memory_space<vmem_shared>>
    %dma_wait3A_250 = tpu.memref_slice %arg17[%dma_wait3A_239] : memref<3x!tpu.dma_semaphore, #tpu.memory_space<semaphore_mem>> -> memref<1x!tpu.dma_semaphore, #tpu.memory_space<semaphore_mem>>
    %dma_wait3A_251 = tpu.memref_squeeze %dma_wait3A_250 : memref<1x!tpu.dma_semaphore, #tpu.memory_space<semaphore_mem>> -> memref<!tpu.dma_semaphore, #tpu.memory_space<semaphore_mem>>
    tpu.wait_indirect_dma semaphore(%dma_wait3A_251 : memref<!tpu.dma_semaphore, #tpu.memory_space<semaphore_mem>>) src(%dma_wait3A_243 : memref<128x128xf32, #tpu.memory_space<vmem>>) dst(%dma_wait3A_249 : memref<10016x128xf32, #tpu.memory_space<vmem_shared>>)
    %dma_wait3A_252 = arith.constant 0 : i32
    %dma_wait3A_253 = arith.constant 1 : i32
    %dma_wait3A_254 = arith.constant 0 : i32
    %dma_wait3A_255 = arith.constant 0 : i32
    %dma_wait3A_256 = tpu.memref_slice %arg10[%dma_wait3A_252, %dma_wait3A_253, %dma_wait3A_255] : memref<3x2x128xi32, #tpu.memory_space<vmem>> -> memref<1x1x128xi32, #tpu.memory_space<vmem>>
    %dma_wait3A_257 = tpu.memref_squeeze %dma_wait3A_256 : memref<1x1x128xi32, #tpu.memory_space<vmem>> -> memref<128xi32, #tpu.memory_space<vmem>>
    %dma_wait3A_258 = arith.constant 0 : i32
    %dma_wait3A_259 = tpu.memref_slice %arg14[%dma_wait3A_258] : memref<10016xf32, #tpu.memory_space<vmem_shared>> -> memref<10016xf32, #tpu.memory_space<vmem_shared>>
    %dma_wait3A_260 = tpu.memref_slice %arg18[%dma_wait3A_254] : memref<3x!tpu.dma_semaphore, #tpu.memory_space<semaphore_mem>> -> memref<1x!tpu.dma_semaphore, #tpu.memory_space<semaphore_mem>>
    %dma_wait3A_261 = tpu.memref_squeeze %dma_wait3A_260 : memref<1x!tpu.dma_semaphore, #tpu.memory_space<semaphore_mem>> -> memref<!tpu.dma_semaphore, #tpu.memory_space<semaphore_mem>>
    tpu.wait_indirect_dma semaphore(%dma_wait3A_261 : memref<!tpu.dma_semaphore, #tpu.memory_space<semaphore_mem>>) src(%arg12 : memref<128xf32, #tpu.memory_space<vmem>>) dst(%dma_wait3A_259 : memref<10016xf32, #tpu.memory_space<vmem_shared>>)
    %barrier3A_262 = arith.constant 0 : index
    tpu.barrier barrier_id(%barrier3A_262)
    %eq3A_263 = arith.constant 0 : i32
    %eq3A_264 = arith.cmpi eq, %arg0, %eq3A_263 : i32
    %lt3A_265 = arith.constant 15 : i32
    %lt3A_266 = arith.cmpi slt, %arg1, %lt3A_265 : i32
    %and3A = arith.andi %eq3A_264, %lt3A_266 : i1
    %convert_element_type3A_267 = arith.extui %and3A : i1 to i32
    %cond3A_268 = arith.constant 0 : i32
    %cond3A_269 = arith.cmpi ne, %convert_element_type3A_267, %cond3A_268 : i32
    scf.if %cond3A_269 {
      %mul3A_310 = arith.constant 640 : i32
      %mul3A_311 = arith.muli %arg1, %mul3A_310 : i32
      %mul3A_312 = arith.constant 640 : i32
      %mul3A_313 = arith.muli %arg1, %mul3A_312 : i32
      "tpu.region"() ({
        %run_scoped3A = tpu.sem_alloc : memref<!tpu.dma_semaphore, #tpu.memory_space<semaphore_mem>>
        %dma_start3A_314 = arith.constant 0 : i32
        %dma_start3A_315 = tpu.memref_slice %arg6[%mul3A_313, %dma_start3A_314] : memref<10000x128xf32, #tpu.memory_space<hbm>> -> memref<640x128xf32, #tpu.memory_space<hbm>>
        %dma_start3A_316 = arith.constant 0 : i32
        %dma_start3A_317 = tpu.memref_slice %arg13[%mul3A_311, %dma_start3A_316] : memref<10016x128xf32, #tpu.memory_space<vmem_shared>> -> memref<640x128xf32, #tpu.memory_space<vmem_shared>>
        tpu.enqueue_dma source(%dma_start3A_317 : memref<640x128xf32, #tpu.memory_space<vmem_shared>>) target(%dma_start3A_315 : memref<640x128xf32, #tpu.memory_space<hbm>>) target_semaphore(%run_scoped3A : memref<!tpu.dma_semaphore, #tpu.memory_space<semaphore_mem>>)
        %dma_wait3A_318 = arith.constant 0 : i32
        %dma_wait3A_319 = tpu.memref_slice %arg6[%mul3A_313, %dma_wait3A_318] : memref<10000x128xf32, #tpu.memory_space<hbm>> -> memref<640x128xf32, #tpu.memory_space<hbm>>
        %dma_wait3A_320 = arith.constant 0 : i32
        %dma_wait3A_321 = tpu.memref_slice %arg13[%mul3A_311, %dma_wait3A_320] : memref<10016x128xf32, #tpu.memory_space<vmem_shared>> -> memref<640x128xf32, #tpu.memory_space<vmem_shared>>
        tpu.wait_dma2 semaphore(%run_scoped3A : memref<!tpu.dma_semaphore, #tpu.memory_space<semaphore_mem>>) src(%dma_wait3A_321 : memref<640x128xf32, #tpu.memory_space<vmem_shared>>) dst(%dma_wait3A_319 : memref<640x128xf32, #tpu.memory_space<hbm>>)
        tpu.yield
      }) : () -> ()
    } else {
    }
    %eq3A_270 = arith.constant 0 : i32
    %eq3A_271 = arith.cmpi eq, %arg0, %eq3A_270 : i32
    %eq3A_272 = arith.constant 15 : i32
    %eq3A_273 = arith.cmpi eq, %arg1, %eq3A_272 : i32
    %and3A_274 = arith.andi %eq3A_271, %eq3A_273 : i1
    %convert_element_type3A_275 = arith.extui %and3A_274 : i1 to i32
    %cond3A_276 = arith.constant 0 : i32
    %cond3A_277 = arith.cmpi ne, %convert_element_type3A_275, %cond3A_276 : i32
    scf.if %cond3A_277 {
      "tpu.region"() ({
        %run_scoped3A = tpu.sem_alloc : memref<!tpu.dma_semaphore, #tpu.memory_space<semaphore_mem>>
        %dma_start3A_310 = arith.constant 9600 : i32
        %dma_start3A_311 = arith.constant 0 : i32
        %dma_start3A_312 = tpu.memref_slice %arg6[%dma_start3A_310, %dma_start3A_311] : memref<10000x128xf32, #tpu.memory_space<hbm>> -> memref<400x128xf32, #tpu.memory_space<hbm>>
        %dma_start3A_313 = arith.constant 9600 : i32
        %dma_start3A_314 = arith.constant 0 : i32
        %dma_start3A_315 = tpu.memref_slice %arg13[%dma_start3A_313, %dma_start3A_314] : memref<10016x128xf32, #tpu.memory_space<vmem_shared>> -> memref<400x128xf32, #tpu.memory_space<vmem_shared>>
        tpu.enqueue_dma source(%dma_start3A_315 : memref<400x128xf32, #tpu.memory_space<vmem_shared>>) target(%dma_start3A_312 : memref<400x128xf32, #tpu.memory_space<hbm>>) target_semaphore(%run_scoped3A : memref<!tpu.dma_semaphore, #tpu.memory_space<semaphore_mem>>)
        %dma_wait3A_316 = arith.constant 9600 : i32
        %dma_wait3A_317 = arith.constant 0 : i32
        %dma_wait3A_318 = tpu.memref_slice %arg6[%dma_wait3A_316, %dma_wait3A_317] : memref<10000x128xf32, #tpu.memory_space<hbm>> -> memref<400x128xf32, #tpu.memory_space<hbm>>
        %dma_wait3A_319 = arith.constant 9600 : i32
        %dma_wait3A_320 = arith.constant 0 : i32
        %dma_wait3A_321 = tpu.memref_slice %arg13[%dma_wait3A_319, %dma_wait3A_320] : memref<10016x128xf32, #tpu.memory_space<vmem_shared>> -> memref<400x128xf32, #tpu.memory_space<vmem_shared>>
        tpu.wait_dma2 semaphore(%run_scoped3A : memref<!tpu.dma_semaphore, #tpu.memory_space<semaphore_mem>>) src(%dma_wait3A_321 : memref<400x128xf32, #tpu.memory_space<vmem_shared>>) dst(%dma_wait3A_318 : memref<400x128xf32, #tpu.memory_space<hbm>>)
        tpu.yield
      }) : () -> ()
    } else {
    }
    %eq3A_278 = arith.constant 1 : i32
    %eq3A_279 = arith.cmpi eq, %arg0, %eq3A_278 : i32
    %lt3A_280 = arith.constant 15 : i32
    %lt3A_281 = arith.cmpi slt, %arg1, %lt3A_280 : i32
    %and3A_282 = arith.andi %eq3A_279, %lt3A_281 : i1
    %convert_element_type3A_283 = arith.extui %and3A_282 : i1 to i32
    %cond3A_284 = arith.constant 0 : i32
    %cond3A_285 = arith.cmpi ne, %convert_element_type3A_283, %cond3A_284 : i32
    scf.if %cond3A_285 {
      %mul3A_310 = arith.constant 640 : i32
      %mul3A_311 = arith.muli %arg1, %mul3A_310 : i32
      %mul3A_312 = arith.constant 640 : i32
      %mul3A_313 = arith.muli %arg1, %mul3A_312 : i32
      "tpu.region"() ({
        %run_scoped3A = tpu.sem_alloc : memref<!tpu.dma_semaphore, #tpu.memory_space<semaphore_mem>>
        %dma_start3A_314 = arith.constant 0 : i32
        %dma_start3A_315 = tpu.memref_slice %arg7[%mul3A_313, %dma_start3A_314] : memref<10000x128xf32, #tpu.memory_space<hbm>> -> memref<640x128xf32, #tpu.memory_space<hbm>>
        %dma_start3A_316 = arith.constant 0 : i32
        %dma_start3A_317 = tpu.memref_slice %arg13[%mul3A_311, %dma_start3A_316] : memref<10016x128xf32, #tpu.memory_space<vmem_shared>> -> memref<640x128xf32, #tpu.memory_space<vmem_shared>>
        tpu.enqueue_dma source(%dma_start3A_317 : memref<640x128xf32, #tpu.memory_space<vmem_shared>>) target(%dma_start3A_315 : memref<640x128xf32, #tpu.memory_space<hbm>>) target_semaphore(%run_scoped3A : memref<!tpu.dma_semaphore, #tpu.memory_space<semaphore_mem>>)
        %dma_wait3A_318 = arith.constant 0 : i32
        %dma_wait3A_319 = tpu.memref_slice %arg7[%mul3A_313, %dma_wait3A_318] : memref<10000x128xf32, #tpu.memory_space<hbm>> -> memref<640x128xf32, #tpu.memory_space<hbm>>
        %dma_wait3A_320 = arith.constant 0 : i32
        %dma_wait3A_321 = tpu.memref_slice %arg13[%mul3A_311, %dma_wait3A_320] : memref<10016x128xf32, #tpu.memory_space<vmem_shared>> -> memref<640x128xf32, #tpu.memory_space<vmem_shared>>
        tpu.wait_dma2 semaphore(%run_scoped3A : memref<!tpu.dma_semaphore, #tpu.memory_space<semaphore_mem>>) src(%dma_wait3A_321 : memref<640x128xf32, #tpu.memory_space<vmem_shared>>) dst(%dma_wait3A_319 : memref<640x128xf32, #tpu.memory_space<hbm>>)
        tpu.yield
      }) : () -> ()
    } else {
    }
    %eq3A_286 = arith.constant 1 : i32
    %eq3A_287 = arith.cmpi eq, %arg0, %eq3A_286 : i32
    %eq3A_288 = arith.constant 15 : i32
    %eq3A_289 = arith.cmpi eq, %arg1, %eq3A_288 : i32
    %and3A_290 = arith.andi %eq3A_287, %eq3A_289 : i1
    %convert_element_type3A_291 = arith.extui %and3A_290 : i1 to i32
    %cond3A_292 = arith.constant 0 : i32
    %cond3A_293 = arith.cmpi ne, %convert_element_type3A_291, %cond3A_292 : i32
    scf.if %cond3A_293 {
      "tpu.region"() ({
        %run_scoped3A = tpu.sem_alloc : memref<!tpu.dma_semaphore, #tpu.memory_space<semaphore_mem>>
        %dma_start3A_310 = arith.constant 9600 : i32
        %dma_start3A_311 = arith.constant 0 : i32
        %dma_start3A_312 = tpu.memref_slice %arg7[%dma_start3A_310, %dma_start3A_311] : memref<10000x128xf32, #tpu.memory_space<hbm>> -> memref<400x128xf32, #tpu.memory_space<hbm>>
        %dma_start3A_313 = arith.constant 9600 : i32
        %dma_start3A_314 = arith.constant 0 : i32
        %dma_start3A_315 = tpu.memref_slice %arg13[%dma_start3A_313, %dma_start3A_314] : memref<10016x128xf32, #tpu.memory_space<vmem_shared>> -> memref<400x128xf32, #tpu.memory_space<vmem_shared>>
        tpu.enqueue_dma source(%dma_start3A_315 : memref<400x128xf32, #tpu.memory_space<vmem_shared>>) target(%dma_start3A_312 : memref<400x128xf32, #tpu.memory_space<hbm>>) target_semaphore(%run_scoped3A : memref<!tpu.dma_semaphore, #tpu.memory_space<semaphore_mem>>)
        %dma_wait3A_316 = arith.constant 9600 : i32
        %dma_wait3A_317 = arith.constant 0 : i32
        %dma_wait3A_318 = tpu.memref_slice %arg7[%dma_wait3A_316, %dma_wait3A_317] : memref<10000x128xf32, #tpu.memory_space<hbm>> -> memref<400x128xf32, #tpu.memory_space<hbm>>
        %dma_wait3A_319 = arith.constant 9600 : i32
        %dma_wait3A_320 = arith.constant 0 : i32
        %dma_wait3A_321 = tpu.memref_slice %arg13[%dma_wait3A_319, %dma_wait3A_320] : memref<10016x128xf32, #tpu.memory_space<vmem_shared>> -> memref<400x128xf32, #tpu.memory_space<vmem_shared>>
        tpu.wait_dma2 semaphore(%run_scoped3A : memref<!tpu.dma_semaphore, #tpu.memory_space<semaphore_mem>>) src(%dma_wait3A_321 : memref<400x128xf32, #tpu.memory_space<vmem_shared>>) dst(%dma_wait3A_318 : memref<400x128xf32, #tpu.memory_space<hbm>>)
        tpu.yield
      }) : () -> ()
    } else {
    }
    %eq3A_294 = arith.constant 0 : i32
    %eq3A_295 = arith.cmpi eq, %arg0, %eq3A_294 : i32
    %eq3A_296 = arith.constant 0 : i32
    %eq3A_297 = arith.cmpi eq, %arg1, %eq3A_296 : i32
    %and3A_298 = arith.andi %eq3A_295, %eq3A_297 : i1
    %convert_element_type3A_299 = arith.extui %and3A_298 : i1 to i32
    %cond3A_300 = arith.constant 0 : i32
    %cond3A_301 = arith.cmpi ne, %convert_element_type3A_299, %cond3A_300 : i32
    scf.if %cond3A_301 {
      "tpu.region"() ({
        %run_scoped3A = tpu.sem_alloc : memref<!tpu.dma_semaphore, #tpu.memory_space<semaphore_mem>>
        tpu.enqueue_dma source(%arg14 : memref<10016xf32, #tpu.memory_space<vmem_shared>>) target(%arg8 : memref<10016xf32, #tpu.memory_space<hbm>>) target_semaphore(%run_scoped3A : memref<!tpu.dma_semaphore, #tpu.memory_space<semaphore_mem>>)
        tpu.wait_dma2 semaphore(%run_scoped3A : memref<!tpu.dma_semaphore, #tpu.memory_space<semaphore_mem>>) src(%arg14 : memref<10016xf32, #tpu.memory_space<vmem_shared>>) dst(%arg8 : memref<10016xf32, #tpu.memory_space<hbm>>)
        tpu.yield
      }) : () -> ()
    } else {
    }
    %eq3A_302 = arith.constant 1 : i32
    %eq3A_303 = arith.cmpi eq, %arg0, %eq3A_302 : i32
    %eq3A_304 = arith.constant 0 : i32
    %eq3A_305 = arith.cmpi eq, %arg1, %eq3A_304 : i32
    %and3A_306 = arith.andi %eq3A_303, %eq3A_305 : i1
    %convert_element_type3A_307 = arith.extui %and3A_306 : i1 to i32
    %cond3A_308 = arith.constant 0 : i32
    %cond3A_309 = arith.cmpi ne, %convert_element_type3A_307, %cond3A_308 : i32
    scf.if %cond3A_309 {
      "tpu.region"() ({
        %run_scoped3A = tpu.sem_alloc : memref<!tpu.dma_semaphore, #tpu.memory_space<semaphore_mem>>
        tpu.enqueue_dma source(%arg14 : memref<10016xf32, #tpu.memory_space<vmem_shared>>) target(%arg9 : memref<10016xf32, #tpu.memory_space<hbm>>) target_semaphore(%run_scoped3A : memref<!tpu.dma_semaphore, #tpu.memory_space<semaphore_mem>>)
        tpu.wait_dma2 semaphore(%run_scoped3A : memref<!tpu.dma_semaphore, #tpu.memory_space<semaphore_mem>>) src(%arg14 : memref<10016xf32, #tpu.memory_space<vmem_shared>>) dst(%arg9 : memref<10016xf32, #tpu.memory_space<hbm>>)
        tpu.yield
      }) : () -> ()
    } else {
    }
    return
  }
}

module attributes {stable_mosaic.version = 14 : i64} {
  func.func @_merge_body(%arg0: memref<256x256xf32, #tpu.memory_space<vmem>>, %arg1: memref<256x256xf32, #tpu.memory_space<vmem>>, %arg2: memref<256x256xf32, #tpu.memory_space<vmem>>, %arg3: memref<768x256xf32, #tpu.memory_space<vmem>>, %arg4: memref<1x256xf32, #tpu.memory_space<vmem>>, %arg5: memref<1x256xf32, #tpu.memory_space<vmem>>, %arg6: memref<1x256xf32, #tpu.memory_space<vmem>>, %arg7: memref<1x256xf32, #tpu.memory_space<vmem>>, %arg8: memref<256x256xf32, #tpu.memory_space<vmem>>, %arg9: memref<256x256xf32, #tpu.memory_space<vmem>>, %arg10: memref<256x256xf32, #tpu.memory_space<vmem>>, %arg11: memref<1x256xf32, #tpu.memory_space<vmem>>, %arg12: memref<1x256xf32, #tpu.memory_space<vmem>>, %arg13: memref<1x256xf32, #tpu.memory_space<vmem>>) attributes {dimension_semantics = [], scalar_prefetch = 0 : i64, scratch_operands = 0 : i64, tpu.core_type = #tpu.core_type<tc>} {
    %get3A = arith.constant 0 : index
    %get3A_0 = arith.constant 0 : index
    %get3A_1 = vector.load %arg3[%get3A, %get3A_0] : memref<768x256xf32, #tpu.memory_space<vmem>>, vector<256x256xf32>
    %get3A_2 = arith.constant 256 : index
    %get3A_3 = arith.constant 0 : index
    %get3A_4 = vector.load %arg3[%get3A_2, %get3A_3] : memref<768x256xf32, #tpu.memory_space<vmem>>, vector<256x256xf32>
    %get3A_5 = arith.constant 512 : index
    %get3A_6 = arith.constant 0 : index
    %get3A_7 = vector.load %arg3[%get3A_5, %get3A_6] : memref<768x256xf32, #tpu.memory_space<vmem>>, vector<256x256xf32>
    %get3A_8 = arith.constant 0 : index
    %get3A_9 = arith.constant 0 : index
    %get3A_10 = vector.load %arg0[%get3A_8, %get3A_9] : memref<256x256xf32, #tpu.memory_space<vmem>>, vector<256x256xf32>
    %dot_general3A = arith.constant dense<0.000000e+00> : vector<256x256xf32>
    %dot_general3A_11 = tpu.matmul %get3A_10, %get3A_1, %dot_general3A {dimension_numbers = #tpu.dot_dimension_numbers<[1], [0], [0], [1], [0, 0, 1, 1], [], []>, transpose_lhs_hint = false} : vector<256x256xf32>, vector<256x256xf32>, vector<256x256xf32> -> vector<256x256xf32>
    %swap3A = arith.constant 0 : index
    %swap3A_12 = arith.constant 0 : index
    %swap3A_13 = vector.load %arg8[%swap3A, %swap3A_12] : memref<256x256xf32, #tpu.memory_space<vmem>>, vector<256x256xf32>
    tpu.vector_store %arg8[%swap3A, %swap3A_12], %dot_general3A_11 {strides = array<i32>} : memref<256x256xf32, #tpu.memory_space<vmem>>, vector<256x256xf32>,
    %get3A_14 = arith.constant 0 : index
    %get3A_15 = arith.constant 0 : index
    %get3A_16 = vector.load %arg1[%get3A_14, %get3A_15] : memref<256x256xf32, #tpu.memory_space<vmem>>, vector<256x256xf32>
    %dot_general3A_17 = arith.constant dense<0.000000e+00> : vector<256x256xf32>
    %dot_general3A_18 = tpu.matmul %get3A_16, %get3A_4, %dot_general3A_17 {dimension_numbers = #tpu.dot_dimension_numbers<[1], [0], [0], [1], [0, 0, 1, 1], [], []>, transpose_lhs_hint = false} : vector<256x256xf32>, vector<256x256xf32>, vector<256x256xf32> -> vector<256x256xf32>
    %swap3A_19 = arith.constant 0 : index
    %swap3A_20 = arith.constant 0 : index
    %swap3A_21 = vector.load %arg9[%swap3A_19, %swap3A_20] : memref<256x256xf32, #tpu.memory_space<vmem>>, vector<256x256xf32>
    tpu.vector_store %arg9[%swap3A_19, %swap3A_20], %dot_general3A_18 {strides = array<i32>} : memref<256x256xf32, #tpu.memory_space<vmem>>, vector<256x256xf32>,
    %get3A_22 = arith.constant 0 : index
    %get3A_23 = arith.constant 0 : index
    %get3A_24 = vector.load %arg2[%get3A_22, %get3A_23] : memref<256x256xf32, #tpu.memory_space<vmem>>, vector<256x256xf32>
    %dot_general3A_25 = arith.constant dense<0.000000e+00> : vector<256x256xf32>
    %dot_general3A_26 = tpu.matmul %get3A_24, %get3A_7, %dot_general3A_25 {dimension_numbers = #tpu.dot_dimension_numbers<[1], [0], [0], [1], [0, 0, 1, 1], [], []>, transpose_lhs_hint = false} : vector<256x256xf32>, vector<256x256xf32>, vector<256x256xf32> -> vector<256x256xf32>
    %swap3A_27 = arith.constant 0 : index
    %swap3A_28 = arith.constant 0 : index
    %swap3A_29 = vector.load %arg10[%swap3A_27, %swap3A_28] : memref<256x256xf32, #tpu.memory_space<vmem>>, vector<256x256xf32>
    tpu.vector_store %arg10[%swap3A_27, %swap3A_28], %dot_general3A_26 {strides = array<i32>} : memref<256x256xf32, #tpu.memory_space<vmem>>, vector<256x256xf32>,
    %get3A_30 = arith.constant 0 : index
    %get3A_31 = arith.constant 0 : index
    %get3A_32 = vector.load %arg4[%get3A_30, %get3A_31] : memref<1x256xf32, #tpu.memory_space<vmem>>, vector<1x256xf32>
    %dot_general3A_33 = arith.constant dense<0.000000e+00> : vector<1x256xf32>
    %dot_general3A_34 = tpu.matmul %get3A_32, %get3A_1, %dot_general3A_33 {dimension_numbers = #tpu.dot_dimension_numbers<[1], [0], [0], [1], [0, 0, 1, 1], [], []>, transpose_lhs_hint = false} : vector<1x256xf32>, vector<256x256xf32>, vector<1x256xf32> -> vector<1x256xf32>
    %get3A_35 = arith.constant 0 : index
    %get3A_36 = arith.constant 0 : index
    %get3A_37 = vector.load %arg7[%get3A_35, %get3A_36] : memref<1x256xf32, #tpu.memory_space<vmem>>, vector<1x256xf32>
    %add3A = arith.addf %dot_general3A_34, %get3A_37 : vector<1x256xf32>
    %swap3A_38 = arith.constant 0 : index
    %swap3A_39 = arith.constant 0 : index
    %swap3A_40 = vector.load %arg11[%swap3A_38, %swap3A_39] : memref<1x256xf32, #tpu.memory_space<vmem>>, vector<1x256xf32>
    tpu.vector_store %arg11[%swap3A_38, %swap3A_39], %add3A {strides = array<i32>} : memref<1x256xf32, #tpu.memory_space<vmem>>, vector<1x256xf32>,
    %get3A_41 = arith.constant 0 : index
    %get3A_42 = arith.constant 0 : index
    %get3A_43 = vector.load %arg5[%get3A_41, %get3A_42] : memref<1x256xf32, #tpu.memory_space<vmem>>, vector<1x256xf32>
    %dot_general3A_44 = arith.constant dense<0.000000e+00> : vector<1x256xf32>
    %dot_general3A_45 = tpu.matmul %get3A_43, %get3A_4, %dot_general3A_44 {dimension_numbers = #tpu.dot_dimension_numbers<[1], [0], [0], [1], [0, 0, 1, 1], [], []>, transpose_lhs_hint = false} : vector<1x256xf32>, vector<256x256xf32>, vector<1x256xf32> -> vector<1x256xf32>
    %swap3A_46 = arith.constant 0 : index
    %swap3A_47 = arith.constant 0 : index
    %swap3A_48 = vector.load %arg12[%swap3A_46, %swap3A_47] : memref<1x256xf32, #tpu.memory_space<vmem>>, vector<1x256xf32>
    tpu.vector_store %arg12[%swap3A_46, %swap3A_47], %dot_general3A_45 {strides = array<i32>} : memref<1x256xf32, #tpu.memory_space<vmem>>, vector<1x256xf32>,
    %get3A_49 = arith.constant 0 : index
    %get3A_50 = arith.constant 0 : index
    %get3A_51 = vector.load %arg6[%get3A_49, %get3A_50] : memref<1x256xf32, #tpu.memory_space<vmem>>, vector<1x256xf32>
    %dot_general3A_52 = arith.constant dense<0.000000e+00> : vector<1x256xf32>
    %dot_general3A_53 = tpu.matmul %get3A_51, %get3A_7, %dot_general3A_52 {dimension_numbers = #tpu.dot_dimension_numbers<[1], [0], [0], [1], [0, 0, 1, 1], [], []>, transpose_lhs_hint = false} : vector<1x256xf32>, vector<256x256xf32>, vector<1x256xf32> -> vector<1x256xf32>
    %swap3A_54 = arith.constant 0 : index
    %swap3A_55 = arith.constant 0 : index
    %swap3A_56 = vector.load %arg13[%swap3A_54, %swap3A_55] : memref<1x256xf32, #tpu.memory_space<vmem>>, vector<1x256xf32>
    tpu.vector_store %arg13[%swap3A_54, %swap3A_55], %dot_general3A_53 {strides = array<i32>} : memref<1x256xf32, #tpu.memory_space<vmem>>, vector<1x256xf32>,
    return
  }
}

module attributes {stable_mosaic.version = 14 : i64} {
  func.func @_ep1_body(%arg0: i32, %arg1: memref<2000x256xf32, #tpu.memory_space<vmem>>, %arg2: memref<2000x128xf32, #tpu.memory_space<vmem>>, %arg3: memref<2000x128xf32, #tpu.memory_space<vmem>>, %arg4: memref<2000x1xf32, #tpu.memory_space<vmem>>, %arg5: memref<2000x1xf32, #tpu.memory_space<vmem>>, %arg6: memref<256x256xf32, #tpu.memory_space<vmem>>, %arg7: memref<256x256xf32, #tpu.memory_space<vmem>>, %arg8: memref<256x256xf32, #tpu.memory_space<vmem>>, %arg9: memref<1x256xf32, #tpu.memory_space<vmem>>, %arg10: memref<1x256xf32, #tpu.memory_space<vmem>>, %arg11: memref<1x256xf32, #tpu.memory_space<vmem>>, %arg12: memref<2000x256xf32, #tpu.memory_space<vmem>>) attributes {dimension_semantics = [#tpu.dimension_semantics<arbitrary>], iteration_bounds = array<i64: 5>, scalar_prefetch = 0 : i64, scratch_operands = 0 : i64, tpu.core_type = #tpu.core_type<tc>, window_params = [{transform_indices = @transform_0, window_bounds = array<i64: 2000, 256>}, {transform_indices = @transform_1, window_bounds = array<i64: 2000, 128>}, {transform_indices = @transform_2, window_bounds = array<i64: 2000, 128>}, {transform_indices = @transform_3, window_bounds = array<i64: 2000, 1>}, {transform_indices = @transform_4, window_bounds = array<i64: 2000, 1>}, {pipeline_mode = #tpu.pipeline_mode<synchronous>, transform_indices = @transform_5, window_bounds = array<i64: 256, 256>}, {pipeline_mode = #tpu.pipeline_mode<synchronous>, transform_indices = @transform_6, window_bounds = array<i64: 256, 256>}, {pipeline_mode = #tpu.pipeline_mode<synchronous>, transform_indices = @transform_7, window_bounds = array<i64: 256, 256>}, {pipeline_mode = #tpu.pipeline_mode<synchronous>, transform_indices = @transform_8, window_bounds = array<i64: 1, 256>}, {pipeline_mode = #tpu.pipeline_mode<synchronous>, transform_indices = @transform_9, window_bounds = array<i64: 1, 256>}, {pipeline_mode = #tpu.pipeline_mode<synchronous>, transform_indices = @transform_10, window_bounds = array<i64: 1, 256>}, {transform_indices = @transform_11, window_bounds = array<i64: 2000, 256>}]} {
    %get3A = arith.constant 0 : index
    %get3A_0 = arith.constant 0 : index
    %get3A_1 = vector.load %arg4[%get3A, %get3A_0] : memref<2000x1xf32, #tpu.memory_space<vmem>>, vector<2000x1xf32>
    %get3A_2 = arith.constant 0 : index
    %get3A_3 = arith.constant 0 : index
    %get3A_4 = vector.load %arg5[%get3A_2, %get3A_3] : memref<2000x1xf32, #tpu.memory_space<vmem>>, vector<2000x1xf32>
    %max3A = arith.constant 1.000000e+00 : f32
    %max3A_5 = vector.broadcast %max3A : f32 to vector<2000x1xf32>
    %max3A_6 = arith.maximumf %get3A_1, %max3A_5 : vector<2000x1xf32>
    %div3A = arith.constant 1.000000e+00 : f32
    %div3A_7 = vector.broadcast %div3A : f32 to vector<2000x1xf32>
    %div3A_8 = arith.divf %div3A_7, %max3A_6 : vector<2000x1xf32>
    %max3A_9 = arith.constant 1.000000e+00 : f32
    %max3A_10 = vector.broadcast %max3A_9 : f32 to vector<2000x1xf32>
    %max3A_11 = arith.maximumf %get3A_4, %max3A_10 : vector<2000x1xf32>
    %div3A_12 = arith.constant 1.000000e+00 : f32
    %div3A_13 = vector.broadcast %div3A_12 : f32 to vector<2000x1xf32>
    %div3A_14 = arith.divf %div3A_13, %max3A_11 : vector<2000x1xf32>
    %get3A_15 = arith.constant 0 : index
    %get3A_16 = arith.constant 0 : index
    %get3A_17 = vector.load %arg1[%get3A_15, %get3A_16] : memref<2000x256xf32, #tpu.memory_space<vmem>>, vector<2000x256xf32>
    %get3A_18 = arith.constant 0 : index
    %get3A_19 = arith.constant 0 : index
    %get3A_20 = vector.load %arg6[%get3A_18, %get3A_19] : memref<256x256xf32, #tpu.memory_space<vmem>>, vector<256x256xf32>
    %dot_general3A = arith.constant dense<0.000000e+00> : vector<2000x256xf32>
    %dot_general3A_21 = tpu.matmul %get3A_17, %get3A_20, %dot_general3A {dimension_numbers = #tpu.dot_dimension_numbers<[1], [0], [0], [1], [0, 0, 1, 1], [], []>, transpose_lhs_hint = false} : vector<2000x256xf32>, vector<256x256xf32>, vector<2000x256xf32> -> vector<2000x256xf32>
    %get3A_22 = arith.constant 0 : index
    %get3A_23 = arith.constant 0 : index
    %get3A_24 = vector.load %arg2[%get3A_22, %get3A_23] : memref<2000x128xf32, #tpu.memory_space<vmem>>, vector<2000x128xf32>
    %mul3A = vector.broadcast %div3A_8 : vector<2000x1xf32> to vector<2000x128xf32>
    %mul3A_25 = arith.mulf %get3A_24, %mul3A : vector<2000x128xf32>
    %get3A_26 = arith.constant 0 : index
    %get3A_27 = arith.constant 0 : index
    %get3A_28 = vector.load %arg7[%get3A_26, %get3A_27] : memref<256x256xf32, #tpu.memory_space<vmem>>, vector<128x256xf32>
    %dot_general3A_29 = arith.constant dense<0.000000e+00> : vector<2000x256xf32>
    %dot_general3A_30 = tpu.matmul %mul3A_25, %get3A_28, %dot_general3A_29 {dimension_numbers = #tpu.dot_dimension_numbers<[1], [0], [0], [1], [0, 0, 1, 1], [], []>, transpose_lhs_hint = false} : vector<2000x128xf32>, vector<128x256xf32>, vector<2000x256xf32> -> vector<2000x256xf32>
    %add3A = arith.addf %dot_general3A_21, %dot_general3A_30 : vector<2000x256xf32>
    %get3A_31 = arith.constant 0 : index
    %get3A_32 = arith.constant 0 : index
    %get3A_33 = vector.load %arg3[%get3A_31, %get3A_32] : memref<2000x128xf32, #tpu.memory_space<vmem>>, vector<2000x128xf32>
    %mul3A_34 = vector.broadcast %div3A_14 : vector<2000x1xf32> to vector<2000x128xf32>
    %mul3A_35 = arith.mulf %get3A_33, %mul3A_34 : vector<2000x128xf32>
    %get3A_36 = arith.constant 0 : index
    %get3A_37 = arith.constant 0 : index
    %get3A_38 = vector.load %arg8[%get3A_36, %get3A_37] : memref<256x256xf32, #tpu.memory_space<vmem>>, vector<128x256xf32>
    %dot_general3A_39 = arith.constant dense<0.000000e+00> : vector<2000x256xf32>
    %dot_general3A_40 = tpu.matmul %mul3A_35, %get3A_38, %dot_general3A_39 {dimension_numbers = #tpu.dot_dimension_numbers<[1], [0], [0], [1], [0, 0, 1, 1], [], []>, transpose_lhs_hint = false} : vector<2000x128xf32>, vector<128x256xf32>, vector<2000x256xf32> -> vector<2000x256xf32>
    %add3A_41 = arith.addf %add3A, %dot_general3A_40 : vector<2000x256xf32>
    %get3A_42 = arith.constant 0 : index
    %get3A_43 = arith.constant 0 : index
    %get3A_44 = vector.load %arg9[%get3A_42, %get3A_43] : memref<1x256xf32, #tpu.memory_space<vmem>>, vector<1x256xf32>
    %add3A_45 = vector.broadcast %get3A_44 : vector<1x256xf32> to vector<2000x256xf32>
    %add3A_46 = arith.addf %add3A_41, %add3A_45 : vector<2000x256xf32>
    %gt3A = arith.constant 0.000000e+00 : f32
    %gt3A_47 = vector.broadcast %gt3A : f32 to vector<2000x1xf32>
    %gt3A_48 = arith.cmpf ogt, %get3A_1, %gt3A_47 : vector<2000x1xf32>
    %jit3A = arith.constant 1.000000e+00 : f32
    %jit3A_49 = arith.constant 0.000000e+00 : f32
    %broadcast_in_dim3A = vector.broadcast %jit3A : f32 to vector<2000x1xf32>
    %broadcast_in_dim3A_50 = vector.broadcast %jit3A_49 : f32 to vector<2000x1xf32>
    %select_n3A = arith.select %gt3A_48, %broadcast_in_dim3A, %broadcast_in_dim3A_50 : vector<2000x1xi1>, vector<2000x1xf32>
    %get3A_51 = arith.constant 0 : index
    %get3A_52 = arith.constant 0 : index
    %get3A_53 = vector.load %arg10[%get3A_51, %get3A_52] : memref<1x256xf32, #tpu.memory_space<vmem>>, vector<1x256xf32>
    %mul3A_54 = vector.broadcast %select_n3A : vector<2000x1xf32> to vector<2000x256xf32>
    %mul3A_55 = vector.broadcast %get3A_53 : vector<1x256xf32> to vector<2000x256xf32>
    %mul3A_56 = arith.mulf %mul3A_54, %mul3A_55 : vector<2000x256xf32>
    %add3A_57 = arith.addf %add3A_46, %mul3A_56 : vector<2000x256xf32>
    %gt3A_58 = arith.constant 0.000000e+00 : f32
    %gt3A_59 = vector.broadcast %gt3A_58 : f32 to vector<2000x1xf32>
    %gt3A_60 = arith.cmpf ogt, %get3A_4, %gt3A_59 : vector<2000x1xf32>
    %jit3A_61 = arith.constant 1.000000e+00 : f32
    %jit3A_62 = arith.constant 0.000000e+00 : f32
    %broadcast_in_dim3A_63 = vector.broadcast %jit3A_61 : f32 to vector<2000x1xf32>
    %broadcast_in_dim3A_64 = vector.broadcast %jit3A_62 : f32 to vector<2000x1xf32>
    %select_n3A_65 = arith.select %gt3A_60, %broadcast_in_dim3A_63, %broadcast_in_dim3A_64 : vector<2000x1xi1>, vector<2000x1xf32>
    %get3A_66 = arith.constant 0 : index
    %get3A_67 = arith.constant 0 : index
    %get3A_68 = vector.load %arg11[%get3A_66, %get3A_67] : memref<1x256xf32, #tpu.memory_space<vmem>>, vector<1x256xf32>
    %mul3A_69 = vector.broadcast %select_n3A_65 : vector<2000x1xf32> to vector<2000x256xf32>
    %mul3A_70 = vector.broadcast %get3A_68 : vector<1x256xf32> to vector<2000x256xf32>
    %mul3A_71 = arith.mulf %mul3A_69, %mul3A_70 : vector<2000x256xf32>
    %add3A_72 = arith.addf %add3A_57, %mul3A_71 : vector<2000x256xf32>
    %swap3A = arith.constant 0 : index
    %swap3A_73 = arith.constant 0 : index
    %swap3A_74 = vector.load %arg12[%swap3A, %swap3A_73] : memref<2000x256xf32, #tpu.memory_space<vmem>>, vector<2000x256xf32>
    tpu.vector_store %arg12[%swap3A, %swap3A_73], %add3A_72 {strides = array<i32>} : memref<2000x256xf32, #tpu.memory_space<vmem>>, vector<2000x256xf32>,
    return
  }
  func.func @transform_0(%arg0: i32) -> (i32, i32) {
    %c0_i32 = arith.constant 0 : i32
    %c0_i32_0 = arith.constant 0 : i32
    return %arg0, %c0_i32 : i32, i32
  }
  func.func @transform_1(%arg0: i32) -> (i32, i32) {
    %c0_i32 = arith.constant 0 : i32
    %c0_i32_0 = arith.constant 0 : i32
    return %arg0, %c0_i32 : i32, i32
  }
  func.func @transform_2(%arg0: i32) -> (i32, i32) {
    %c0_i32 = arith.constant 0 : i32
    %c0_i32_0 = arith.constant 0 : i32
    return %arg0, %c0_i32 : i32, i32
  }
  func.func @transform_3(%arg0: i32) -> (i32, i32) {
    %c0_i32 = arith.constant 0 : i32
    %c0_i32_0 = arith.constant 0 : i32
    return %arg0, %c0_i32 : i32, i32
  }
  func.func @transform_4(%arg0: i32) -> (i32, i32) {
    %c0_i32 = arith.constant 0 : i32
    %c0_i32_0 = arith.constant 0 : i32
    return %arg0, %c0_i32 : i32, i32
  }
  func.func @transform_5(%arg0: i32) -> (i32, i32) {
    %c0_i32 = arith.constant 0 : i32
    %c0_i32_0 = arith.constant 0 : i32
    %c0_i32_1 = arith.constant 0 : i32
    return %c0_i32, %c0_i32_0 : i32, i32
  }
  func.func @transform_6(%arg0: i32) -> (i32, i32) {
    %c0_i32 = arith.constant 0 : i32
    %c0_i32_0 = arith.constant 0 : i32
    %c0_i32_1 = arith.constant 0 : i32
    return %c0_i32, %c0_i32_0 : i32, i32
  }
  func.func @transform_7(%arg0: i32) -> (i32, i32) {
    %c0_i32 = arith.constant 0 : i32
    %c0_i32_0 = arith.constant 0 : i32
    %c0_i32_1 = arith.constant 0 : i32
    return %c0_i32, %c0_i32_0 : i32, i32
  }
  func.func @transform_8(%arg0: i32) -> (i32, i32) {
    %c0_i32 = arith.constant 0 : i32
    %c0_i32_0 = arith.constant 0 : i32
    %c0_i32_1 = arith.constant 0 : i32
    return %c0_i32, %c0_i32_0 : i32, i32
  }
  func.func @transform_9(%arg0: i32) -> (i32, i32) {
    %c0_i32 = arith.constant 0 : i32
    %c0_i32_0 = arith.constant 0 : i32
    %c0_i32_1 = arith.constant 0 : i32
    return %c0_i32, %c0_i32_0 : i32, i32
  }
  func.func @transform_10(%arg0: i32) -> (i32, i32) {
    %c0_i32 = arith.constant 0 : i32
    %c0_i32_0 = arith.constant 0 : i32
    %c0_i32_1 = arith.constant 0 : i32
    return %c0_i32, %c0_i32_0 : i32, i32
  }
  func.func @transform_11(%arg0: i32) -> (i32, i32) {
    %c0_i32 = arith.constant 0 : i32
    %c0_i32_0 = arith.constant 0 : i32
    return %arg0, %c0_i32 : i32, i32
  }
}

module attributes {stable_mosaic.version = 14 : i64} {
  func.func @_ep2_body(%arg0: i32, %arg1: memref<2000x256xf32, #tpu.memory_space<vmem>>, %arg2: memref<2000x128xf32, #tpu.memory_space<vmem>>, %arg3: memref<2000x128xf32, #tpu.memory_space<vmem>>, %arg4: memref<2000x1xf32, #tpu.memory_space<vmem>>, %arg5: memref<2000x1xf32, #tpu.memory_space<vmem>>, %arg6: memref<256x256xf32, #tpu.memory_space<vmem>>, %arg7: memref<256x256xf32, #tpu.memory_space<vmem>>, %arg8: memref<2000x256xf32, #tpu.memory_space<vmem>>) attributes {dimension_semantics = [#tpu.dimension_semantics<arbitrary>], iteration_bounds = array<i64: 5>, scalar_prefetch = 0 : i64, scratch_operands = 0 : i64, tpu.core_type = #tpu.core_type<tc>, window_params = [{transform_indices = @transform_0, window_bounds = array<i64: 2000, 256>}, {transform_indices = @transform_1, window_bounds = array<i64: 2000, 128>}, {transform_indices = @transform_2, window_bounds = array<i64: 2000, 128>}, {transform_indices = @transform_3, window_bounds = array<i64: 2000, 1>}, {transform_indices = @transform_4, window_bounds = array<i64: 2000, 1>}, {pipeline_mode = #tpu.pipeline_mode<synchronous>, transform_indices = @transform_5, window_bounds = array<i64: 256, 256>}, {pipeline_mode = #tpu.pipeline_mode<synchronous>, transform_indices = @transform_6, window_bounds = array<i64: 256, 256>}, {transform_indices = @transform_7, window_bounds = array<i64: 2000, 256>}]} {
    %get3A = arith.constant 0 : index
    %get3A_0 = arith.constant 0 : index
    %get3A_1 = vector.load %arg4[%get3A, %get3A_0] : memref<2000x1xf32, #tpu.memory_space<vmem>>, vector<2000x1xf32>
    %max3A = arith.constant 1.000000e+00 : f32
    %max3A_2 = vector.broadcast %max3A : f32 to vector<2000x1xf32>
    %max3A_3 = arith.maximumf %get3A_1, %max3A_2 : vector<2000x1xf32>
    %div3A = arith.constant 1.000000e+00 : f32
    %div3A_4 = vector.broadcast %div3A : f32 to vector<2000x1xf32>
    %div3A_5 = arith.divf %div3A_4, %max3A_3 : vector<2000x1xf32>
    %get3A_6 = arith.constant 0 : index
    %get3A_7 = arith.constant 0 : index
    %get3A_8 = vector.load %arg5[%get3A_6, %get3A_7] : memref<2000x1xf32, #tpu.memory_space<vmem>>, vector<2000x1xf32>
    %max3A_9 = arith.constant 1.000000e+00 : f32
    %max3A_10 = vector.broadcast %max3A_9 : f32 to vector<2000x1xf32>
    %max3A_11 = arith.maximumf %get3A_8, %max3A_10 : vector<2000x1xf32>
    %div3A_12 = arith.constant 1.000000e+00 : f32
    %div3A_13 = vector.broadcast %div3A_12 : f32 to vector<2000x1xf32>
    %div3A_14 = arith.divf %div3A_13, %max3A_11 : vector<2000x1xf32>
    %get3A_15 = arith.constant 0 : index
    %get3A_16 = arith.constant 0 : index
    %get3A_17 = vector.load %arg1[%get3A_15, %get3A_16] : memref<2000x256xf32, #tpu.memory_space<vmem>>, vector<2000x256xf32>
    %get3A_18 = arith.constant 0 : index
    %get3A_19 = arith.constant 0 : index
    %get3A_20 = vector.load %arg2[%get3A_18, %get3A_19] : memref<2000x128xf32, #tpu.memory_space<vmem>>, vector<2000x128xf32>
    %mul3A = vector.broadcast %div3A_5 : vector<2000x1xf32> to vector<2000x128xf32>
    %mul3A_21 = arith.mulf %get3A_20, %mul3A : vector<2000x128xf32>
    %get3A_22 = arith.constant 128 : index
    %get3A_23 = arith.constant 0 : index
    %get3A_24 = vector.load %arg6[%get3A_22, %get3A_23] : memref<256x256xf32, #tpu.memory_space<vmem>>, vector<128x256xf32>
    %dot_general3A = arith.constant dense<0.000000e+00> : vector<2000x256xf32>
    %dot_general3A_25 = tpu.matmul %mul3A_21, %get3A_24, %dot_general3A {dimension_numbers = #tpu.dot_dimension_numbers<[1], [0], [0], [1], [0, 0, 1, 1], [], []>, transpose_lhs_hint = false} : vector<2000x128xf32>, vector<128x256xf32>, vector<2000x256xf32> -> vector<2000x256xf32>
    %add3A = arith.addf %get3A_17, %dot_general3A_25 : vector<2000x256xf32>
    %get3A_26 = arith.constant 0 : index
    %get3A_27 = arith.constant 0 : index
    %get3A_28 = vector.load %arg3[%get3A_26, %get3A_27] : memref<2000x128xf32, #tpu.memory_space<vmem>>, vector<2000x128xf32>
    %mul3A_29 = vector.broadcast %div3A_14 : vector<2000x1xf32> to vector<2000x128xf32>
    %mul3A_30 = arith.mulf %get3A_28, %mul3A_29 : vector<2000x128xf32>
    %get3A_31 = arith.constant 128 : index
    %get3A_32 = arith.constant 0 : index
    %get3A_33 = vector.load %arg7[%get3A_31, %get3A_32] : memref<256x256xf32, #tpu.memory_space<vmem>>, vector<128x256xf32>
    %dot_general3A_34 = arith.constant dense<0.000000e+00> : vector<2000x256xf32>
    %dot_general3A_35 = tpu.matmul %mul3A_30, %get3A_33, %dot_general3A_34 {dimension_numbers = #tpu.dot_dimension_numbers<[1], [0], [0], [1], [0, 0, 1, 1], [], []>, transpose_lhs_hint = false} : vector<2000x128xf32>, vector<128x256xf32>, vector<2000x256xf32> -> vector<2000x256xf32>
    %add3A_36 = arith.addf %add3A, %dot_general3A_35 : vector<2000x256xf32>
    %max3A_37 = arith.constant 0.000000e+00 : f32
    %max3A_38 = vector.broadcast %max3A_37 : f32 to vector<2000x256xf32>
    %max3A_39 = arith.maximumf %add3A_36, %max3A_38 : vector<2000x256xf32>
    %swap3A = arith.constant 0 : index
    %swap3A_40 = arith.constant 0 : index
    %swap3A_41 = vector.load %arg8[%swap3A, %swap3A_40] : memref<2000x256xf32, #tpu.memory_space<vmem>>, vector<2000x256xf32>
    tpu.vector_store %arg8[%swap3A, %swap3A_40], %max3A_39 {strides = array<i32>} : memref<2000x256xf32, #tpu.memory_space<vmem>>, vector<2000x256xf32>,
    return
  }
  func.func @transform_0(%arg0: i32) -> (i32, i32) {
    %c0_i32 = arith.constant 0 : i32
    %c0_i32_0 = arith.constant 0 : i32
    return %arg0, %c0_i32 : i32, i32
  }
  func.func @transform_1(%arg0: i32) -> (i32, i32) {
    %c0_i32 = arith.constant 0 : i32
    %c0_i32_0 = arith.constant 0 : i32
    return %arg0, %c0_i32 : i32, i32
  }
  func.func @transform_2(%arg0: i32) -> (i32, i32) {
    %c0_i32 = arith.constant 0 : i32
    %c0_i32_0 = arith.constant 0 : i32
    return %arg0, %c0_i32 : i32, i32
  }
  func.func @transform_3(%arg0: i32) -> (i32, i32) {
    %c0_i32 = arith.constant 0 : i32
    %c0_i32_0 = arith.constant 0 : i32
    return %arg0, %c0_i32 : i32, i32
  }
  func.func @transform_4(%arg0: i32) -> (i32, i32) {
    %c0_i32 = arith.constant 0 : i32
    %c0_i32_0 = arith.constant 0 : i32
    return %arg0, %c0_i32 : i32, i32
  }
  func.func @transform_5(%arg0: i32) -> (i32, i32) {
    %c0_i32 = arith.constant 0 : i32
    %c0_i32_0 = arith.constant 0 : i32
    %c0_i32_1 = arith.constant 0 : i32
    return %c0_i32, %c0_i32_0 : i32, i32
  }
  func.func @transform_6(%arg0: i32) -> (i32, i32) {
    %c0_i32 = arith.constant 0 : i32
    %c0_i32_0 = arith.constant 0 : i32
    %c0_i32_1 = arith.constant 0 : i32
    return %c0_i32, %c0_i32_0 : i32, i32
  }
  func.func @transform_7(%arg0: i32) -> (i32, i32) {
    %c0_i32 = arith.constant 0 : i32
    %c0_i32_0 = arith.constant 0 : i32
    return %arg0, %c0_i32 : i32, i32
  }
}

</mosaic_0001>

<sc_bundles>
// kernel: kernel.10.cloned.1.call-start
scs
__scs_entry_jumppad:
0x0: {  	(pc) =	sbr.rel $0x88, $3  }
0x1: {  	(tag) =	ssettag $0x0;
	lr =	simm.s32 $0x1  }
0x2: {  	[smem:$0x3F96] =	sst lr;
	_ =	strace $0xD0000000  }
0x3: {  	_ = 	snop  }
0x4: {  	_ = 	snop  }
0x5: {  	_ = 	snop  }
0x6: {  	_ = 	snop  }
0x7: {  	_ = 	snop  }
__scs_overlays_trampoline_lowered:
0x8: {  	[smem:$0x3FA5] =	sst s0  }
0x9: {  	[smem:$0x3FA6] =	sst s1  }
0xa: {  	[smem:$0x3FA7] =	sst s2  }
0xb: {  	[smem:$0x3FA8] =	sst s3  }
0xc: {  	[smem:$0x3FA9] =	sst s4  }
0xd: {  	[smem:$0x3FAA] =	sst s5  }
0xe: {  	[smem:$0x3FAB] =	sst s6  }
0xf: {  	[smem:$0x3FAC] =	sst s7  }
0x10: {  	[smem:$0x3FAD] =	sst s8  }
0x11: {  	[smem:$0x3FAE] =	sst s9;
	s0 =	simm.s32 @!p0 $0x0  }
0x12: {  	s1 =	sld [smem:$0x3F94];
	s0 =	simm.s32 @p0 $0x1  }
0x13: {  	[smem:$0x3FAF] =	sst s0;
	s0 =	simm.s32 @!p1 $0x0  }
0x14: {  	s2 =	sld [smem:$0x3F93];
	s0 =	simm.s32 @p1 $0x1  }
0x15: {  	[smem:$0x3FB0] =	sst s0;
	s0 =	simm.s32 @!p2 $0x0  }
0x16: {  	s3 =	sld [smem:$0x3FDB];
	s0 =	simm.s32 @p2 $0x1  }
0x17: {  	s4 =	simm.s32 $0x1BF5;
	[smem:$0x3FB2] =	sst s0  }
0x18: {  	s0 =	sld [smem:$0x3F95];
	_ =	swait.ge [sflag:s4], $0x0  }
0x19: {  	s7 =	sld [smem:$0x3F96]  }
0x1a: {  	s8 =	sadd.s32 $0xFFFFE003, lr  }
0x1b: {  	s9 =	sadd.s32 $0xFFFFFEF7, lr;
	s5 =	simm.s32 $0xFFFFFFFF;
	p2 =	slt.u32 s8, $0xFFFFF086  }
0x1c: {  	p1 =	slt.u32 s9, $0xF7A;
	s5 =	simm.s32 @!p2 $0x0  }
0x1d: {  	s5 =	simm.s32 @p1 $0x1;
	p0 =	seq.s32 s7, s2  }
0x1e: {  	s7 =	smul.u32 @!p0 $0xF7A, s2;
	p2 =	seq.s32 @!p0 s5, $0x0  }
0x1f: {  	s9 =	smul.u32 $0xF7A, s1;
	s8 =	simm.s32 @!p0 $0x1BF5;
	p2 =	por !p2, p0  }
0x20: {  	[sflag:s8] =	ssyncset.s32 @!p0 $0xFFFFF086;
	s6 =	sadd.s32 @!p0 s3, s7;
	s7 =	simm.s32 @!p0 $0x108  }
0x21: {  	s3 =	sadd.s32 s3, s9;
	s6 =	sadd.s32 @!p0 $0x88, s6;
	s7 =	simm.s32 @p2 $0x1082  }
0x22: {  	[simem:s7], [sflag:s8] =	dma.local @!p0 [hbm:s6], $0xF7A  }
0x23: {  	s9 =	sor.u32 $0xD0000000, s2;
	s6 =	simm.s32 $0x108;
	_ =	swait.ge @!p0 [sflag:s8], $0x0  }
0x24: {  	s3 =	sadd.s32 $0x88, s3;
	s6 =	simm.s32 @!p1 $0x1082;
	[sflag:s4] =	ssyncset.s32 $0xFFFFF086  }
0x25: {  	[simem:s6], [sflag:s4] =	dma.local [hbm:s3], $0xF7A  }
0x26: {  	[smem:$0x3F96] =	sst s1;
	(tag) =	ssettag s2;
	_ =	strace s9  }
0x27: {  	s1 =	sld [smem:$0x3FA6]  }
0x28: {  	s2 =	sld [smem:$0x3FA7]  }
0x29: {  	s4 =	sld [smem:$0x3FA9]  }
0x2a: {  	p0 =	seq.s32 s5, $0x0;
	s5 =	sld [smem:$0x3FAA]  }
0x2b: {  	s6 =	sld [smem:$0x3FAB]  }
0x2c: {  	s7 =	sld [smem:$0x3FAC]  }
0x2d: {  	s3 =	simm.s32 $0x108;
	s8 =	sld [smem:$0x3FAD]  }
0x2e: {  	s3 =	simm.s32 @!p0 $0x1082;
	s9 =	sld [smem:$0x3FAE]  }
0x2f: {  	lr =	sadd.s32 s0, s3;
	s0 =	sld [smem:$0x3FA5]  }
0x30: {  	s3 =	sld [smem:$0x3FA8]  }
0x31: {  	[smem:$0x3FB1] =	sst s10  }
0x32: {  	s10 =	sld [smem:$0x3FAF];
	_ =	sdelay $0x3  }
0x33: {  	p0 =	seq.s32 s10, $0x1;
	s10 =	sld [smem:$0x3FB1];
	_ =	sdelay $0x3  }
0x34: {  	[smem:$0x3FB1] =	sst s10  }
0x35: {  	s10 =	sld [smem:$0x3FB0];
	_ =	sdelay $0x3  }
0x36: {  	p1 =	seq.s32 s10, $0x1;
	s10 =	sld [smem:$0x3FB1];
	_ =	sdelay $0x3  }
0x37: {  	[smem:$0x3FB1] =	sst s10  }
0x38: {  	s10 =	sld [smem:$0x3FB2]  }
0x39: {  	_ = 	snop;
	(pc) =	sbr.ind lr, $3  }
0x3a: {  	_ = 	snop  }
0x3b: {  	_ = 	snop  }
0x3c: {  	p2 =	seq.s32 s10, $0x1;
	s10 =	sld [smem:$0x3FB1]  }
0x3d: {  	_ =	shalt  }
0x3e: {  	_ =	shalt  }
0x3f: {  	_ =	shalt  }
0x40: {  	_ =	shalt  }
0x41: {  	_ =	shalt  }
0x42: {  	_ =	shalt  }
0x43: {  	_ =	shalt  }
0x44: {  	_ =	shalt  }
0x45: {  	_ =	shalt  }
0x46: {  	_ =	shalt  }
0x47: {  	_ =	shalt  }
0x48: {  	_ =	shalt  }
0x49: {  	_ =	shalt  }
0x4a: {  	_ =	shalt  }
0x4b: {  	_ =	shalt  }
0x4c: {  	_ =	shalt  }
0x4d: {  	_ =	shalt  }
0x4e: {  	_ =	shalt  }
0x4f: {  	_ =	shalt  }
0x50: {  	_ =	shalt  }
0x51: {  	_ =	shalt  }
0x52: {  	_ =	shalt  }
0x53: {  	_ =	shalt  }
0x54: {  	_ =	shalt  }
0x55: {  	_ =	shalt  }
0x56: {  	_ =	shalt  }
0x57: {  	_ =	shalt  }
0x58: {  	_ =	shalt  }
0x59: {  	_ =	shalt  }
0x5a: {  	_ =	shalt  }
0x5b: {  	_ =	shalt  }
0x5c: {  	_ =	shalt  }
0x5d: {  	_ =	shalt  }
0x5e: {  	_ =	shalt  }
0x5f: {  	_ =	shalt  }
0x60: {  	_ =	shalt  }
0x61: {  	_ =	shalt  }
0x62: {  	_ =	shalt  }
0x63: {  	_ =	shalt  }
0x64: {  	_ =	shalt  }
0x65: {  	_ =	shalt  }
0x66: {  	_ =	shalt  }
0x67: {  	_ =	shalt  }
0x68: {  	_ =	shalt  }
0x69: {  	_ =	shalt  }
0x6a: {  	_ =	shalt  }
0x6b: {  	_ =	shalt  }
0x6c: {  	_ =	shalt  }
0x6d: {  	_ =	shalt  }
0x6e: {  	_ =	shalt  }
0x6f: {  	_ =	shalt  }
0x70: {  	_ =	shalt  }
0x71: {  	_ =	shalt  }
0x72: {  	_ =	shalt  }
0x73: {  	_ =	shalt  }
0x74: {  	_ =	shalt  }
0x75: {  	_ =	shalt  }
0x76: {  	_ =	shalt  }
0x77: {  	_ =	shalt  }
0x78: {  	_ =	shalt  }
0x79: {  	_ =	shalt  }
0x7a: {  	_ =	shalt  }
0x7b: {  	_ =	shalt  }
0x7c: {  	_ =	shalt  }
0x7d: {  	_ =	shalt  }
0x7e: {  	_ =	shalt  }
0x7f: {  	_ =	shalt  }
0x80: {  	_ =	shalt  }
0x81: {  	_ =	shalt  }
0x82: {  	_ =	shalt  }
0x83: {  	_ =	shalt  }
0x84: {  	_ =	shalt  }
0x85: {  	_ =	shalt  }
0x86: {  	_ =	shalt  }
0x87: {  	_ =	shalt  }
.Lfunc_end0:
.L_simem_size_0:
called_computation.1_lowered:
.L_overlay_start_0:
0x88: {  	s2 =	sld [smem:$0x3FD9]  }
0x89: {  	s3 =	sld [smem:$0x3FFE];
	_ =	sdelay $0x1  }
0x8a: {  	s1 =	srdreg.scid  }
0x8b: {  	s0 =	sand.u32 $0x1, s1  }
0x8c: {  	s17 =	sshll.u32 s0, $0xA;
	s2 =	sadd.s32 s3, s2  }
0x8d: {  	s2 =	sadd.s32 s2, s17  }
0x8e: {  	[smem:$0x3FBD] =	sst s2  }
0x8f: {  	_ = 	snop  }
0x90: {  	s18 =	sld [smem:$0x3FD0];
	(tm) =	ssettm $0x1  }
0x91: {  	s19 =	sld [smem:$0x3FFB];
	_ =	sdelay $0x3  }
0x92: {  	_ =	strace s19  }
0x93: {  	s2 =	sld [smem:$0x3FFC];
	_ =	sdelay $0x3  }
0x94: {  	_ =	strace s2  }
0x95: {  	s2 =	sld [smem:$0x3FFD];
	_ =	sdelay $0x3  }
0x96: {  	_ =	strace s2  }
0x97: {  	_ =	strace $0x8FFFFFFF  }
0x98: {  	s20 =	sld [smem:$0x3FDB];
	_ =	sdelay $0x1  }
0x99: {  	s4 =	simm.s32 $_scs_section_size  }
0x9a: {  	s5 =	simm.s32 $_size__tile_overlayer_lowered;
	s6 =	simm.s32 $_tile_overlayer_lowered  }
0x9b: {  	s7 =	simm.s32 $0x1BFF;
	s21 =	sshll.u32 s6, $0x1;
	s4 =	sadd.s32 s4, s20  }
0x9c: {  	s22 =	simm.s32 $0x0;
	s5 =	sshll.u32 s5, $0x1;
	s6 =	sadd.s32 s21, s4  }
0x9d: {  	[timem:s22], [sflag:s7] =	dma.local [hbm:s6], s5  }
0x9e: {  	_ =	swait.ge [sflag:s7], s5  }
0x9f: {  	s5 =	ssub.s32 $0x0, s5;
	[sflag:s7] =	ssyncset.done $0x0  }
0xa0: {  	[sflag:s7] =	ssyncadd.s32 s5;
	_ =	sdelay $0x1  }
0xa1: {  	s23 =	simm.s32 $0x1B8B  }
0xa2: {  	_ =	swait.ge [sflag:s23], $0x1  }
0xa3: {  	[sflag:s23] =	ssyncset.done $0x0  }
0xa4: {  	[sflag:s23] =	ssyncadd.s32 $0xFFFFFFFF  }
0xa5: {  	s5 =	sld [smem:$0x0]  }
0xa6: {  	s6 =	sand.u32 $0xFFFFFFFE, s1  }
0xa7: {  	p0 =	sne.s32 s1, s6  }
0xa8: {  	s6 =	sshll.u32 @p0 s6, $0xE  }
0xa9: {  	s6 =	sadd.s32 @p0 $0x11B8D, s6;
	s7 =	sshll.u32 @p0 s5, $0x11  }
0xaa: {  	s6 =	sor.u32 @p0 s7, s6  }
0xab: {  	[sflag:s6] =	ssyncadd.remote.s32 @p0 $0x1;
	_ =	sdelay $0x1  }
0xac: {  	s6 =	simm.s32 @p0 $0x1B8D  }
0xad: {  	_ =	swait.eq @p0 [sflag:s6], $0x1  }
0xae: {  	[sflag:s6] =	ssyncadd.s32 @p0 $0xFFFFFFFF  }
0xaf: {  	s7 =	sshll.u32 @!p0 s1, $0xE  }
0xb0: {  	s7 =	sor.u32 @!p0 $0x4000, s7;
	s6 =	simm.s32 @!p0 $0x1B8D  }
0xb1: {  	s5 =	sshll.u32 @!p0 s5, $0x11;
	s7 =	sadd.s32 @!p0 $0x11B8D, s7;
	_ =	swait.eq @!p0 [sflag:s6], $0x1  }
0xb2: {  	s5 =	sor.u32 @!p0 s5, s7;
	[sflag:s6] =	ssyncadd.s32 @!p0 $0xFFFFFFFF  }
0xb3: {  	s25 =	simm.s32 $0x1B8E;
	s24 =	sld [smem:$0x3FFE];
	[sflag:s5] =	ssyncadd.remote.s32 @!p0 $0x1  }
0xb4: {  	s26 =	simm.s32 $execute0_lowered;
	[smem:$0x3FD2] =	sst s25  }
0xb5: {  	s6 =	sshll.u32 s26, $0x1;
	_ =	strace $0x80000049;
	[dreg:$0x1] =	wrdreg $0xFFFFFFFF  }
0xb6: {  	s28 =	simm.s32 $_size_execute0_lowered;
	s4 =	sadd.s32 s4, s6;
	[dreg:$0x0] =	wrdreg $0x0  }
0xb7: {  	s6 =	sshll.u32 s28, $0x1;
	[dreg:$0x2] =	wrdreg s4  }
0xb8: {  	[dreg:$0x3] =	wrdreg s6  }
0xb9: {  	[dreg:$0x4] =	wrdreg $0xC0  }
0xba: {  	_ =	task [dreg:s22], $0x5FFFF  }
0xbb: {  	[dreg:$0x1] =	wrdreg $0xFFFFFFFF  }
0xbc: {  	[dreg:$0x0] =	wrdreg $0x60  }
0xbd: {  	[dreg:$0x2] =	wrdreg s24  }
0xbe: {  	[dreg:$0x3] =	wrdreg s18  }
0xbf: {  	[dreg:$0x4] =	wrdreg $0xC3000  }
0xc0: {  	[dreg:$0x5] =	wrdreg $0xA  }
0xc1: {  	_ =	task.clear_ibuf [dreg:s22], $0x6FFFF;
	_ =	strace $0x90000049  }
0xc2: {  	s29 =	simm.s32 $0xA;
	_ =	strace $0x8000004B  }
0xc3: {  	_ =	swait.ge [sflag:s29], $0x1  }
0xc4: {  	[sflag:s29] =	ssyncadd.s32 $0xFFFFFFFF  }
0xc5: {  	_ =	strace $0x9000004B  }
0xc6: {  	_ =	sfence  }
0xc7: {  	s30 =	sld [smem:$0x0];
	_ =	sdelay $0x2  }
0xc8: {  	s31 =	sshll.u32 s1, $0xD;
	s1 =	sshrl.u32 s1, $0x2  }
0xc9: {  	s4 =	sand.u32 $0x4000, s31;
	s1 =	sadd.s32 s1, s30  }
0xca: {  	s0 =	sor.u32 s4, s0;
	s1 =	sshll.u32 s1, $0x11  }
0xcb: {  	s0 =	sor.u32 s1, s0  }
0xcc: {  	s0 =	sadd.s32 $0x8F2B, s0  }
0xcd: {  	[sflag:s0] =	ssyncadd.remote.s32 $0x1  }
0xce: {  	_ =	sfence.sel $0xFFFF  }
0xcf: {  	[dreg:$0x0] =	wrdreg $0xFFFFFFFF;
	(pc) =	sbr.abs _section_cstart, $3  }
0xd0: {  	[dreg:$0x1] =	wrdreg $0xFFFFFFFF  }
0xd1: {  	_ =	task.clear_ibuf [dreg:s22], $0x2FFFF;
	_ =	strace $0x9FFFFFFF  }
0xd2: {  	(tm) =	ssettm $0x7FFFFFFF  }
0xd3: {  	_ =	shalt  }
tec
execute0_lowered:
.L_overlay_start_1:
0x0: {  	(tag) =	ssettag $0x1  }
0x1: {  	s0 =	rddreg [dreg:$0x0]  }
0x2: {  	s1 =	rddreg [dreg:$0x1]  }
0x3: {  	s2 =	rddreg [dreg:$0x2];
	s3 =	srdreg.scid  }
0x4: {  	s4 =	simm.s32 $0x0;
	s26 =	stileid.u32;
	s28 =	simm.s32 $0x9  }
0x5: {  	s29 =	simm.s32 $0x7;
	s30 =	simm.s32 $0x0;
	s11 =	sand.u32 $0x1, s3  }
0x6: {  	[smem:$0x7FF] =	sst s4;
	s13 =	sadd.s32 $0x2A600, s0;
	s6 =	sadd.s32 $0x90000, s0  }
0x7: {  	s14 =	smul.u32 $0x4E400, s26;
	s7 =	sadd.s32 $0xB7200, s0;
	s19 =	sshll.u32 s26, $0x6  }
0x8: {  	p4 =	sne.s32 s26, $0xF;
	p0 =	seq.s32 s26, $0xF;
	s21 =	smul.u32 $0x50000, s26  }
0x9: {  	s25 =	sadd.s32 $0x12C000, s2;
	s22 =	smul.u32 $0x2800, s26;
	s5 =	sshll.u32 s11, $0x4  }
0xa: {  	_ =	strace $0x8000004A;
	s9 =	ssub.s32 $0x2, s11;
	p2 =	seq.s32 s11, $0x0  }
0xb: {  	p3 =	seq.s32 s11, $0x1;
	s15 =	smul.u32 $0x9E00, s11;
	[dreg:$0x4] =	wrdreg s6  }
0xc: {  	[dreg:$0x5] =	wrdreg s7;
	s8 =	sor.u32 s26, s5;
	s5 =	sadd.s32 $0x3E200, s0  }
0xd: {  	s12 =	sshrl.u32 s9, $0x1;
	s18 =	sshrl.u32 s14, $0x2;
	p1 =	por !p2, !p4  }
0xe: {  	p2 =	por !p2, !p0;
	p4 =	por !p4, !p3;
	s23 =	sadd.s32 s6, s22  }
0xf: {  	s24 =	sadd.s32 s7, s22;
	s10 =	smul.u32 $0x9E0, s8;
	s31 =	ssub.s32 s9, s12  }
0x10: {  	s17 =	smul.u32 $0x4F00, s8;
	s16 =	sadd.s32 s18, s2;
	s9 =	sor.u32 $0x1C0A, s19  }
0x11: {  	p1 =	por !p1, !p1;
	p2 =	por !p2, !p2;
	s12 =	sshrl.u32 s21, $0x2  }
0x12: {  	[dreg:$0x6] =	wrdreg s23;
	p4 =	por !p4, !p4;
	s15 =	sadd.s32 s15, s13  }
0x13: {  	[dreg:$0x7] =	wrdreg s24;
	s19 =	simm.s32 $0x1;
	s21 =	simm.s32 $0x300  }
0x14: {  	s23 =	simm.s32 $0x80;
	s24 =	simm.s32 $0x4;
	s11 =	sadd.s32 s12, s2  }
.Ltmp0:
0x15: {  	s14 =	smax.u32 s31, $0x1;
	s16 =	sshrl.u32 s16, $0x3;
	(pc) =	sbr.rel .LBB2_1-.Ltmp0, $4  }
0x16: {  	s31 =	sshrl.u32 s25, $0x3;
	s20 =	sshrl.u32 s17, $0x3;
	s17 =	smul.u32 $0x9E0, s26  }
0x17: {  	s8 =	sadd.s32 s13, s10;
	[dreg:$0x8] =	wrdreg s31;
	s10 =	sadd.s32 s13, s20  }
0x18: {  	s20 =	simm.s32 $0x40;
	s10 =	sadd.s32 $0x20, s10;
	s26 =	sadd.s32 s17, s15  }
0x19: {  	s17 =	simm.s32 $0xA;
	s15 =	sadd.s32 $0x40, s26;
	s26 =	simm.s32 $0x8  }
.LBB2_8:
0x1a: {  	s0 =	sadd.s32 $0x25800, s0;
	s3 =	rddreg [dreg:$0x8]  }
0x1b: {  	[hbm:s0], [sflag:s9] =	dma.local [spmem:s3], $0x1900  }
0x1c: {  	_ =	swait.ge [sflag:s17], $0x1900  }
0x1d: {  	[sflag:s17] =	ssyncset.done $0x0  }
0x1e: {  	[sflag:s17] =	ssyncadd.s32 $0xFFFFE700  }
.LBB2_9:
0x1f: {  	s30 =	sadd.s32 $0x1, s30  }
0x20: {  	p5 =	sne.s32 s30, s14  }
.Ltmp1:
0x21: {  	_ = 	snop;
	(pc) =	sbr.rel @!p5 .LBB2_10-.Ltmp1, $1  }
0x22: {  	_ =	sdelay $0x3  }
.LBB2_1:
0x23: {  	[tilespmem:s4], [sflag:$0x1] =	stream.linear.gather [hbm4b:s8+s4], $0x100, $0x38;
	[tilespmem:$0x1FC00] =	vst v63  }
0x24: {  	[spmem:s16], [sflag:s9] =	dma.local [hbm:s5], $0x2720  }
0x25: {  	_ =	swait.ge [sflag:s17], $0x2720  }
0x26: {  	[sflag:s17] =	ssyncset.done $0x0  }
0x27: {  	[sflag:s17] =	ssyncadd.s32 $0xFFFFD8E0  }
0x28: {  	s0 =	simm.s32 $0x100;
	[bflag:$0x0] =	sbarrier.arrive $0xFFFF  }
0x29: {  	[tilespmem:s0], [sflag:$0x2] =	stream.linear.gather [hbm4b:s10+s4], $0x100, $0x38;
	[tilespmem:$0x1FC00] =	vst v63  }
0x2a: {  	_ =	swait.ge [sflag:s19], $0x100  }
0x2b: {  	[sflag:s19] =	ssyncset.done $0x0  }
0x2c: {  	[sflag:s19] =	ssyncadd.s32 $0xFFFFFF00  }
0x2d: {  	[tilespmem:s21], [sflag:$0x4] =	stream.indirect.gather [hbm4b:s1+s20], $0x80, s4, s20, $0xb8;
	[tilespmem:$0x1FC00] =	vst v63  }
0x2e: {  	s25 =	simm.s32 $0x2300;
	s31 =	smov.u32 s15;
	s0 =	simm.s32 $0x0  }
0x2f: {  	[tilespmem:s25], [sflag:$0x4] =	stream.indirect.gather [hbm4b:s1+s20], $0x80, s20, s20, $0xb8;
	[tilespmem:$0x1FC00] =	vst v63  }
.LBB2_2:
0x30: {  	s3 =	smul.u32 $0xAB, s0;
	_ =	sdelay $0x1  }
0x31: {  	s6 =	sadd.s32 $0xAB, s3  }
0x32: {  	s6 =	sshrl.u32 s6, $0x9  }
0x33: {  	s6 =	sand.u32 $0x7F, s6  }
0x34: {  	s12 =	sand.u32 $0xFF, s0;
	s6 =	smul.u32 $0x3, s6  }
0x35: {  	s12 =	smul.u32 $0xAB, s12  }
0x36: {  	s6 =	ssub.s32 s0, s6  }
0x37: {  	s12 =	sshrl.u32 s12, $0x9;
	s6 =	sadd.s32 $0x1, s6  }
0x38: {  	s12 =	smul.u32 $0x3, s12;
	s6 =	sand.u32 $0xFF, s6  }
0x39: {  	s3 =	sadd.s32 $0x156, s3;
	s18 =	sadd.s32 $0x1, s6  }
0x3a: {  	s3 =	sshrl.u32 s3, $0x9;
	s12 =	ssub.s32 s0, s12;
	_ =	swait.ge [sflag:s18], $0x100  }
0x3b: {  	s13 =	sshll.u32 s6, $0xE;
	s25 =	sshll.u32 s6, $0x8;
	[sflag:s18] =	ssyncset.done $0x0  }
0x3c: {  	s7 =	sor.u32 $0x4, s6;
	s22 =	sor.u32 $0x300, s13;
	[sflag:s18] =	ssyncadd.s32 $0xFFFFFF00  }
0x3d: {  	[tilespmem:s22], [sflag:s7] =	stream.indirect.gather [hbm4b:s1+s20], $0x80, s25, s20, $0xb8;
	[tilespmem:$0x1FC00] =	vst v63  }
0x3e: {  	s12 =	sand.u32 $0xFF, s12;
	s18 =	sor.u32 $0x2300, s13;
	s13 =	sor.u32 $0x40, s25  }
0x3f: {  	[tilespmem:s18], [sflag:s7] =	stream.indirect.gather [hbm4b:s1+s20], $0x80, s13, s20, $0xb8;
	[tilespmem:$0x1FC00] =	vst v63  }
0x40: {  	s3 =	sand.u32 $0x7F, s3;
	s18 =	sor.u32 $0x4, s12  }
0x41: {  	s3 =	smul.u32 $0x3, s3;
	_ =	swait.ge [sflag:s18], $0x2000  }
0x42: {  	[sflag:s18] =	ssyncset.done $0x0  }
0x43: {  	s3 =	ssub.s32 s0, s3;
	[sflag:s18] =	ssyncadd.s32 $0xFFFFE000  }
0x44: {  	s3 =	sadd.s32 $0x2, s3;
	_ =	swait.ge [sflag:s18], $0x2000  }
0x45: {  	p5 =	seq.s32 s0, $0x0;
	s3 =	sand.u32 $0xFF, s3;
	[sflag:s18] =	ssyncset.done $0x0  }
0x46: {  	s13 =	sshll.u32 s12, $0xE;
	[sflag:s18] =	ssyncadd.s32 $0xFFFFE000;
	s18 =	sshll.u32 s12, $0x8  }
0x47: {  	s13 =	sor.u32 $0x300, s13;
	s12 =	sadd.s32 $0x7, s12;
	s18 =	sor.u32 $0x80, s18  }
0x48: {  	[spmem:s2] =	stream.indirect.scatter.add.f32 [tilespmem:s13], [sflag:s12], $0x80, s18, s23, $0xb8;
	[tilespmem:$0x1FC00] =	vst v63  }
0x49: {  	s12 =	sadd.s32 @!p5 $0x7, s3  }
0x4a: {  	_ =	swait.ge @!p5 [sflag:s12], $0x4000  }
0x4b: {  	[sflag:s12] =	ssyncset.done @!p5 $0x0  }
0x4c: {  	s13 =	sadd.s32 $0x1, s3;
	[sflag:s12] =	ssyncadd.s32 @!p5 $0xFFFFC000;
	s12 =	sshll.u32 s3, $0x8  }
0x4d: {  	[tilespmem:s12], [sflag:s13] =	stream.linear.gather [hbm4b:s31+s4], $0x100, $0x38;
	[tilespmem:$0x1FC00] =	vst v63  }
0x4e: {  	_ =	swait.ge [sflag:s13], $0x100  }
0x4f: {  	s18 =	sshll.u32 s3, $0xE;
	[sflag:s13] =	ssyncset.done $0x0  }
0x50: {  	s3 =	sadd.s32 $0x4, s3;
	[sflag:s13] =	ssyncadd.s32 $0xFFFFFF00;
	s13 =	sor.u32 $0x300, s18  }
0x51: {  	[tilespmem:s13], [sflag:s3] =	stream.indirect.gather [hbm4b:s1+s20], $0x80, s12, s20, $0xb8;
	[tilespmem:$0x1FC00] =	vst v63  }
0x52: {  	s18 =	sor.u32 $0x2300, s18;
	s12 =	sor.u32 $0x40, s12  }
0x53: {  	[tilespmem:s18], [sflag:s3] =	stream.indirect.gather [hbm4b:s1+s20], $0x80, s12, s20, $0xb8;
	[tilespmem:$0x1FC00] =	vst v63  }
0x54: {  	_ =	swait.ge [sflag:s7], $0x2000  }
0x55: {  	p5 =	sgt.u32 s0, $0x4B;
	[sflag:s7] =	ssyncset.done $0x0  }
.Ltmp2:
0x56: {  	[sflag:s7] =	ssyncadd.s32 $0xFFFFE000;
	(pc) =	sbr.rel @p5 .LBB2_4-.Ltmp2, $4  }
0x57: {  	_ =	swait.ge [sflag:s7], $0x2000  }
0x58: {  	[sflag:s7] =	ssyncset.done $0x0  }
0x59: {  	s6 =	sadd.s32 $0x7, s6;
	s25 =	sadd.s32 $0x80, s25;
	[sflag:s7] =	ssyncadd.s32 $0xFFFFE000  }
0x5a: {  	[spmem:s2] =	stream.indirect.scatter.add.f32 [tilespmem:s22], [sflag:s6], $0x80, s25, s23, $0xb8;
	[tilespmem:$0x1FC00] =	vst v63  }
0x5b: {  	s3 =	sadd.s32 $0x3, s0  }
0x5c: {  	s6 =	sand.u32 $0xFF, s3  }
0x5d: {  	s6 =	smul.u32 $0xAB, s6;
	_ =	sdelay $0x1  }
0x5e: {  	s6 =	sshrl.u32 s6, $0x9  }
0x5f: {  	s6 =	smul.u32 $0x3, s6;
	_ =	sdelay $0x1  }
0x60: {  	s3 =	ssub.s32 s3, s6  }
0x61: {  	s3 =	sand.u32 $0xFF, s3  }
.Ltmp3:
0x62: {  	s22 =	sadd.s32 $0x7, s3;
	(pc) =	sbr.rel .LBB2_2-.Ltmp3, $4  }
0x63: {  	s7 =	sadd.s32 $0x20, s31;
	_ =	swait.ge [sflag:s22], $0x4000  }
0x64: {  	s31 =	sadd.s32 $0x40, s31;
	s0 =	sadd.s32 $0x2, s0;
	[sflag:s22] =	ssyncset.done $0x0  }
0x65: {  	s25 =	sshll.u32 s3, $0x8;
	s3 =	sadd.s32 $0x1, s3;
	[sflag:s22] =	ssyncadd.s32 $0xFFFFC000  }
0x66: {  	[tilespmem:s25], [sflag:s3] =	stream.linear.gather [hbm4b:s7+s4], $0x100, $0x38;
	[tilespmem:$0x1FC00] =	vst v63  }
.LBB2_4:
0x67: {  	_ =	swait.ge [sflag:s24], $0x2000  }
0x68: {  	[sflag:s24] =	ssyncset.done $0x0  }
0x69: {  	[sflag:s24] =	ssyncadd.s32 $0xFFFFE000  }
0x6a: {  	_ =	swait.ge [sflag:s24], $0x2000  }
0x6b: {  	[sflag:s24] =	ssyncset.done $0x0  }
0x6c: {  	[sflag:s24] =	ssyncadd.s32 $0xFFFFE000  }
0x6d: {  	[spmem:s2] =	stream.indirect.scatter.add.f32 [tilespmem:s21], [sflag:$0x7], $0x80, s23, s23, $0xb8;
	[tilespmem:$0x1FC00] =	vst v63  }
0x6e: {  	_ =	swait.ge [sflag:s26], $0x4000  }
0x6f: {  	[sflag:s26] =	ssyncset.done $0x0  }
0x70: {  	[sflag:s26] =	ssyncadd.s32 $0xFFFFC000  }
0x71: {  	_ =	swait.ge [sflag:s28], $0x4000  }
0x72: {  	[sflag:s28] =	ssyncset.done $0x0  }
0x73: {  	[sflag:s28] =	ssyncadd.s32 $0xFFFFC000  }
.Ltmp4:
0x74: {  	_ =	swait.ge [sflag:s29], $0x4000;
	(pc) =	sbr.rel @!p1 .LBB2_6-.Ltmp4, $3  }
0x75: {  	[sflag:s29] =	ssyncset.done $0x0  }
0x76: {  	[sflag:s29] =	ssyncadd.s32 $0xFFFFC000  }
0x77: {  	[bflag:$0x0] =	sbarrier.arrive $0xFFFF;
	_ =	sdelay $0x1  }
.Ltmp5:
0x78: {  	s0 =	sshrl.u32 s11, $0x3;
	s3 =	rddreg [dreg:$0x6];
	(pc) =	sbr.rel .LBB2_7-.Ltmp5, $4  }
0x79: {  	[hbm:s3], [sflag:s9] =	dma.local [spmem:s0], $0x2800  }
0x7a: {  	_ =	swait.ge [sflag:s17], $0x2800  }
0x7b: {  	[sflag:s17] =	ssyncset.done $0x0  }
0x7c: {  	p5 =	por $0x0, $0x0;
	[sflag:s17] =	ssyncadd.s32 $0xFFFFD800  }
.LBB2_6:
.Ltmp6:
0x7d: {  	(pc) =	sbr.rel @p2 .LBB2_8-.Ltmp6, $2  }
0x7e: {  	_ =	sdelay $0x2  }
0x7f: {  	p5 =	por p0, p0;
	s0 =	rddreg [dreg:$0x4]  }
.LBB2_7:
0x80: {  	s0 =	sshrl.u32 @p4 s11, $0x3;
	s3 =	rddreg [dreg:$0x7];
	p6 =	por @p4 $0x1, $0x1  }
0x81: {  	[hbm:s3], [sflag:s9] =	dma.local @p4 [spmem:s0], $0x2800  }
0x82: {  	p6 =	por @!p4 p3, p3  }
0x83: {  	p5 =	por !p6, !p5  }
0x84: {  	p5 =	por !p5, !p5  }
.Ltmp7:
0x85: {  	_ = 	snop;
	(pc) =	sbr.rel @!p5 .LBB2_9-.Ltmp7, $4  }
.Ltmp8:
0x86: {  	s0 =	simm.s32 @p4 $0xA;
	(pc) =	sbr.rel @p5 .LBB2_8-.Ltmp8, $4  }
0x87: {  	_ =	swait.ge @p4 [sflag:s0], $0x2800  }
0x88: {  	[sflag:s0] =	ssyncset.done @p4 $0x0  }
0x89: {  	[sflag:s0] =	ssyncadd.s32 @p4 $0xFFFFD800;
	s0 =	rddreg [dreg:$0x5]  }
0x8a: {  	_ = 	snop  }
.LBB2_10:
0x8b: {  	_ =	sfence.sel $0x180000  }
0x8c: {  	[bflag:$0x0] =	sbarrier.arrive $0xFFFF  }
0x8d: {  	_ =	strace $0x9000004A  }
0x8e: {  	s0 =	stileid.u32;
	[bflag:$0x2] =	sbarrier.arrive $0xFFFF  }
0x8f: {  	p0 =	sne.s32 s0, $0x0;
	s0 =	rddreg [dreg:$0x3]  }
0x90: {  	s0 =	sadd.s32 @!p0 $0x100000, s0  }
0x91: {  	[sflag:s0] =	ssyncadd.tile.s32 @!p0 $0x1;
	_ =	shalt  }
.Lfunc_end2:
_tile_overlayer_lowered:
.L_overlay_start_2:
0x92: {  	(tag) =	ssettag $0x2  }
0x93: {  	s0 =	rddreg [dreg:$0x0];
	s2 =	stileid.u32  }
0x94: {  	s1 =	rddreg [dreg:$0x1];
	p0 =	sne.s32 s2, $0x0  }
0x95: {  	s3 =	rddreg [dreg:$0x2];
	[bflag:$0x3] =	sbarrier.arrive $0xFFFF;
	s2 =	simm.s32 @!p0 $0x1C0A  }
0x96: {  	[timem:s3], [sflag:s2] =	dma.local @!p0 [hbm:s0], s1  }
0x97: {  	s0 =	simm.s32 @!p0 $0xA  }
0x98: {  	_ =	swait.ge @!p0 [sflag:s0], s1  }
0x99: {  	s1 =	ssub.s32 @!p0 $0x0, s1;
	[sflag:s0] =	ssyncset.done @!p0 $0x0  }
0x9a: {  	[sflag:s0] =	ssyncadd.s32 @!p0 s1  }
0x9b: {  	[bflag:$0x3] =	sbarrier.arrive $0xFFFF  }
0x9c: {  	_ =	shalt  }

// kernel: kernel.7.cloned.1.call-start
scs
__scs_entry_jumppad:
0x0: {  	(pc) =	sbr.rel $0x88, $3  }
0x1: {  	(tag) =	ssettag $0x0;
	lr =	simm.s32 $0x1  }
0x2: {  	[smem:$0x3F96] =	sst lr;
	_ =	strace $0xD0000000  }
0x3: {  	_ = 	snop  }
0x4: {  	_ = 	snop  }
0x5: {  	_ = 	snop  }
0x6: {  	_ = 	snop  }
0x7: {  	_ = 	snop  }
__scs_overlays_trampoline_lowered:
0x8: {  	[smem:$0x3FA5] =	sst s0  }
0x9: {  	[smem:$0x3FA6] =	sst s1  }
0xa: {  	[smem:$0x3FA7] =	sst s2  }
0xb: {  	[smem:$0x3FA8] =	sst s3  }
0xc: {  	[smem:$0x3FA9] =	sst s4  }
0xd: {  	[smem:$0x3FAA] =	sst s5  }
0xe: {  	[smem:$0x3FAB] =	sst s6  }
0xf: {  	[smem:$0x3FAC] =	sst s7  }
0x10: {  	[smem:$0x3FAD] =	sst s8  }
0x11: {  	[smem:$0x3FAE] =	sst s9;
	s0 =	simm.s32 @!p0 $0x0  }
0x12: {  	s1 =	sld [smem:$0x3F94];
	s0 =	simm.s32 @p0 $0x1  }
0x13: {  	[smem:$0x3FAF] =	sst s0;
	s0 =	simm.s32 @!p1 $0x0  }
0x14: {  	s2 =	sld [smem:$0x3F93];
	s0 =	simm.s32 @p1 $0x1  }
0x15: {  	[smem:$0x3FB0] =	sst s0;
	s0 =	simm.s32 @!p2 $0x0  }
0x16: {  	s3 =	sld [smem:$0x3FDB];
	s0 =	simm.s32 @p2 $0x1  }
0x17: {  	s4 =	simm.s32 $0x1BF5;
	[smem:$0x3FB2] =	sst s0  }
0x18: {  	s0 =	sld [smem:$0x3F95];
	_ =	swait.ge [sflag:s4], $0x0  }
0x19: {  	s7 =	sld [smem:$0x3F96]  }
0x1a: {  	s8 =	sadd.s32 $0xFFFFE003, lr  }
0x1b: {  	s9 =	sadd.s32 $0xFFFFFEF7, lr;
	s5 =	simm.s32 $0xFFFFFFFF;
	p2 =	slt.u32 s8, $0xFFFFF086  }
0x1c: {  	p1 =	slt.u32 s9, $0xF7A;
	s5 =	simm.s32 @!p2 $0x0  }
0x1d: {  	s5 =	simm.s32 @p1 $0x1;
	p0 =	seq.s32 s7, s2  }
0x1e: {  	s7 =	smul.u32 @!p0 $0xF7A, s2;
	p2 =	seq.s32 @!p0 s5, $0x0  }
0x1f: {  	s9 =	smul.u32 $0xF7A, s1;
	s8 =	simm.s32 @!p0 $0x1BF5;
	p2 =	por !p2, p0  }
0x20: {  	[sflag:s8] =	ssyncset.s32 @!p0 $0xFFFFF086;
	s6 =	sadd.s32 @!p0 s3, s7;
	s7 =	simm.s32 @!p0 $0x108  }
0x21: {  	s3 =	sadd.s32 s3, s9;
	s6 =	sadd.s32 @!p0 $0x88, s6;
	s7 =	simm.s32 @p2 $0x1082  }
0x22: {  	[simem:s7], [sflag:s8] =	dma.local @!p0 [hbm:s6], $0xF7A  }
0x23: {  	s9 =	sor.u32 $0xD0000000, s2;
	s6 =	simm.s32 $0x108;
	_ =	swait.ge @!p0 [sflag:s8], $0x0  }
0x24: {  	s3 =	sadd.s32 $0x88, s3;
	s6 =	simm.s32 @!p1 $0x1082;
	[sflag:s4] =	ssyncset.s32 $0xFFFFF086  }
0x25: {  	[simem:s6], [sflag:s4] =	dma.local [hbm:s3], $0xF7A  }
0x26: {  	[smem:$0x3F96] =	sst s1;
	(tag) =	ssettag s2;
	_ =	strace s9  }
0x27: {  	s1 =	sld [smem:$0x3FA6]  }
0x28: {  	s2 =	sld [smem:$0x3FA7]  }
0x29: {  	s4 =	sld [smem:$0x3FA9]  }
0x2a: {  	p0 =	seq.s32 s5, $0x0;
	s5 =	sld [smem:$0x3FAA]  }
0x2b: {  	s6 =	sld [smem:$0x3FAB]  }
0x2c: {  	s7 =	sld [smem:$0x3FAC]  }
0x2d: {  	s3 =	simm.s32 $0x108;
	s8 =	sld [smem:$0x3FAD]  }
0x2e: {  	s3 =	simm.s32 @!p0 $0x1082;
	s9 =	sld [smem:$0x3FAE]  }
0x2f: {  	lr =	sadd.s32 s0, s3;
	s0 =	sld [smem:$0x3FA5]  }
0x30: {  	s3 =	sld [smem:$0x3FA8]  }
0x31: {  	[smem:$0x3FB1] =	sst s10  }
0x32: {  	s10 =	sld [smem:$0x3FAF];
	_ =	sdelay $0x3  }
0x33: {  	p0 =	seq.s32 s10, $0x1;
	s10 =	sld [smem:$0x3FB1];
	_ =	sdelay $0x3  }
0x34: {  	[smem:$0x3FB1] =	sst s10  }
0x35: {  	s10 =	sld [smem:$0x3FB0];
	_ =	sdelay $0x3  }
0x36: {  	p1 =	seq.s32 s10, $0x1;
	s10 =	sld [smem:$0x3FB1];
	_ =	sdelay $0x3  }
0x37: {  	[smem:$0x3FB1] =	sst s10  }
0x38: {  	s10 =	sld [smem:$0x3FB2]  }
0x39: {  	_ = 	snop;
	(pc) =	sbr.ind lr, $3  }
0x3a: {  	_ = 	snop  }
0x3b: {  	_ = 	snop  }
0x3c: {  	p2 =	seq.s32 s10, $0x1;
	s10 =	sld [smem:$0x3FB1]  }
0x3d: {  	_ =	shalt  }
0x3e: {  	_ =	shalt  }
0x3f: {  	_ =	shalt  }
0x40: {  	_ =	shalt  }
0x41: {  	_ =	shalt  }
0x42: {  	_ =	shalt  }
0x43: {  	_ =	shalt  }
0x44: {  	_ =	shalt  }
0x45: {  	_ =	shalt  }
0x46: {  	_ =	shalt  }
0x47: {  	_ =	shalt  }
0x48: {  	_ =	shalt  }
0x49: {  	_ =	shalt  }
0x4a: {  	_ =	shalt  }
0x4b: {  	_ =	shalt  }
0x4c: {  	_ =	shalt  }
0x4d: {  	_ =	shalt  }
0x4e: {  	_ =	shalt  }
0x4f: {  	_ =	shalt  }
0x50: {  	_ =	shalt  }
0x51: {  	_ =	shalt  }
0x52: {  	_ =	shalt  }
0x53: {  	_ =	shalt  }
0x54: {  	_ =	shalt  }
0x55: {  	_ =	shalt  }
0x56: {  	_ =	shalt  }
0x57: {  	_ =	shalt  }
0x58: {  	_ =	shalt  }
0x59: {  	_ =	shalt  }
0x5a: {  	_ =	shalt  }
0x5b: {  	_ =	shalt  }
0x5c: {  	_ =	shalt  }
0x5d: {  	_ =	shalt  }
0x5e: {  	_ =	shalt  }
0x5f: {  	_ =	shalt  }
0x60: {  	_ =	shalt  }
0x61: {  	_ =	shalt  }
0x62: {  	_ =	shalt  }
0x63: {  	_ =	shalt  }
0x64: {  	_ =	shalt  }
0x65: {  	_ =	shalt  }
0x66: {  	_ =	shalt  }
0x67: {  	_ =	shalt  }
0x68: {  	_ =	shalt  }
0x69: {  	_ =	shalt  }
0x6a: {  	_ =	shalt  }
0x6b: {  	_ =	shalt  }
0x6c: {  	_ =	shalt  }
0x6d: {  	_ =	shalt  }
0x6e: {  	_ =	shalt  }
0x6f: {  	_ =	shalt  }
0x70: {  	_ =	shalt  }
0x71: {  	_ =	shalt  }
0x72: {  	_ =	shalt  }
0x73: {  	_ =	shalt  }
0x74: {  	_ =	shalt  }
0x75: {  	_ =	shalt  }
0x76: {  	_ =	shalt  }
0x77: {  	_ =	shalt  }
0x78: {  	_ =	shalt  }
0x79: {  	_ =	shalt  }
0x7a: {  	_ =	shalt  }
0x7b: {  	_ =	shalt  }
0x7c: {  	_ =	shalt  }
0x7d: {  	_ =	shalt  }
0x7e: {  	_ =	shalt  }
0x7f: {  	_ =	shalt  }
0x80: {  	_ =	shalt  }
0x81: {  	_ =	shalt  }
0x82: {  	_ =	shalt  }
0x83: {  	_ =	shalt  }
0x84: {  	_ =	shalt  }
0x85: {  	_ =	shalt  }
0x86: {  	_ =	shalt  }
0x87: {  	_ =	shalt  }
.Lfunc_end0:
.L_simem_size_0:
called_computation_lowered:
.L_overlay_start_0:
0x88: {  	s2 =	sld [smem:$0x3FD9]  }
0x89: {  	s3 =	sld [smem:$0x3FFE];
	_ =	sdelay $0x1  }
0x8a: {  	s1 =	srdreg.scid  }
0x8b: {  	s0 =	sand.u32 $0x1, s1  }
0x8c: {  	s16 =	sshll.u32 s0, $0xA;
	s2 =	sadd.s32 s3, s2  }
0x8d: {  	s2 =	sadd.s32 s2, s16  }
0x8e: {  	[smem:$0x3FBD] =	sst s2  }
0x8f: {  	_ = 	snop  }
0x90: {  	(tm) =	ssettm $0x1  }
0x91: {  	s17 =	sld [smem:$0x3FFB];
	_ =	sdelay $0x3  }
0x92: {  	_ =	strace s17  }
0x93: {  	s2 =	sld [smem:$0x3FFC];
	_ =	sdelay $0x3  }
0x94: {  	_ =	strace s2  }
0x95: {  	s2 =	sld [smem:$0x3FFD];
	_ =	sdelay $0x3  }
0x96: {  	_ =	strace s2  }
0x97: {  	_ =	strace $0x8FFFFFFF  }
0x98: {  	s18 =	sld [smem:$0x3FDB];
	_ =	sdelay $0x1  }
0x99: {  	s19 =	simm.s32 $_scs_section_size  }
0x9a: {  	s4 =	simm.s32 $_size__tile_overlayer_lowered;
	s5 =	simm.s32 $_tile_overlayer_lowered  }
0x9b: {  	s22 =	simm.s32 $0x1BFF;
	s21 =	sshll.u32 s5, $0x1;
	s2 =	sadd.s32 s19, s18  }
0x9c: {  	s6 =	simm.s32 $0x0;
	s20 =	sshll.u32 s4, $0x1;
	s4 =	sadd.s32 s21, s2  }
0x9d: {  	[timem:s6], [sflag:s22] =	dma.local [hbm:s4], s20  }
0x9e: {  	_ =	swait.ge [sflag:s22], s20  }
0x9f: {  	s3 =	ssub.s32 $0x0, s20;
	[sflag:s22] =	ssyncset.done $0x0  }
0xa0: {  	[sflag:s22] =	ssyncadd.s32 s3;
	_ =	sdelay $0x1  }
0xa1: {  	s23 =	simm.s32 $0x1B8B  }
0xa2: {  	_ =	swait.ge [sflag:s23], $0x1  }
0xa3: {  	[sflag:s23] =	ssyncset.done $0x0  }
0xa4: {  	s25 =	simm.s32 $0x1B8E;
	s24 =	sld [smem:$0x3FFE];
	[sflag:s23] =	ssyncadd.s32 $0xFFFFFFFF  }
0xa5: {  	s26 =	simm.s32 $execute0_lowered;
	[smem:$0x3FD2] =	sst s25  }
0xa6: {  	s4 =	sshll.u32 s26, $0x1;
	_ =	strace $0x80000046;
	[dreg:$0x1] =	wrdreg $0xFFFFFFFF  }
0xa7: {  	s28 =	simm.s32 $_size_execute0_lowered;
	s2 =	sadd.s32 s2, s4;
	[dreg:$0x0] =	wrdreg $0x0  }
0xa8: {  	s4 =	sshll.u32 s28, $0x1;
	[dreg:$0x2] =	wrdreg s2  }
0xa9: {  	[dreg:$0x3] =	wrdreg s4  }
0xaa: {  	[dreg:$0x4] =	wrdreg $0xC0  }
0xab: {  	_ =	task [dreg:s6], $0x5FFFF  }
0xac: {  	[dreg:$0x1] =	wrdreg $0xFFFFFFFF  }
0xad: {  	[dreg:$0x0] =	wrdreg $0x60  }
0xae: {  	[dreg:$0x2] =	wrdreg s24  }
0xaf: {  	[dreg:$0x3] =	wrdreg $0xC3800  }
0xb0: {  	[dreg:$0x4] =	wrdreg $0x1FC800  }
0xb1: {  	[dreg:$0x5] =	wrdreg $0x9  }
0xb2: {  	_ =	task.clear_ibuf [dreg:s6], $0x6FFFF;
	_ =	strace $0x90000046  }
0xb3: {  	s29 =	simm.s32 $0x9;
	_ =	strace $0x80000048  }
0xb4: {  	_ =	swait.ge [sflag:s29], $0x1  }
0xb5: {  	[sflag:s29] =	ssyncadd.s32 $0xFFFFFFFF  }
0xb6: {  	_ =	strace $0x90000048  }
0xb7: {  	_ =	sfence  }
0xb8: {  	s30 =	sld [smem:$0x0];
	_ =	sdelay $0x2  }
0xb9: {  	s31 =	sshll.u32 s1, $0xD;
	s1 =	sshrl.u32 s1, $0x2  }
0xba: {  	s3 =	sand.u32 $0x4000, s31;
	s1 =	sadd.s32 s1, s30  }
0xbb: {  	s0 =	sor.u32 s3, s0;
	s1 =	sshll.u32 s1, $0x11  }
0xbc: {  	s0 =	sor.u32 s1, s0  }
0xbd: {  	s0 =	sadd.s32 $0x8F2B, s0  }
0xbe: {  	[sflag:s0] =	ssyncadd.remote.s32 $0x1  }
0xbf: {  	_ =	sfence.sel $0xFFFF  }
0xc0: {  	[dreg:$0x0] =	wrdreg $0xFFFFFFFF;
	(pc) =	sbr.abs _section_cstart, $3  }
0xc1: {  	[dreg:$0x1] =	wrdreg $0xFFFFFFFF  }
0xc2: {  	_ =	task.clear_ibuf [dreg:s6], $0x2FFFF;
	_ =	strace $0x9FFFFFFF  }
0xc3: {  	(tm) =	ssettm $0x7FFFFFFF  }
tec
execute0_lowered:
.L_overlay_start_1:
0x0: {  	(tag) =	ssettag $0x1  }
0x1: {  	s0 =	rddreg [dreg:$0x0]  }
0x2: {  	s1 =	rddreg [dreg:$0x1]  }
0x3: {  	s2 =	rddreg [dreg:$0x2]  }
0x4: {  	s3 =	simm.s32 $0x0;
	s4 =	srdreg.scid;
	s15 =	stileid.u32  }
0x5: {  	s28 =	simm.s32 $0x80;
	s29 =	simm.s32 $0xC300;
	s30 =	simm.s32 $0x4  }
0x6: {  	s31 =	simm.s32 $0x8;
	[smem:$0x7FF] =	sst s3;
	s5 =	sand.u32 $0x1, s4  }
0x7: {  	s7 =	sadd.s32 $0x2A600, s0;
	s4 =	sadd.s32 $0x3400, s0;
	s8 =	sadd.s32 $0x3E200, s0  }
0x8: {  	s24 =	sadd.s32 $0x40A00, s0;
	s25 =	sadd.s32 $0x68E00, s0;
	s9 =	sadd.s32 $0x41C00, s0  }
0x9: {  	s13 =	smul.u32 $0x4E400, s15;
	s10 =	sadd.s32 $0x41000, s0;
	s0 =	sadd.s32 $0x41600, s0  }
0xa: {  	s19 =	sshll.u32 s15, $0x6;
	_ =	strace $0x80000047;
	[dreg:$0x4] =	wrdreg s8  }
0xb: {  	p2 =	sne.s32 s15, $0xF;
	p3 =	seq.s32 s15, $0xF;
	[dreg:$0x5] =	wrdreg s24  }
0xc: {  	s20 =	smul.u32 $0x50000, s15;
	p5 =	sne.s32 s15, $0x0;
	[dreg:$0x8] =	wrdreg s10  }
0xd: {  	s6 =	sshll.u32 s5, $0x4;
	s12 =	ssub.s32 $0x2, s5;
	[dreg:$0x9] =	wrdreg s0  }
0xe: {  	p0 =	seq.s32 s5, $0x0;
	s10 =	simm.s32 @!p3 $0x0;
	[dreg:$0x6] =	wrdreg s25  }
0xf: {  	s22 =	smul.u32 $0x9E00, s5;
	[dreg:$0x7] =	wrdreg s9;
	s23 =	sor.u32 s15, s6  }
0x10: {  	s14 =	sshrl.u32 s12, $0x1;
	s18 =	sshrl.u32 s13, $0x2;
	p1 =	por !p0, !p2  }
0x11: {  	s10 =	simm.s32 @p3 $0x1;
	p0 =	por !p0, !p3;
	s11 =	smul.u32 $0x9E0, s23  }
0x12: {  	s21 =	sshrl.u32 s20, $0x2;
	s20 =	simm.s32 $0xD;
	s8 =	smul.u32 $0x4F00, s23  }
0x13: {  	s26 =	ssub.s32 s12, s14;
	s16 =	sadd.s32 s18, s1;
	s12 =	sor.u32 $0x1C0D, s19  }
0x14: {  	[smem:$0x7FB] =	sst s10;
	p1 =	por !p1, !p1;
	p0 =	por !p0, !p0  }
0x15: {  	s18 =	sadd.s32 $0x12C000, s1;
	s14 =	sadd.s32 s21, s1;
	s0 =	smax.u32 s26, $0x1  }
0x16: {  	s19 =	smul.u32 $0x9E0, s15;
	s26 =	sshrl.u32 s18, $0x3;
	[dreg:$0xe] =	wrdreg s0  }
0x17: {  	s21 =	simm.s32 $0x7;
	s17 =	sadd.s32 s7, s11;
	[dreg:$0x11] =	wrdreg s26  }
0x18: {  	s8 =	sshrl.u32 s8, $0x3;
	s26 =	simm.s32 $0xA;
	[dreg:$0xa] =	wrdreg s17  }
0x19: {  	s8 =	sadd.s32 s7, s8;
	s17 =	smul.u32 $0x2800, s15;
	s7 =	sadd.s32 s22, s7  }
0x1a: {  	s22 =	simm.s32 $0x1;
	s8 =	sadd.s32 $0x20, s8;
	s24 =	sadd.s32 s19, s7  }
0x1b: {  	s7 =	simm.s32 $0x9;
	[dreg:$0xb] =	wrdreg s8;
	s8 =	simm.s32 @!p0 $0x0  }
0x1c: {  	s6 =	sadd.s32 s25, s17;
	s23 =	sadd.s32 s9, s17;
	s0 =	sadd.s32 $0x40, s24  }
0x1d: {  	s25 =	sshrl.u32 s16, $0x3;
	s24 =	simm.s32 $0x300;
	[dreg:$0xc] =	wrdreg s6  }
0x1e: {  	s8 =	simm.s32 @p0 $0x1;
	p0 =	seq.s32 s5, $0x1;
	[dreg:$0xd] =	wrdreg s23  }
.Ltmp0:
0x1f: {  	s5 =	sor.u32 s15, s5;
	[dreg:$0xf] =	wrdreg s0;
	(pc) =	sbr.rel .LBB2_1-.Ltmp0, $4  }
0x20: {  	[dreg:$0x10] =	wrdreg s25;
	s23 =	simm.s32 $0x40;
	s0 =	simm.s32 $0xB  }
0x21: {  	s15 =	simm.s32 $0xC;
	s25 =	simm.s32 $0x0;
	s6 =	simm.s32 @!p0 $0x0  }
0x22: {  	[smem:$0x7FC] =	sst s8;
	s6 =	simm.s32 @p0 $0x1;
	p0 =	por !p2, !p0  }
0x23: {  	v0 =	vimm.f32 $1.000000000e+00;
	p6 =	sne.s32 s5, $0x0;
	[smem:$0x7FD] =	sst s6;
	p4 =	por !p0, !p0  }
.LBB2_8:
0x24: {  	s5 =	sadd.s32 $0x25800, s5;
	s6 =	rddreg [dreg:$0x11]  }
0x25: {  	[hbm:s5], [sflag:s12] =	dma.local [spmem:s6], $0x1900  }
0x26: {  	_ =	swait.ge [sflag:s20], $0x1900  }
0x27: {  	[sflag:s20] =	ssyncset.done $0x0  }
0x28: {  	[sflag:s20] =	ssyncadd.s32 $0xFFFFE700  }
.LBB2_9:
0x29: {  	s5 =	sshrl.u32 @!p6 s2, $0x3;
	s6 =	rddreg [dreg:$0x8]  }
0x2a: {  	[hbm:s6], [sflag:s12] =	dma.local @!p6 [spmem:s5], $0x4F0  }
0x2b: {  	s5 =	simm.s32 @!p6 $0xD  }
0x2c: {  	p0 =	por !p2, !p2;
	_ =	swait.ge @!p6 [sflag:s5], $0x4F0  }
0x2d: {  	p0 =	por p5, p0;
	[sflag:s5] =	ssyncset.done @!p6 $0x0  }
0x2e: {  	s6 =	rddreg [dreg:$0x9];
	[sflag:s5] =	ssyncadd.s32 @!p6 $0xFFFFFB10;
	s5 =	sshrl.u32 @!p0 s2, $0x3  }
0x2f: {  	[hbm:s6], [sflag:s12] =	dma.local @!p0 [spmem:s5], $0x4F0  }
0x30: {  	s5 =	simm.s32 @!p0 $0xD  }
0x31: {  	_ =	swait.ge @!p0 [sflag:s5], $0x4F0  }
0x32: {  	s25 =	sadd.s32 $0x1, s25;
	s19 =	rddreg [dreg:$0xe]  }
0x33: {  	p2 =	sne.s32 s25, s19  }
.Ltmp1:
0x34: {  	_ = 	snop;
	(pc) =	sbr.rel @!p2 .LBB2_10-.Ltmp1, $3  }
0x35: {  	_ =	sdelay $0x1  }
0x36: {  	[sflag:s5] =	ssyncset.done @!p0 $0x0  }
0x37: {  	[sflag:s5] =	ssyncadd.s32 @!p0 $0xFFFFFB10  }
.LBB2_1:
0x38: {  	[tilespmem:$0xC300] =	vst v0  }
0x39: {  	[tilespmem:$0xC310] =	vst v0  }
0x3a: {  	[tilespmem:$0xC320] =	vst v0  }
0x3b: {  	[tilespmem:$0xC330] =	vst v0  }
0x3c: {  	[tilespmem:$0xC340] =	vst v0  }
0x3d: {  	[tilespmem:$0xC350] =	vst v0;
	s5 =	rddreg [dreg:$0xa]  }
0x3e: {  	[tilespmem:$0xC360] =	vst v0;
	s16 =	rddreg [dreg:$0x4]  }
0x3f: {  	[tilespmem:$0xC370] =	vst v0;
	s6 =	rddreg [dreg:$0x10]  }
0x40: {  	[tilespmem:s3], [sflag:$0x1] =	stream.linear.gather [hbm4b:s5+s3], $0x100, $0x38;
	[tilespmem:$0x1FEF8] =	vst v63  }
0x41: {  	[spmem:s6], [sflag:s12] =	dma.local [hbm:s16], $0x2720  }
0x42: {  	_ =	swait.ge [sflag:s20], $0x2720  }
0x43: {  	[sflag:s20] =	ssyncset.done $0x0  }
0x44: {  	s5 =	sshrl.u32 @!p5 s2, $0x3;
	s6 =	rddreg [dreg:$0x5];
	[sflag:s20] =	ssyncadd.s32 $0xFFFFD8E0  }
0x45: {  	[spmem:s5], [sflag:s12] =	dma.local @!p5 [hbm:s6], $0x4F0  }
0x46: {  	s5 =	simm.s32 @!p5 $0xD  }
0x47: {  	_ =	swait.ge @!p5 [sflag:s5], $0x4F0  }
0x48: {  	[sflag:s5] =	ssyncset.done @!p5 $0x0  }
0x49: {  	[sflag:s5] =	ssyncadd.s32 @!p5 $0xFFFFFB10  }
0x4a: {  	[bflag:$0x0] =	sbarrier.arrive $0xFFFF  }
0x4b: {  	s18 =	simm.s32 $0x100;
	s17 =	rddreg [dreg:$0xb]  }
0x4c: {  	[tilespmem:s18], [sflag:$0x2] =	stream.linear.gather [hbm4b:s17+s3], $0x100, $0x38;
	[tilespmem:$0x1FEF8] =	vst v63  }
0x4d: {  	_ =	swait.ge [sflag:s22], $0x100  }
0x4e: {  	[sflag:s22] =	ssyncset.done $0x0  }
0x4f: {  	[sflag:s22] =	ssyncadd.s32 $0xFFFFFF00  }
0x50: {  	[tilespmem:s24], [sflag:$0x4] =	stream.indirect.gather [hbm4b:s4+s23], $0x80, s3, s23, $0xb8;
	[tilespmem:$0x1FEF8] =	vst v63  }
0x51: {  	s19 =	simm.s32 $0x2300;
	s16 =	simm.s32 $0x0;
	s18 =	rddreg [dreg:$0xf]  }
0x52: {  	[tilespmem:s19], [sflag:$0x4] =	stream.indirect.gather [hbm4b:s4+s23], $0x80, s23, s23, $0xb8;
	[tilespmem:$0x1FEF8] =	vst v63  }
.LBB2_2:
0x53: {  	s6 =	smul.u32 $0xAB, s16;
	_ =	sdelay $0x1  }
0x54: {  	s5 =	sadd.s32 $0xAB, s6  }
0x55: {  	s9 =	sand.u32 $0xFF, s16;
	s5 =	sshrl.u32 s5, $0x9  }
0x56: {  	s9 =	smul.u32 $0xAB, s9;
	s5 =	sand.u32 $0x7F, s5  }
0x57: {  	s5 =	smul.u32 $0x3, s5;
	_ =	sdelay $0x1  }
0x58: {  	s9 =	sshrl.u32 s9, $0x9;
	s5 =	ssub.s32 s16, s5  }
0x59: {  	s9 =	smul.u32 $0x3, s9;
	s5 =	sadd.s32 $0x1, s5  }
0x5a: {  	s6 =	sadd.s32 $0x156, s6;
	s5 =	sand.u32 $0xFF, s5  }
0x5b: {  	s6 =	sshrl.u32 s6, $0x9;
	s9 =	ssub.s32 s16, s9;
	s10 =	sadd.s32 $0x1, s5  }
0x5c: {  	s6 =	sand.u32 $0x7F, s6;
	s9 =	sand.u32 $0xFF, s9;
	_ =	swait.ge [sflag:s10], $0x100  }
0x5d: {  	s19 =	sshll.u32 s5, $0xE;
	s13 =	sshll.u32 s5, $0x8;
	[sflag:s10] =	ssyncset.done $0x0  }
0x5e: {  	s17 =	sor.u32 $0x4, s5;
	s11 =	sor.u32 $0x300, s19;
	[sflag:s10] =	ssyncadd.s32 $0xFFFFFF00  }
0x5f: {  	[tilespmem:s11], [sflag:s17] =	stream.indirect.gather [hbm4b:s4+s23], $0x80, s13, s23, $0xb8;
	[tilespmem:$0x1FEF8] =	vst v63  }
0x60: {  	s8 =	sor.u32 $0x4, s9;
	s10 =	sor.u32 $0x2300, s19;
	s19 =	sor.u32 $0x40, s13  }
0x61: {  	[tilespmem:s10], [sflag:s17] =	stream.indirect.gather [hbm4b:s4+s23], $0x80, s19, s23, $0xb8;
	[tilespmem:$0x1FEF8] =	vst v63  }
0x62: {  	s6 =	smul.u32 $0x3, s6;
	_ =	swait.ge [sflag:s8], $0x2000  }
0x63: {  	[sflag:s8] =	ssyncset.done $0x0  }
0x64: {  	s6 =	ssub.s32 s16, s6;
	[sflag:s8] =	ssyncadd.s32 $0xFFFFE000  }
0x65: {  	s6 =	sadd.s32 $0x2, s6;
	_ =	swait.ge [sflag:s8], $0x2000  }
0x66: {  	p0 =	seq.s32 s16, $0x0;
	s6 =	sand.u32 $0xFF, s6;
	[sflag:s8] =	ssyncset.done $0x0  }
0x67: {  	s19 =	sshll.u32 s9, $0xE;
	[sflag:s8] =	ssyncadd.s32 $0xFFFFE000;
	s8 =	sshll.u32 s9, $0x8  }
0x68: {  	s10 =	sor.u32 $0x300, s19;
	s19 =	sor.u32 $0x80, s8;
	s8 =	sadd.s32 $0x7, s9  }
0x69: {  	[spmem:s1] =	stream.indirect.scatter.add.f32 [tilespmem:s10], [sflag:s8], $0x80, s19, s28, $0xb8;
	[tilespmem:$0x1FEF8] =	vst v63  }
0x6a: {  	s10 =	sadd.s32 $0xA, s9;
	s8 =	sadd.s32 @!p0 $0x7, s6  }
0x6b: {  	[spmem:s2] =	stream.indirect.scatter.add.f32 [tilespmem:s29], [sflag:s10], $0x1, s19, s28, $0xb8;
	[tilespmem:$0x1FEF8] =	vst v63  }
0x6c: {  	_ =	swait.ge @!p0 [sflag:s8], $0x4000  }
0x6d: {  	[sflag:s8] =	ssyncset.done @!p0 $0x0  }
0x6e: {  	[sflag:s8] =	ssyncadd.s32 @!p0 $0xFFFFC000;
	s8 =	sadd.s32 @!p0 $0xA, s6  }
0x6f: {  	_ =	swait.ge @!p0 [sflag:s8], $0x80  }
0x70: {  	[sflag:s8] =	ssyncset.done @!p0 $0x0  }
0x71: {  	s19 =	sadd.s32 $0x1, s6;
	[sflag:s8] =	ssyncadd.s32 @!p0 $0xFFFFFF80;
	s8 =	sshll.u32 s6, $0x8  }
0x72: {  	[tilespmem:s8], [sflag:s19] =	stream.linear.gather [hbm4b:s18+s3], $0x100, $0x38;
	[tilespmem:$0x1FEF8] =	vst v63  }
0x73: {  	_ =	swait.ge [sflag:s19], $0x100  }
0x74: {  	s10 =	sshll.u32 s6, $0xE;
	[sflag:s19] =	ssyncset.done $0x0  }
0x75: {  	s6 =	sadd.s32 $0x4, s6;
	[sflag:s19] =	ssyncadd.s32 $0xFFFFFF00;
	s19 =	sor.u32 $0x300, s10  }
0x76: {  	[tilespmem:s19], [sflag:s6] =	stream.indirect.gather [hbm4b:s4+s23], $0x80, s8, s23, $0xb8;
	[tilespmem:$0x1FEF8] =	vst v63  }
0x77: {  	s10 =	sor.u32 $0x2300, s10;
	s8 =	sor.u32 $0x40, s8  }
0x78: {  	[tilespmem:s10], [sflag:s6] =	stream.indirect.gather [hbm4b:s4+s23], $0x80, s8, s23, $0xb8;
	[tilespmem:$0x1FEF8] =	vst v63  }
0x79: {  	_ =	swait.ge [sflag:s17], $0x2000  }
0x7a: {  	[sflag:s17] =	ssyncset.done $0x0  }
0x7b: {  	[sflag:s17] =	ssyncadd.s32 $0xFFFFE000  }
0x7c: {  	p0 =	sgt.u32 s16, $0x4B;
	_ =	swait.ge [sflag:s17], $0x2000  }
.Ltmp2:
0x7d: {  	[sflag:s17] =	ssyncset.done $0x0;
	(pc) =	sbr.rel @p0 .LBB2_4-.Ltmp2, $4  }
0x7e: {  	s19 =	sadd.s32 $0x7, s5;
	[sflag:s17] =	ssyncadd.s32 $0xFFFFE000;
	s17 =	sadd.s32 $0x80, s13  }
0x7f: {  	[spmem:s1] =	stream.indirect.scatter.add.f32 [tilespmem:s11], [sflag:s19], $0x80, s17, s28, $0xb8;
	[tilespmem:$0x1FEF8] =	vst v63  }
0x80: {  	s5 =	sadd.s32 $0xA, s5  }
0x81: {  	[spmem:s2] =	stream.indirect.scatter.add.f32 [tilespmem:s29], [sflag:s5], $0x1, s17, s28, $0xb8;
	[tilespmem:$0x1FEF8] =	vst v63  }
0x82: {  	s5 =	sadd.s32 $0x3, s16  }
0x83: {  	s6 =	sand.u32 $0xFF, s5  }
0x84: {  	s6 =	smul.u32 $0xAB, s6;
	_ =	sdelay $0x1  }
0x85: {  	s6 =	sshrl.u32 s6, $0x9  }
0x86: {  	s6 =	smul.u32 $0x3, s6;
	_ =	sdelay $0x1  }
0x87: {  	s5 =	ssub.s32 s5, s6  }
0x88: {  	s5 =	sand.u32 $0xFF, s5  }
0x89: {  	s13 =	sadd.s32 $0x7, s5  }
0x8a: {  	_ =	swait.ge [sflag:s13], $0x4000  }
0x8b: {  	[sflag:s13] =	ssyncset.done $0x0  }
.Ltmp3:
0x8c: {  	s17 =	sadd.s32 $0xA, s5;
	[sflag:s13] =	ssyncadd.s32 $0xFFFFC000;
	(pc) =	sbr.rel .LBB2_2-.Ltmp3, $4  }
0x8d: {  	s8 =	sadd.s32 $0x20, s18;
	_ =	swait.ge [sflag:s17], $0x80  }
0x8e: {  	s18 =	sadd.s32 $0x40, s18;
	s16 =	sadd.s32 $0x2, s16;
	[sflag:s17] =	ssyncset.done $0x0  }
0x8f: {  	s19 =	sshll.u32 s5, $0x8;
	s5 =	sadd.s32 $0x1, s5;
	[sflag:s17] =	ssyncadd.s32 $0xFFFFFF80  }
0x90: {  	[tilespmem:s19], [sflag:s5] =	stream.linear.gather [hbm4b:s8+s3], $0x100, $0x38;
	[tilespmem:$0x1FEF8] =	vst v63  }
.LBB2_4:
0x91: {  	_ =	swait.ge [sflag:s30], $0x2000  }
0x92: {  	[sflag:s30] =	ssyncset.done $0x0  }
0x93: {  	[sflag:s30] =	ssyncadd.s32 $0xFFFFE000  }
0x94: {  	_ =	swait.ge [sflag:s30], $0x2000  }
0x95: {  	[sflag:s30] =	ssyncset.done $0x0  }
0x96: {  	[sflag:s30] =	ssyncadd.s32 $0xFFFFE000  }
0x97: {  	[spmem:s1] =	stream.indirect.scatter.add.f32 [tilespmem:s24], [sflag:$0x7], $0x80, s28, s28, $0xb8;
	[tilespmem:$0x1FEF8] =	vst v63  }
0x98: {  	_ = 	snop  }
0x99: {  	[spmem:s2] =	stream.indirect.scatter.add.f32 [tilespmem:s29], [sflag:$0xA], $0x1, s28, s28, $0xb8;
	[tilespmem:$0x1FEF8] =	vst v63  }
0x9a: {  	_ =	swait.ge [sflag:s31], $0x4000  }
0x9b: {  	[sflag:s31] =	ssyncset.done $0x0  }
0x9c: {  	[sflag:s31] =	ssyncadd.s32 $0xFFFFC000  }
0x9d: {  	_ =	swait.ge [sflag:s0], $0x80  }
0x9e: {  	[sflag:s0] =	ssyncset.done $0x0  }
0x9f: {  	[sflag:s0] =	ssyncadd.s32 $0xFFFFFF80  }
0xa0: {  	_ =	swait.ge [sflag:s7], $0x4000  }
0xa1: {  	[sflag:s7] =	ssyncset.done $0x0  }
0xa2: {  	[sflag:s7] =	ssyncadd.s32 $0xFFFFC000  }
0xa3: {  	_ =	swait.ge [sflag:s15], $0x80  }
0xa4: {  	[sflag:s15] =	ssyncset.done $0x0  }
0xa5: {  	[sflag:s15] =	ssyncadd.s32 $0xFFFFFF80  }
0xa6: {  	_ =	swait.ge [sflag:s21], $0x4000  }
0xa7: {  	[sflag:s21] =	ssyncset.done $0x0  }
0xa8: {  	[sflag:s21] =	ssyncadd.s32 $0xFFFFC000  }
.Ltmp4:
0xa9: {  	_ =	swait.ge [sflag:s26], $0x80;
	(pc) =	sbr.rel @!p1 .LBB2_6-.Ltmp4, $3  }
0xaa: {  	[sflag:s26] =	ssyncset.done $0x0  }
0xab: {  	[sflag:s26] =	ssyncadd.s32 $0xFFFFFF80  }
0xac: {  	[bflag:$0x0] =	sbarrier.arrive $0xFFFF;
	_ =	sdelay $0x1  }
.Ltmp5:
0xad: {  	s5 =	sshrl.u32 s14, $0x3;
	s6 =	rddreg [dreg:$0xc];
	(pc) =	sbr.rel .LBB2_7-.Ltmp5, $4  }
0xae: {  	[hbm:s6], [sflag:s12] =	dma.local [spmem:s5], $0x2800  }
0xaf: {  	_ =	swait.ge [sflag:s20], $0x2800  }
0xb0: {  	[sflag:s20] =	ssyncset.done $0x0  }
0xb1: {  	p0 =	por $0x0, $0x0;
	[sflag:s20] =	ssyncadd.s32 $0xFFFFD800  }
.LBB2_6:
0xb2: {  	s6 =	sld [smem:$0x7FC];
	_ =	sdelay $0x2  }
0xb3: {  	p3 =	seq.s32 s6, $0x1  }
.Ltmp6:
0xb4: {  	_ = 	snop;
	(pc) =	sbr.rel @p3 .LBB2_8-.Ltmp6, $2  }
0xb5: {  	s5 =	sld [smem:$0x7FB];
	_ =	sdelay $0x2  }
0xb6: {  	p2 =	por $0x0, $0x0;
	p0 =	seq.s32 s5, $0x1;
	s5 =	rddreg [dreg:$0x6]  }
.LBB2_7:
0xb7: {  	s5 =	sshrl.u32 @p4 s14, $0x3;
	s6 =	rddreg [dreg:$0xd]  }
0xb8: {  	[hbm:s6], [sflag:s12] =	dma.local @p4 [spmem:s5], $0x2800  }
0xb9: {  	s6 =	sld [smem:$0x7FD];
	_ =	sdelay $0x2  }
0xba: {  	p2 =	por @p4 $0x1, $0x1;
	p3 =	seq.s32 s6, $0x1  }
0xbb: {  	p2 =	por @!p4 p3, p3  }
0xbc: {  	p0 =	por !p2, !p0  }
0xbd: {  	p0 =	por !p0, !p0  }
.Ltmp7:
0xbe: {  	_ = 	snop;
	(pc) =	sbr.rel @!p0 .LBB2_9-.Ltmp7, $4  }
.Ltmp8:
0xbf: {  	s5 =	simm.s32 @p4 $0xD;
	(pc) =	sbr.rel @p0 .LBB2_8-.Ltmp8, $4  }
0xc0: {  	_ =	swait.ge @p4 [sflag:s5], $0x2800  }
0xc1: {  	[sflag:s5] =	ssyncset.done @p4 $0x0  }
0xc2: {  	[sflag:s5] =	ssyncadd.s32 @p4 $0xFFFFD800;
	s5 =	rddreg [dreg:$0x7]  }
0xc3: {  	_ = 	snop  }
.LBB2_10:
0xc4: {  	_ =	sfence.sel $0x180000  }
0xc5: {  	[bflag:$0x0] =	sbarrier.arrive $0xFFFF  }
0xc6: {  	_ =	strace $0x90000047  }
0xc7: {  	[bflag:$0x2] =	sbarrier.arrive $0xFFFF  }
0xc8: {  	s0 =	rddreg [dreg:$0x3]  }
0xc9: {  	s0 =	sadd.s32 @!p5 $0x100000, s0  }
0xca: {  	[sflag:s0] =	ssyncadd.tile.s32 @!p5 $0x1;
	_ =	shalt  }
.Lfunc_end2:
_tile_overlayer_lowered:
.L_overlay_start_2:
0xcb: {  	(tag) =	ssettag $0x2  }
0xcc: {  	s0 =	rddreg [dreg:$0x0];
	s2 =	stileid.u32  }
0xcd: {  	s1 =	rddreg [dreg:$0x1];
	p0 =	sne.s32 s2, $0x0  }
0xce: {  	s3 =	rddreg [dreg:$0x2];
	[bflag:$0x3] =	sbarrier.arrive $0xFFFF;
	s2 =	simm.s32 @!p0 $0x1C0D  }
0xcf: {  	[timem:s3], [sflag:s2] =	dma.local @!p0 [hbm:s0], s1  }
0xd0: {  	s0 =	simm.s32 @!p0 $0xD  }
0xd1: {  	_ =	swait.ge @!p0 [sflag:s0], s1  }
0xd2: {  	s1 =	ssub.s32 @!p0 $0x0, s1;
	[sflag:s0] =	ssyncset.done @!p0 $0x0  }
0xd3: {  	[sflag:s0] =	ssyncadd.s32 @!p0 s1  }
0xd4: {  	[bflag:$0x3] =	sbarrier.arrive $0xFFFF  }
0xd5: {  	_ =	shalt  }

</sc_bundles>
